<compile_context>
chip_gen: v7x
topology: tpu7x:2x2x1
jax: 0.10.2.dev20260603
libtpu: 0.0.44.dev20260713+nightly
codegen_flags: <defaults>
</compile_context>

<pallas_src>
import functools

import jax
import jax.numpy as jnp
from jax import lax
from jax.experimental import pallas as pl
from jax.experimental.pallas import tpu as pltpu
from jax.experimental.pallas import tpu_sc as plsc

N = 10000
E = 320000
H = 128
NH = 4
HD = H // NH
NET = 16

NC = 2
NS = 16
NW = NC * NS
L = 16

C = 128
CHUNKS = 79
EW = C * CHUNKS
E_PAD = EW * NW
NPAD = 10112
ROWS_PER_SUB = NPAD // NS
NEG_INF = -3.0e38

_ROWS = 1000



def _proj_body(x_ref, wsrc_ref, bsrc_ref, wdst_ref, bdst_ref, xs_ref, xd_ref):
    x = x_ref[...]
    xs_ref[...] = jnp.dot(x, wsrc_ref[...], preferred_element_type=jnp.float32) + bsrc_ref[...]
    xd_ref[...] = jnp.dot(x, wdst_ref[...], preferred_element_type=jnp.float32) + bdst_ref[...]


def _project(x, w_src, b_src, w_dst, b_dst):
    grid = (N // _ROWS,)
    blk_x = pl.BlockSpec((_ROWS, H), lambda i: (i, 0))
    blk_w = pl.BlockSpec((H, H), lambda i: (0, 0))
    blk_b = pl.BlockSpec((1, H), lambda i: (0, 0))
    return pl.pallas_call(
        _proj_body,
        grid=grid,
        in_specs=[blk_x, blk_w, blk_b, blk_w, blk_b],
        out_specs=[blk_x, blk_x],
        out_shape=[
            jax.ShapeDtypeStruct((N, H), jnp.float32),
            jax.ShapeDtypeStruct((N, H), jnp.float32),
        ],
    )(x, w_src, b_src.reshape(1, H), w_dst, b_dst.reshape(1, H))


def _out_body(agg2_ref, sm2_ref, sel_ref, x_ref, wout_ref, bout_ref, task_ref,
              wfilm_ref, bfilm_ref, lng_ref, lnb_ref, o_ref):
    agg = agg2_ref[0] + agg2_ref[1]
    sm = sm2_ref[0] + sm2_ref[1]
    inv = 1.0 / jnp.clip(sm, 1e-12, None)
    invb = jnp.dot(inv, sel_ref[...], preferred_element_type=jnp.float32)
    aggn = agg * invb
    gb = jnp.dot(task_ref[...], wfilm_ref[...], preferred_element_type=jnp.float32) + bfilm_ref[...]
    gamma = gb[:, :H]
    beta = gb[:, H:]
    film = 1.0 + 0.5 * jnp.tanh(gamma)
    a = jnp.dot(aggn, wout_ref[...], preferred_element_type=jnp.float32) + bout_ref[...]
    y = x_ref[...] + a * film + beta
    mu = jnp.mean(y, axis=-1, keepdims=True)
    d = y - mu
    var = jnp.mean(d * d, axis=-1, keepdims=True)
    o_ref[...] = d * jax.lax.rsqrt(var + 1e-5) * lng_ref[...] + lnb_ref[...]


def _out_stage(agg2, sm2, sel, x, w_out, b_out, task, w_film, b_film, ln_g, ln_b):
    grid = (N // _ROWS,)
    blk_agg = pl.BlockSpec((2, _ROWS, H), lambda i: (0, i, 0))
    blk_sm = pl.BlockSpec((2, _ROWS, L), lambda i: (0, i, 0))
    blk_sel = pl.BlockSpec((L, H), lambda i: (0, 0))
    blk_rows = pl.BlockSpec((_ROWS, H), lambda i: (i, 0))
    blk_w = pl.BlockSpec((H, H), lambda i: (0, 0))
    blk_b = pl.BlockSpec((1, H), lambda i: (0, 0))
    blk_film = pl.BlockSpec((H, 2 * H), lambda i: (0, 0))
    blk_gb = pl.BlockSpec((1, 2 * H), lambda i: (0, 0))
    return pl.pallas_call(
        _out_body,
        grid=grid,
        in_specs=[blk_agg, blk_sm, blk_sel, blk_rows, blk_w, blk_b, blk_b,
                  blk_film, blk_gb, blk_b, blk_b],
        out_specs=blk_rows,
        out_shape=jax.ShapeDtypeStruct((N, H), jnp.float32),
    )(agg2, sm2, sel, x, w_out, b_out.reshape(1, H), task.reshape(1, H),
      w_film, b_film.reshape(1, 2 * H), ln_g.reshape(1, H), ln_b.reshape(1, H))



def _sc1_body(xs_hbm, xd_hbm, emb_hbm, att_hbm, srcp_hbm, dstg_hbm, etp_hbm,
              logit_hbm, wmax_hbm,
              att_v, src_v, dst_v, et_v, xs_b, xd_b, e_b, lg_b, q_b, m_b,
              sem0, sem1, sem2):
    cid = lax.axis_index("c")
    sid = lax.axis_index("s")
    wid = sid * NC + cid
    base_w = wid * EW
    pltpu.sync_copy(att_hbm, att_v)
    atts = [att_v[pl.ds(L * j, L)] for j in range(H // L)]
    lanes = lax.iota(jnp.int32, L)
    tidx = [lanes * L + l for l in range(L)]

    def chunk(g, mvec):
        base = base_w + g * C
        pltpu.sync_copy(srcp_hbm.at[pl.ds(base, C)], src_v)
        pltpu.sync_copy(dstg_hbm.at[pl.ds(base, C)], dst_v)
        pltpu.sync_copy(etp_hbm.at[pl.ds(base, C)], et_v)
        cp0 = pltpu.async_copy(xs_hbm.at[src_v], xs_b, sem0)
        cp1 = pltpu.async_copy(xd_hbm.at[dst_v], xd_b, sem1)
        cp2 = pltpu.async_copy(emb_hbm.at[et_v], e_b, sem2)
        cp0.wait()
        cp1.wait()
        cp2.wait()

        def group(t, mvec):
            for u in range(4):
                i = 4 * t + u
                for h in range(NH):
                    acc = None
                    for k in range(2):
                        j = 2 * h + k
                        s = (xs_b[i, pl.ds(L * j, L)]
                             + xd_b[i, pl.ds(L * j, L)]
                             + e_b[i, pl.ds(L * j, L)])
                        cmb = jnp.maximum(s, 0.2 * s)
                        t2 = cmb * atts[j]
                        acc = t2 if acc is None else acc + t2
                    q_b[pl.ds(64 * u + L * h, L)] = acc
            gacc = None
            for l in range(L):
                gl = plsc.load_gather(q_b, [tidx[l]])
                gacc = gl if gacc is None else gacc + gl
            lg_b[pl.ds(L * t, L)] = gacc
            return jnp.maximum(mvec, gacc)

        mvec = lax.fori_loop(0, C // 4, group, mvec)
        pltpu.sync_copy(lg_b, logit_hbm.at[pl.ds(base * NH, C * NH)])
        return mvec

    mvec = lax.fori_loop(0, CHUNKS, chunk,
                         jnp.full((L,), NEG_INF, jnp.float32))
    m_b[...] = mvec
    pltpu.sync_copy(m_b, wmax_hbm.at[pl.ds(wid * L, L)])


def _sc1(xs, xd, emb, attv, srcp, dstg, etp):
    mesh = plsc.VectorSubcoreMesh(core_axis_name="c", subcore_axis_name="s")
    f = pl.kernel(
        _sc1_body,
        out_type=[
            jax.ShapeDtypeStruct((E_PAD * NH,), jnp.float32),
            jax.ShapeDtypeStruct((NW * L,), jnp.float32),
        ],
        mesh=mesh,
        scratch_types=[
            pltpu.VMEM((H,), jnp.float32),
            pltpu.VMEM((C,), jnp.int32),
            pltpu.VMEM((C,), jnp.int32),
            pltpu.VMEM((C,), jnp.int32),
            pltpu.VMEM((C, H), jnp.float32),
            pltpu.VMEM((C, H), jnp.float32),
            pltpu.VMEM((C, H), jnp.float32),
            pltpu.VMEM((C * NH,), jnp.float32),
            pltpu.VMEM((4 * NH * L,), jnp.float32),
            pltpu.VMEM((L,), jnp.float32),
            pltpu.SemaphoreType.DMA,
            pltpu.SemaphoreType.DMA,
            pltpu.SemaphoreType.DMA,
        ],
        compiler_params=pltpu.CompilerParams(needs_layout_passes=False),
    )
    return f(xs, xd, emb, attv, srcp, dstg, etp)


def _sc2_body(xs_hbm, srcp_hbm, dsts_hbm, logit_hbm, wmax_hbm,
              agg_hbm, sm_hbm,
              wm_v, src_v, dst_v, xs_b, lg_b, exf_b, sme_b, red_b,
              aggS, smS, sem0):
    cid = lax.axis_index("c")
    sid = lax.axis_index("s")
    wid = sid * NC + cid
    base_w = wid * EW
    lanes = lax.iota(jnp.int32, L)
    mask4 = lanes < NH
    msg_b = xs_b

    pltpu.sync_copy(wmax_hbm, wm_v)
    mv = wm_v[pl.ds(0, L)]
    for r in range(1, NW):
        mv = jnp.maximum(mv, wm_v[pl.ds(L * r, L)])
    for step in (8, 4, 2, 1):
        red_b[...] = mv
        mv = jnp.maximum(mv, plsc.load_gather(red_b, [lanes ^ step]))
    gmax = mv

    zv = jnp.zeros((L,), jnp.float32)

    def zrow(i, _):
        for j in range(H // L):
            xs_b[i, pl.ds(L * j, L)] = zv
        sme_b[i, pl.ds(0, L)] = zv
        return 0

    lax.fori_loop(0, C, zrow, 0)
    row0 = sid * ROWS_PER_SUB
    for t in range(5):
        rows = C if t < 4 else ROWS_PER_SUB - 4 * C
        pltpu.sync_copy(xs_b.at[pl.ds(0, rows)],
                        aggS.at[pl.ds(row0 + C * t, rows)])
        pltpu.sync_copy(sme_b.at[pl.ds(0, rows)],
                        smS.at[pl.ds(row0 + C * t, rows)])
    plsc.subcore_barrier()

    zrow16 = jnp.zeros((L,), jnp.float32)

    def chunk(g, _):
        base = base_w + g * C
        pltpu.sync_copy(srcp_hbm.at[pl.ds(base, C)], src_v)
        pltpu.sync_copy(dsts_hbm.at[pl.ds(base, C)], dst_v)
        pltpu.sync_copy(logit_hbm.at[pl.ds(base * NH, C * NH)], lg_b)
        cp = pltpu.async_copy(xs_hbm.at[src_v], xs_b, sem0)

        def vexp(t, _):
            exf_b[pl.ds(L * t, L)] = jnp.exp(lg_b[pl.ds(L * t, L)] - gmax)
            return 0

        lax.fori_loop(0, C * NH // L, vexp, 0)
        cp.wait()

        def edge(i, _):
            ev = exf_b[pl.ds(NH * i, L)]
            sme_b[i, :] = jnp.where(mask4, ev, zrow16)
            for h in range(NH):
                eh = ev[h]
                for k in range(2):
                    j = 2 * h + k
                    msg_b[i, pl.ds(L * j, L)] = xs_b[i, pl.ds(L * j, L)] * eh
            return 0

        lax.fori_loop(0, C, edge, 0)
        pltpu.sync_copy(msg_b, aggS.at[dst_v], add=True)
        pltpu.sync_copy(sme_b, smS.at[dst_v], add=True)
        return 0

    lax.fori_loop(0, CHUNKS, chunk, 0)
    plsc.subcore_barrier()
    for t in range(5):
        rows = C if t < 4 else ROWS_PER_SUB - 4 * C
        pltpu.sync_copy(aggS.at[pl.ds(row0 + C * t, rows)],
                        agg_hbm.at[cid, pl.ds(row0 + C * t, rows)])
        pltpu.sync_copy(smS.at[pl.ds(row0 + C * t, rows)],
                        sm_hbm.at[cid, pl.ds(row0 + C * t, rows)])


def _sc2(xs, srcp, dsts, logits, wmax):
    mesh = plsc.VectorSubcoreMesh(core_axis_name="c", subcore_axis_name="s")
    f = pl.kernel(
        _sc2_body,
        out_type=[
            jax.ShapeDtypeStruct((NC, NPAD, H), jnp.float32),
            jax.ShapeDtypeStruct((NC, NPAD, L), jnp.float32),
        ],
        mesh=mesh,
        scratch_types=[
            pltpu.VMEM((NW * L,), jnp.float32),
            pltpu.VMEM((C,), jnp.int32),
            pltpu.VMEM((C,), jnp.int32),
            pltpu.VMEM((C, H), jnp.float32),
            pltpu.VMEM((C * NH,), jnp.float32),
            pltpu.VMEM((C * NH + 2 * L,), jnp.float32),
            pltpu.VMEM((C, L), jnp.float32),
            pltpu.VMEM((L,), jnp.float32),
            pltpu.VMEM_SHARED((NPAD, H), jnp.float32),
            pltpu.VMEM_SHARED((NPAD, L), jnp.float32),
            pltpu.SemaphoreType.DMA,
        ],
        compiler_params=pltpu.CompilerParams(needs_layout_passes=False,
                                             use_tc_tiling_on_sc=False),
    )
    return f(xs, srcp, dsts, logits, wmax)



def kernel(node_embeddings, edge_index, edge_type, task_embedding, W_src,
           b_src, W_dst, b_dst, edge_emb, att, W_out, b_out, ln_gamma,
           ln_beta, W_film, b_film):
    src = edge_index[0].astype(jnp.int32)
    dst = edge_index[1].astype(jnp.int32)
    et = edge_type.astype(jnp.int32)
    pad = E_PAD - E
    srcp = jnp.concatenate([src, jnp.zeros((pad,), jnp.int32)])
    dstg = jnp.concatenate([dst, jnp.zeros((pad,), jnp.int32)])
    dsts = jnp.concatenate([dst, jnp.full((pad,), N, jnp.int32)])
    etp = jnp.concatenate([et, jnp.zeros((pad,), jnp.int32)])
    attv = att.reshape(H)
    sel = jnp.concatenate(
        [jnp.repeat(jnp.eye(NH, dtype=jnp.float32), HD, axis=1),
         jnp.zeros((L - NH, H), jnp.float32)], axis=0)

    xs, xd = _project(node_embeddings, W_src, b_src, W_dst, b_dst)
    logits, wmax = _sc1(xs, xd, edge_emb, attv, srcp, dstg, etp)
    agg2, sm2 = _sc2(xs, srcp, dsts, logits, wmax)
    agg2 = agg2[:, :N, :]
    sm2 = sm2[:, :N, :]
    return _out_stage(agg2, sm2, sel, node_embeddings, W_out, b_out,
                      task_embedding, W_film, b_film, ln_gamma, ln_beta)

# --- scband reference (transcript-rebuilt; emitter-appended) ---
"""Pipeline reference for scband-gatv2-graph-layer-27960237097202 (READ-ONLY COPY).

The authoritative reference and input builder live on the scoring server;
editing this copy changes nothing except your own understanding.
"""

import jax, jax.numpy as jnp
import numpy as np

N = 10000
E = 320000
H = 128
NH = 4
HD = H // NH
NET = 16


def setup_inputs(seed: int = 0) -> dict:
    key = jax.random.key(seed)
    ks = jax.random.split(key, 20)
    s = 1.0 / np.sqrt(H)
    inp = {}
    inp["node_embeddings"] = jax.random.normal(ks[0], (N, H), dtype=jnp.float32)
    inp["edge_index"] = jax.random.randint(ks[1], (2, E), 0, N)
    inp["edge_type"] = jax.random.randint(ks[2], (E,), 0, NET)
    inp["task_embedding"] = jax.random.normal(ks[3], (H,), dtype=jnp.float32)
    inp["W_src"] = jax.random.normal(ks[4], (H, H), dtype=jnp.float32) * s
    inp["b_src"] = jnp.zeros((H,), dtype=jnp.float32)
    inp["W_dst"] = jax.random.normal(ks[5], (H, H), dtype=jnp.float32) * s
    inp["b_dst"] = jnp.zeros((H,), dtype=jnp.float32)
    inp["edge_emb"] = jax.random.normal(ks[6], (NET, H), dtype=jnp.float32) * s
    inp["att"] = jax.random.normal(ks[7], (NH, HD), dtype=jnp.float32) * (1.0 / np.sqrt(HD))
    inp["W_out"] = jax.random.normal(ks[8], (H, H), dtype=jnp.float32) * s
    inp["b_out"] = jnp.zeros((H,), dtype=jnp.float32)
    inp["ln_gamma"] = jnp.ones((H,), dtype=jnp.float32)
    inp["ln_beta"] = jnp.zeros((H,), dtype=jnp.float32)
    inp["W_film"] = jax.random.normal(ks[9], (H, 2 * H), dtype=jnp.float32) * s
    inp["b_film"] = jnp.zeros((2 * H,), dtype=jnp.float32)
    return inp


def reference(node_embeddings, edge_index, edge_type, task_embedding, W_src, b_src, W_dst, b_dst, edge_emb, att, W_out, b_out, ln_gamma, ln_beta, W_film, b_film):
    num_nodes = node_embeddings.shape[0]
    src = edge_index[0]
    dst = edge_index[1]
    x_src = (node_embeddings @ W_src + b_src).reshape(num_nodes, NH, HD)
    x_dst = (node_embeddings @ W_dst + b_dst).reshape(num_nodes, NH, HD)
    e = edge_emb[edge_type].reshape(-1, NH, HD)
    combined = jax.nn.leaky_relu(x_src[src] + x_dst[dst] + e, negative_slope=0.2)
    logits = (combined * att[None, :, :]).sum(axis=-1)  # [E, NH]
    # scatter softmax over destination nodes
    mx = jax.ops.segment_max(logits, dst, num_segments=num_nodes)
    mx = jnp.where(jnp.isfinite(mx), mx, jnp.zeros_like(mx))
    ex = jnp.exp(logits - mx[dst])
    sm = jax.ops.segment_sum(ex, dst, num_segments=num_nodes)
    attn = ex / jnp.clip(sm[dst], 1e-12, None)
    msg = x_src[src] * attn[:, :, None]
    agg = jax.ops.segment_sum(msg, dst, num_segments=num_nodes).reshape(num_nodes, H)
    agg = agg @ W_out + b_out
    gb = task_embedding @ W_film + b_film
    gamma, beta = gb[:H], gb[H:]
    agg = agg * (1.0 + 0.5 * jnp.tanh(gamma))[None, :]
    agg = agg + beta[None, :]
    y = node_embeddings + agg
    mu = y.mean(axis=-1, keepdims=True)
    var = y.var(axis=-1, keepdims=True)
    return (y - mu) / jnp.sqrt(var + 1e-5) * ln_gamma + ln_beta

if __name__ == "__main__":
    import jax
    _d = setup_inputs()
    print(jax.jit(kernel)(*tuple(_d.values())))

</pallas_src>

<mosaic_0001>
#map = affine_map<(d0, d1) -> (0, 0)>
#map1 = affine_map<(d0, d1) -> (0)>
module attributes {stable_mosaic.version = 14 : i64} {
  func.func @_sc1_body(%arg0: i32, %arg1: i32, %arg2: memref<10000x128xf32, #tpu.memory_space<hbm>>, %arg3: memref<10000x128xf32, #tpu.memory_space<hbm>>, %arg4: memref<16x128xf32, #tpu.memory_space<hbm>>, %arg5: memref<128xf32, #tpu.memory_space<hbm>>, %arg6: memref<323584xi32, #tpu.memory_space<hbm>>, %arg7: memref<323584xi32, #tpu.memory_space<hbm>>, %arg8: memref<323584xi32, #tpu.memory_space<hbm>>, %arg9: memref<1294336xf32, #tpu.memory_space<hbm>>, %arg10: memref<512xf32, #tpu.memory_space<hbm>>, %arg11: memref<128xf32, #tpu.memory_space<vmem>>, %arg12: memref<128xi32, #tpu.memory_space<vmem>>, %arg13: memref<128xi32, #tpu.memory_space<vmem>>, %arg14: memref<128xi32, #tpu.memory_space<vmem>>, %arg15: memref<128x128xf32, #tpu.memory_space<vmem>>, %arg16: memref<128x128xf32, #tpu.memory_space<vmem>>, %arg17: memref<128x128xf32, #tpu.memory_space<vmem>>, %arg18: memref<512xf32, #tpu.memory_space<vmem>>, %arg19: memref<256xf32, #tpu.memory_space<vmem>>, %arg20: memref<16xf32, #tpu.memory_space<vmem>>, %arg21: memref<!tpu.dma_semaphore, #tpu.memory_space<semaphore_mem>>, %arg22: memref<!tpu.dma_semaphore, #tpu.memory_space<semaphore_mem>>, %arg23: memref<!tpu.dma_semaphore, #tpu.memory_space<semaphore_mem>>) attributes {dimension_semantics = [#tpu.dimension_semantics<core_parallel>, #tpu.dimension_semantics<subcore_parallel>], iteration_bounds = array<i64: 2, 16>, scalar_prefetch = 0 : i64, scratch_operands = 13 : i64, tpu.core_type = #tpu.core_type<sc_vector_subcore>, window_params = [{transform_indices = #map}, {transform_indices = #map}, {transform_indices = #map}, {transform_indices = #map1}, {transform_indices = #map1}, {transform_indices = #map1}, {transform_indices = #map1}, {transform_indices = #map1}, {transform_indices = #map1}]} {
    %mul3A = arith.constant 2 : i32
    %mul3A_0 = arith.muli %arg1, %mul3A : i32
    %add3A = arith.addi %mul3A_0, %arg0 : i32
    %mul3A_1 = arith.constant 10112 : i32
    %mul3A_2 = arith.muli %add3A, %mul3A_1 : i32
    "tpu.region"() ({
      %run_scoped3A = tpu.sem_alloc : memref<!tpu.dma_semaphore, #tpu.memory_space<semaphore_mem>>
      tpu.enqueue_dma source(%arg5 : memref<128xf32, #tpu.memory_space<hbm>>) target(%arg11 : memref<128xf32, #tpu.memory_space<vmem>>) target_semaphore(%run_scoped3A : memref<!tpu.dma_semaphore, #tpu.memory_space<semaphore_mem>>)
      tpu.wait_dma2 semaphore(%run_scoped3A : memref<!tpu.dma_semaphore, #tpu.memory_space<semaphore_mem>>) src(%arg5 : memref<128xf32, #tpu.memory_space<hbm>>) dst(%arg11 : memref<128xf32, #tpu.memory_space<vmem>>)
      tpu.yield
    }) : () -> ()
    %get3A = arith.constant 0 : index
    %get3A_3 = tpu.vector_load %arg11[%get3A] {strides = array<i32>} : memref<128xf32, #tpu.memory_space<vmem>>, vector<16xf32>,
    %get3A_4 = arith.constant 16 : index
    %get3A_5 = tpu.vector_load %arg11[%get3A_4] {strides = array<i32>} : memref<128xf32, #tpu.memory_space<vmem>>, vector<16xf32>,
    %get3A_6 = arith.constant 32 : index
    %get3A_7 = tpu.vector_load %arg11[%get3A_6] {strides = array<i32>} : memref<128xf32, #tpu.memory_space<vmem>>, vector<16xf32>,
    %get3A_8 = arith.constant 48 : index
    %get3A_9 = tpu.vector_load %arg11[%get3A_8] {strides = array<i32>} : memref<128xf32, #tpu.memory_space<vmem>>, vector<16xf32>,
    %get3A_10 = arith.constant 64 : index
    %get3A_11 = tpu.vector_load %arg11[%get3A_10] {strides = array<i32>} : memref<128xf32, #tpu.memory_space<vmem>>, vector<16xf32>,
    %get3A_12 = arith.constant 80 : index
    %get3A_13 = tpu.vector_load %arg11[%get3A_12] {strides = array<i32>} : memref<128xf32, #tpu.memory_space<vmem>>, vector<16xf32>,
    %get3A_14 = arith.constant 96 : index
    %get3A_15 = tpu.vector_load %arg11[%get3A_14] {strides = array<i32>} : memref<128xf32, #tpu.memory_space<vmem>>, vector<16xf32>,
    %get3A_16 = arith.constant 112 : index
    %get3A_17 = tpu.vector_load %arg11[%get3A_16] {strides = array<i32>} : memref<128xf32, #tpu.memory_space<vmem>>, vector<16xf32>,
    %iota3A = tpu.iota {dimensions = array<i32: 0>} : vector<16xi32>
    %mul3A_18 = arith.constant 16 : i32
    %mul3A_19 = vector.broadcast %mul3A_18 : i32 to vector<16xi32>
    %mul3A_20 = arith.muli %iota3A, %mul3A_19 : vector<16xi32>
    %add3A_21 = arith.constant 0 : i32
    %add3A_22 = vector.broadcast %add3A_21 : i32 to vector<16xi32>
    %add3A_23 = arith.addi %mul3A_20, %add3A_22 : vector<16xi32>
    %mul3A_24 = arith.constant 16 : i32
    %mul3A_25 = vector.broadcast %mul3A_24 : i32 to vector<16xi32>
    %mul3A_26 = arith.muli %iota3A, %mul3A_25 : vector<16xi32>
    %add3A_27 = arith.constant 1 : i32
    %add3A_28 = vector.broadcast %add3A_27 : i32 to vector<16xi32>
    %add3A_29 = arith.addi %mul3A_26, %add3A_28 : vector<16xi32>
    %mul3A_30 = arith.constant 16 : i32
    %mul3A_31 = vector.broadcast %mul3A_30 : i32 to vector<16xi32>
    %mul3A_32 = arith.muli %iota3A, %mul3A_31 : vector<16xi32>
    %add3A_33 = arith.constant 2 : i32
    %add3A_34 = vector.broadcast %add3A_33 : i32 to vector<16xi32>
    %add3A_35 = arith.addi %mul3A_32, %add3A_34 : vector<16xi32>
    %mul3A_36 = arith.constant 16 : i32
    %mul3A_37 = vector.broadcast %mul3A_36 : i32 to vector<16xi32>
    %mul3A_38 = arith.muli %iota3A, %mul3A_37 : vector<16xi32>
    %add3A_39 = arith.constant 3 : i32
    %add3A_40 = vector.broadcast %add3A_39 : i32 to vector<16xi32>
    %add3A_41 = arith.addi %mul3A_38, %add3A_40 : vector<16xi32>
    %mul3A_42 = arith.constant 16 : i32
    %mul3A_43 = vector.broadcast %mul3A_42 : i32 to vector<16xi32>
    %mul3A_44 = arith.muli %iota3A, %mul3A_43 : vector<16xi32>
    %add3A_45 = arith.constant 4 : i32
    %add3A_46 = vector.broadcast %add3A_45 : i32 to vector<16xi32>
    %add3A_47 = arith.addi %mul3A_44, %add3A_46 : vector<16xi32>
    %mul3A_48 = arith.constant 16 : i32
    %mul3A_49 = vector.broadcast %mul3A_48 : i32 to vector<16xi32>
    %mul3A_50 = arith.muli %iota3A, %mul3A_49 : vector<16xi32>
    %add3A_51 = arith.constant 5 : i32
    %add3A_52 = vector.broadcast %add3A_51 : i32 to vector<16xi32>
    %add3A_53 = arith.addi %mul3A_50, %add3A_52 : vector<16xi32>
    %mul3A_54 = arith.constant 16 : i32
    %mul3A_55 = vector.broadcast %mul3A_54 : i32 to vector<16xi32>
    %mul3A_56 = arith.muli %iota3A, %mul3A_55 : vector<16xi32>
    %add3A_57 = arith.constant 6 : i32
    %add3A_58 = vector.broadcast %add3A_57 : i32 to vector<16xi32>
    %add3A_59 = arith.addi %mul3A_56, %add3A_58 : vector<16xi32>
    %mul3A_60 = arith.constant 16 : i32
    %mul3A_61 = vector.broadcast %mul3A_60 : i32 to vector<16xi32>
    %mul3A_62 = arith.muli %iota3A, %mul3A_61 : vector<16xi32>
    %add3A_63 = arith.constant 7 : i32
    %add3A_64 = vector.broadcast %add3A_63 : i32 to vector<16xi32>
    %add3A_65 = arith.addi %mul3A_62, %add3A_64 : vector<16xi32>
    %mul3A_66 = arith.constant 16 : i32
    %mul3A_67 = vector.broadcast %mul3A_66 : i32 to vector<16xi32>
    %mul3A_68 = arith.muli %iota3A, %mul3A_67 : vector<16xi32>
    %add3A_69 = arith.constant 8 : i32
    %add3A_70 = vector.broadcast %add3A_69 : i32 to vector<16xi32>
    %add3A_71 = arith.addi %mul3A_68, %add3A_70 : vector<16xi32>
    %mul3A_72 = arith.constant 16 : i32
    %mul3A_73 = vector.broadcast %mul3A_72 : i32 to vector<16xi32>
    %mul3A_74 = arith.muli %iota3A, %mul3A_73 : vector<16xi32>
    %add3A_75 = arith.constant 9 : i32
    %add3A_76 = vector.broadcast %add3A_75 : i32 to vector<16xi32>
    %add3A_77 = arith.addi %mul3A_74, %add3A_76 : vector<16xi32>
    %mul3A_78 = arith.constant 16 : i32
    %mul3A_79 = vector.broadcast %mul3A_78 : i32 to vector<16xi32>
    %mul3A_80 = arith.muli %iota3A, %mul3A_79 : vector<16xi32>
    %add3A_81 = arith.constant 10 : i32
    %add3A_82 = vector.broadcast %add3A_81 : i32 to vector<16xi32>
    %add3A_83 = arith.addi %mul3A_80, %add3A_82 : vector<16xi32>
    %mul3A_84 = arith.constant 16 : i32
    %mul3A_85 = vector.broadcast %mul3A_84 : i32 to vector<16xi32>
    %mul3A_86 = arith.muli %iota3A, %mul3A_85 : vector<16xi32>
    %add3A_87 = arith.constant 11 : i32
    %add3A_88 = vector.broadcast %add3A_87 : i32 to vector<16xi32>
    %add3A_89 = arith.addi %mul3A_86, %add3A_88 : vector<16xi32>
    %mul3A_90 = arith.constant 16 : i32
    %mul3A_91 = vector.broadcast %mul3A_90 : i32 to vector<16xi32>
    %mul3A_92 = arith.muli %iota3A, %mul3A_91 : vector<16xi32>
    %add3A_93 = arith.constant 12 : i32
    %add3A_94 = vector.broadcast %add3A_93 : i32 to vector<16xi32>
    %add3A_95 = arith.addi %mul3A_92, %add3A_94 : vector<16xi32>
    %mul3A_96 = arith.constant 16 : i32
    %mul3A_97 = vector.broadcast %mul3A_96 : i32 to vector<16xi32>
    %mul3A_98 = arith.muli %iota3A, %mul3A_97 : vector<16xi32>
    %add3A_99 = arith.constant 13 : i32
    %add3A_100 = vector.broadcast %add3A_99 : i32 to vector<16xi32>
    %add3A_101 = arith.addi %mul3A_98, %add3A_100 : vector<16xi32>
    %mul3A_102 = arith.constant 16 : i32
    %mul3A_103 = vector.broadcast %mul3A_102 : i32 to vector<16xi32>
    %mul3A_104 = arith.muli %iota3A, %mul3A_103 : vector<16xi32>
    %add3A_105 = arith.constant 14 : i32
    %add3A_106 = vector.broadcast %add3A_105 : i32 to vector<16xi32>
    %add3A_107 = arith.addi %mul3A_104, %add3A_106 : vector<16xi32>
    %mul3A_108 = arith.constant 16 : i32
    %mul3A_109 = vector.broadcast %mul3A_108 : i32 to vector<16xi32>
    %mul3A_110 = arith.muli %iota3A, %mul3A_109 : vector<16xi32>
    %add3A_111 = arith.constant 15 : i32
    %add3A_112 = vector.broadcast %add3A_111 : i32 to vector<16xi32>
    %add3A_113 = arith.addi %mul3A_110, %add3A_112 : vector<16xi32>
    %broadcast_in_dim3A = arith.constant -3.000000e+38 : f32
    %broadcast_in_dim3A_114 = vector.broadcast %broadcast_in_dim3A : f32 to vector<16xf32>
    %scan3A = arith.constant 0 : i32
    %scan3A_115 = arith.constant 79 : i32
    %scan3A_116 = arith.addi %scan3A, %scan3A_115 : i32
    %scan3A_117 = arith.constant 1 : i32
    %scan3A_118 = scf.for %scan3A_123 = %scan3A to %scan3A_116 step %scan3A_117 iter_args(%scan3A_124 = %broadcast_in_dim3A_114) -> (vector<16xf32>)  : i32 {
      %mul3A_125 = arith.constant 128 : i32
      %mul3A_126 = arith.muli %scan3A_123, %mul3A_125 : i32
      %add3A_127 = arith.addi %mul3A_2, %mul3A_126 : i32
      "tpu.region"() ({
        %run_scoped3A = tpu.sem_alloc : memref<!tpu.dma_semaphore, #tpu.memory_space<semaphore_mem>>
        %dma_start3A_152 = tpu.memref_slice %arg6[%add3A_127] : memref<323584xi32, #tpu.memory_space<hbm>> -> memref<128xi32, #tpu.memory_space<hbm>>
        %dma_start3A_153 = tpu.memref_slice %arg6[%add3A_127] : memref<323584xi32, #tpu.memory_space<hbm>> -> memref<128xi32, #tpu.memory_space<hbm>>
        tpu.enqueue_dma source(%dma_start3A_153 : memref<128xi32, #tpu.memory_space<hbm>>) target(%arg12 : memref<128xi32, #tpu.memory_space<vmem>>) target_semaphore(%run_scoped3A : memref<!tpu.dma_semaphore, #tpu.memory_space<semaphore_mem>>)
        %dma_wait3A_154 = tpu.memref_slice %arg6[%add3A_127] : memref<323584xi32, #tpu.memory_space<hbm>> -> memref<128xi32, #tpu.memory_space<hbm>>
        %dma_wait3A_155 = tpu.memref_slice %arg6[%add3A_127] : memref<323584xi32, #tpu.memory_space<hbm>> -> memref<128xi32, #tpu.memory_space<hbm>>
        tpu.wait_dma2 semaphore(%run_scoped3A : memref<!tpu.dma_semaphore, #tpu.memory_space<semaphore_mem>>) src(%dma_wait3A_155 : memref<128xi32, #tpu.memory_space<hbm>>) dst(%arg12 : memref<128xi32, #tpu.memory_space<vmem>>)
        tpu.yield
      }) : () -> ()
      "tpu.region"() ({
        %run_scoped3A = tpu.sem_alloc : memref<!tpu.dma_semaphore, #tpu.memory_space<semaphore_mem>>
        %dma_start3A_152 = tpu.memref_slice %arg7[%add3A_127] : memref<323584xi32, #tpu.memory_space<hbm>> -> memref<128xi32, #tpu.memory_space<hbm>>
        %dma_start3A_153 = tpu.memref_slice %arg7[%add3A_127] : memref<323584xi32, #tpu.memory_space<hbm>> -> memref<128xi32, #tpu.memory_space<hbm>>
        tpu.enqueue_dma source(%dma_start3A_153 : memref<128xi32, #tpu.memory_space<hbm>>) target(%arg13 : memref<128xi32, #tpu.memory_space<vmem>>) target_semaphore(%run_scoped3A : memref<!tpu.dma_semaphore, #tpu.memory_space<semaphore_mem>>)
        %dma_wait3A_154 = tpu.memref_slice %arg7[%add3A_127] : memref<323584xi32, #tpu.memory_space<hbm>> -> memref<128xi32, #tpu.memory_space<hbm>>
        %dma_wait3A_155 = tpu.memref_slice %arg7[%add3A_127] : memref<323584xi32, #tpu.memory_space<hbm>> -> memref<128xi32, #tpu.memory_space<hbm>>
        tpu.wait_dma2 semaphore(%run_scoped3A : memref<!tpu.dma_semaphore, #tpu.memory_space<semaphore_mem>>) src(%dma_wait3A_155 : memref<128xi32, #tpu.memory_space<hbm>>) dst(%arg13 : memref<128xi32, #tpu.memory_space<vmem>>)
        tpu.yield
      }) : () -> ()
      "tpu.region"() ({
        %run_scoped3A = tpu.sem_alloc : memref<!tpu.dma_semaphore, #tpu.memory_space<semaphore_mem>>
        %dma_start3A_152 = tpu.memref_slice %arg8[%add3A_127] : memref<323584xi32, #tpu.memory_space<hbm>> -> memref<128xi32, #tpu.memory_space<hbm>>
        %dma_start3A_153 = tpu.memref_slice %arg8[%add3A_127] : memref<323584xi32, #tpu.memory_space<hbm>> -> memref<128xi32, #tpu.memory_space<hbm>>
        tpu.enqueue_dma source(%dma_start3A_153 : memref<128xi32, #tpu.memory_space<hbm>>) target(%arg14 : memref<128xi32, #tpu.memory_space<vmem>>) target_semaphore(%run_scoped3A : memref<!tpu.dma_semaphore, #tpu.memory_space<semaphore_mem>>)
        %dma_wait3A_154 = tpu.memref_slice %arg8[%add3A_127] : memref<323584xi32, #tpu.memory_space<hbm>> -> memref<128xi32, #tpu.memory_space<hbm>>
        %dma_wait3A_155 = tpu.memref_slice %arg8[%add3A_127] : memref<323584xi32, #tpu.memory_space<hbm>> -> memref<128xi32, #tpu.memory_space<hbm>>
        tpu.wait_dma2 semaphore(%run_scoped3A : memref<!tpu.dma_semaphore, #tpu.memory_space<semaphore_mem>>) src(%dma_wait3A_155 : memref<128xi32, #tpu.memory_space<hbm>>) dst(%arg14 : memref<128xi32, #tpu.memory_space<vmem>>)
        tpu.yield
      }) : () -> ()
      %dma_start3A = arith.constant 0 : i32
      %dma_start3A_128 = arith.constant 0 : i32
      %dma_start3A_129 = tpu.memref_slice %arg2[%dma_start3A, %dma_start3A_128] : memref<10000x128xf32, #tpu.memory_space<hbm>> -> memref<10000x128xf32, #tpu.memory_space<hbm>>
      tpu.enqueue_indirect_dma source(%dma_start3A_129 : memref<10000x128xf32, #tpu.memory_space<hbm>>) target(%arg15 : memref<128x128xf32, #tpu.memory_space<vmem>>) offsets(%arg12 : memref<128xi32, #tpu.memory_space<vmem>>) semaphore(%arg21 : memref<!tpu.dma_semaphore, #tpu.memory_space<semaphore_mem>>)
      %dma_start3A_130 = arith.constant 0 : i32
      %dma_start3A_131 = arith.constant 0 : i32
      %dma_start3A_132 = tpu.memref_slice %arg3[%dma_start3A_130, %dma_start3A_131] : memref<10000x128xf32, #tpu.memory_space<hbm>> -> memref<10000x128xf32, #tpu.memory_space<hbm>>
      tpu.enqueue_indirect_dma source(%dma_start3A_132 : memref<10000x128xf32, #tpu.memory_space<hbm>>) target(%arg16 : memref<128x128xf32, #tpu.memory_space<vmem>>) offsets(%arg13 : memref<128xi32, #tpu.memory_space<vmem>>) semaphore(%arg22 : memref<!tpu.dma_semaphore, #tpu.memory_space<semaphore_mem>>)
      %dma_start3A_133 = arith.constant 0 : i32
      %dma_start3A_134 = arith.constant 0 : i32
      %dma_start3A_135 = tpu.memref_slice %arg4[%dma_start3A_133, %dma_start3A_134] : memref<16x128xf32, #tpu.memory_space<hbm>> -> memref<16x128xf32, #tpu.memory_space<hbm>>
      tpu.enqueue_indirect_dma source(%dma_start3A_135 : memref<16x128xf32, #tpu.memory_space<hbm>>) target(%arg17 : memref<128x128xf32, #tpu.memory_space<vmem>>) offsets(%arg14 : memref<128xi32, #tpu.memory_space<vmem>>) semaphore(%arg23 : memref<!tpu.dma_semaphore, #tpu.memory_space<semaphore_mem>>)
      %dma_wait3A = arith.constant 0 : i32
      %dma_wait3A_136 = arith.constant 0 : i32
      %dma_wait3A_137 = tpu.memref_slice %arg2[%dma_wait3A, %dma_wait3A_136] : memref<10000x128xf32, #tpu.memory_space<hbm>> -> memref<10000x128xf32, #tpu.memory_space<hbm>>
      tpu.wait_indirect_dma semaphore(%arg21 : memref<!tpu.dma_semaphore, #tpu.memory_space<semaphore_mem>>) src(%dma_wait3A_137 : memref<10000x128xf32, #tpu.memory_space<hbm>>) dst(%arg15 : memref<128x128xf32, #tpu.memory_space<vmem>>)
      %dma_wait3A_138 = arith.constant 0 : i32
      %dma_wait3A_139 = arith.constant 0 : i32
      %dma_wait3A_140 = tpu.memref_slice %arg3[%dma_wait3A_138, %dma_wait3A_139] : memref<10000x128xf32, #tpu.memory_space<hbm>> -> memref<10000x128xf32, #tpu.memory_space<hbm>>
      tpu.wait_indirect_dma semaphore(%arg22 : memref<!tpu.dma_semaphore, #tpu.memory_space<semaphore_mem>>) src(%dma_wait3A_140 : memref<10000x128xf32, #tpu.memory_space<hbm>>) dst(%arg16 : memref<128x128xf32, #tpu.memory_space<vmem>>)
      %dma_wait3A_141 = arith.constant 0 : i32
      %dma_wait3A_142 = arith.constant 0 : i32
      %dma_wait3A_143 = tpu.memref_slice %arg4[%dma_wait3A_141, %dma_wait3A_142] : memref<16x128xf32, #tpu.memory_space<hbm>> -> memref<16x128xf32, #tpu.memory_space<hbm>>
      tpu.wait_indirect_dma semaphore(%arg23 : memref<!tpu.dma_semaphore, #tpu.memory_space<semaphore_mem>>) src(%dma_wait3A_143 : memref<16x128xf32, #tpu.memory_space<hbm>>) dst(%arg17 : memref<128x128xf32, #tpu.memory_space<vmem>>)
      %scan3A_144 = arith.constant 0 : i32
      %scan3A_145 = arith.constant 32 : i32
      %scan3A_146 = arith.addi %scan3A_144, %scan3A_145 : i32
      %scan3A_147 = arith.constant 1 : i32
      %scan3A_148 = scf.for %scan3A_152 = %scan3A_144 to %scan3A_146 step %scan3A_147 iter_args(%scan3A_153 = %scan3A_124) -> (vector<16xf32>)  : i32 {
        %mul3A_154 = arith.constant 4 : i32
        %mul3A_155 = arith.muli %mul3A_154, %scan3A_152 : i32
        %add3A_156 = arith.constant 0 : i32
        %add3A_157 = arith.addi %mul3A_155, %add3A_156 : i32
        %get3A_158 = arith.index_cast %add3A_157 : i32 to index
        %get3A_159 = arith.constant 0 : index
        %get3A_160 = tpu.vector_load %arg15[%get3A_158, %get3A_159] {strides = array<i32>} : memref<128x128xf32, #tpu.memory_space<vmem>>, vector<16xf32>,
        %get3A_161 = arith.index_cast %add3A_157 : i32 to index
        %get3A_162 = arith.constant 0 : index
        %get3A_163 = tpu.vector_load %arg16[%get3A_161, %get3A_162] {strides = array<i32>} : memref<128x128xf32, #tpu.memory_space<vmem>>, vector<16xf32>,
        %add3A_164 = arith.addf %get3A_160, %get3A_163 : vector<16xf32>
        %get3A_165 = arith.index_cast %add3A_157 : i32 to index
        %get3A_166 = arith.constant 0 : index
        %get3A_167 = tpu.vector_load %arg17[%get3A_165, %get3A_166] {strides = array<i32>} : memref<128x128xf32, #tpu.memory_space<vmem>>, vector<16xf32>,
        %add3A_168 = arith.addf %add3A_164, %get3A_167 : vector<16xf32>
        %mul3A_169 = arith.constant 2.000000e-01 : f32
        %mul3A_170 = vector.broadcast %mul3A_169 : f32 to vector<16xf32>
        %mul3A_171 = arith.mulf %mul3A_170, %add3A_168 : vector<16xf32>
        %max3A = arith.maximumf %add3A_168, %mul3A_171 : vector<16xf32>
        %mul3A_172 = arith.mulf %max3A, %get3A_3 : vector<16xf32>
        %get3A_173 = arith.index_cast %add3A_157 : i32 to index
        %get3A_174 = arith.constant 16 : index
        %get3A_175 = tpu.vector_load %arg15[%get3A_173, %get3A_174] {strides = array<i32>} : memref<128x128xf32, #tpu.memory_space<vmem>>, vector<16xf32>,
        %get3A_176 = arith.index_cast %add3A_157 : i32 to index
        %get3A_177 = arith.constant 16 : index
        %get3A_178 = tpu.vector_load %arg16[%get3A_176, %get3A_177] {strides = array<i32>} : memref<128x128xf32, #tpu.memory_space<vmem>>, vector<16xf32>,
        %add3A_179 = arith.addf %get3A_175, %get3A_178 : vector<16xf32>
        %get3A_180 = arith.index_cast %add3A_157 : i32 to index
        %get3A_181 = arith.constant 16 : index
        %get3A_182 = tpu.vector_load %arg17[%get3A_180, %get3A_181] {strides = array<i32>} : memref<128x128xf32, #tpu.memory_space<vmem>>, vector<16xf32>,
        %add3A_183 = arith.addf %add3A_179, %get3A_182 : vector<16xf32>
        %mul3A_184 = arith.constant 2.000000e-01 : f32
        %mul3A_185 = vector.broadcast %mul3A_184 : f32 to vector<16xf32>
        %mul3A_186 = arith.mulf %mul3A_185, %add3A_183 : vector<16xf32>
        %max3A_187 = arith.maximumf %add3A_183, %mul3A_186 : vector<16xf32>
        %mul3A_188 = arith.mulf %max3A_187, %get3A_5 : vector<16xf32>
        %add3A_189 = arith.addf %mul3A_172, %mul3A_188 : vector<16xf32>
        %swap3A_190 = arith.constant 0 : index
        %swap3A_191 = tpu.vector_load %arg19[%swap3A_190] {strides = array<i32>} : memref<256xf32, #tpu.memory_space<vmem>>, vector<16xf32>,
        tpu.vector_store %arg19[%swap3A_190], %add3A_189 {strides = array<i32>} : memref<256xf32, #tpu.memory_space<vmem>>, vector<16xf32>,
        %get3A_192 = arith.index_cast %add3A_157 : i32 to index
        %get3A_193 = arith.constant 32 : index
        %get3A_194 = tpu.vector_load %arg15[%get3A_192, %get3A_193] {strides = array<i32>} : memref<128x128xf32, #tpu.memory_space<vmem>>, vector<16xf32>,
        %get3A_195 = arith.index_cast %add3A_157 : i32 to index
        %get3A_196 = arith.constant 32 : index
        %get3A_197 = tpu.vector_load %arg16[%get3A_195, %get3A_196] {strides = array<i32>} : memref<128x128xf32, #tpu.memory_space<vmem>>, vector<16xf32>,
        %add3A_198 = arith.addf %get3A_194, %get3A_197 : vector<16xf32>
        %get3A_199 = arith.index_cast %add3A_157 : i32 to index
        %get3A_200 = arith.constant 32 : index
        %get3A_201 = tpu.vector_load %arg17[%get3A_199, %get3A_200] {strides = array<i32>} : memref<128x128xf32, #tpu.memory_space<vmem>>, vector<16xf32>,
        %add3A_202 = arith.addf %add3A_198, %get3A_201 : vector<16xf32>
        %mul3A_203 = arith.constant 2.000000e-01 : f32
        %mul3A_204 = vector.broadcast %mul3A_203 : f32 to vector<16xf32>
        %mul3A_205 = arith.mulf %mul3A_204, %add3A_202 : vector<16xf32>
        %max3A_206 = arith.maximumf %add3A_202, %mul3A_205 : vector<16xf32>
        %mul3A_207 = arith.mulf %max3A_206, %get3A_7 : vector<16xf32>
        %get3A_208 = arith.index_cast %add3A_157 : i32 to index
        %get3A_209 = arith.constant 48 : index
        %get3A_210 = tpu.vector_load %arg15[%get3A_208, %get3A_209] {strides = array<i32>} : memref<128x128xf32, #tpu.memory_space<vmem>>, vector<16xf32>,
        %get3A_211 = arith.index_cast %add3A_157 : i32 to index
        %get3A_212 = arith.constant 48 : index
        %get3A_213 = tpu.vector_load %arg16[%get3A_211, %get3A_212] {strides = array<i32>} : memref<128x128xf32, #tpu.memory_space<vmem>>, vector<16xf32>,
        %add3A_214 = arith.addf %get3A_210, %get3A_213 : vector<16xf32>
        %get3A_215 = arith.index_cast %add3A_157 : i32 to index
        %get3A_216 = arith.constant 48 : index
        %get3A_217 = tpu.vector_load %arg17[%get3A_215, %get3A_216] {strides = array<i32>} : memref<128x128xf32, #tpu.memory_space<vmem>>, vector<16xf32>,
        %add3A_218 = arith.addf %add3A_214, %get3A_217 : vector<16xf32>
        %mul3A_219 = arith.constant 2.000000e-01 : f32
        %mul3A_220 = vector.broadcast %mul3A_219 : f32 to vector<16xf32>
        %mul3A_221 = arith.mulf %mul3A_220, %add3A_218 : vector<16xf32>
        %max3A_222 = arith.maximumf %add3A_218, %mul3A_221 : vector<16xf32>
        %mul3A_223 = arith.mulf %max3A_222, %get3A_9 : vector<16xf32>
        %add3A_224 = arith.addf %mul3A_207, %mul3A_223 : vector<16xf32>
        %swap3A_225 = arith.constant 16 : index
        %swap3A_226 = tpu.vector_load %arg19[%swap3A_225] {strides = array<i32>} : memref<256xf32, #tpu.memory_space<vmem>>, vector<16xf32>,
        tpu.vector_store %arg19[%swap3A_225], %add3A_224 {strides = array<i32>} : memref<256xf32, #tpu.memory_space<vmem>>, vector<16xf32>,
        %get3A_227 = arith.index_cast %add3A_157 : i32 to index
        %get3A_228 = arith.constant 64 : index
        %get3A_229 = tpu.vector_load %arg15[%get3A_227, %get3A_228] {strides = array<i32>} : memref<128x128xf32, #tpu.memory_space<vmem>>, vector<16xf32>,
        %get3A_230 = arith.index_cast %add3A_157 : i32 to index
        %get3A_231 = arith.constant 64 : index
        %get3A_232 = tpu.vector_load %arg16[%get3A_230, %get3A_231] {strides = array<i32>} : memref<128x128xf32, #tpu.memory_space<vmem>>, vector<16xf32>,
        %add3A_233 = arith.addf %get3A_229, %get3A_232 : vector<16xf32>
        %get3A_234 = arith.index_cast %add3A_157 : i32 to index
        %get3A_235 = arith.constant 64 : index
        %get3A_236 = tpu.vector_load %arg17[%get3A_234, %get3A_235] {strides = array<i32>} : memref<128x128xf32, #tpu.memory_space<vmem>>, vector<16xf32>,
        %add3A_237 = arith.addf %add3A_233, %get3A_236 : vector<16xf32>
        %mul3A_238 = arith.constant 2.000000e-01 : f32
        %mul3A_239 = vector.broadcast %mul3A_238 : f32 to vector<16xf32>
        %mul3A_240 = arith.mulf %mul3A_239, %add3A_237 : vector<16xf32>
        %max3A_241 = arith.maximumf %add3A_237, %mul3A_240 : vector<16xf32>
        %mul3A_242 = arith.mulf %max3A_241, %get3A_11 : vector<16xf32>
        %get3A_243 = arith.index_cast %add3A_157 : i32 to index
        %get3A_244 = arith.constant 80 : index
        %get3A_245 = tpu.vector_load %arg15[%get3A_243, %get3A_244] {strides = array<i32>} : memref<128x128xf32, #tpu.memory_space<vmem>>, vector<16xf32>,
        %get3A_246 = arith.index_cast %add3A_157 : i32 to index
        %get3A_247 = arith.constant 80 : index
        %get3A_248 = tpu.vector_load %arg16[%get3A_246, %get3A_247] {strides = array<i32>} : memref<128x128xf32, #tpu.memory_space<vmem>>, vector<16xf32>,
        %add3A_249 = arith.addf %get3A_245, %get3A_248 : vector<16xf32>
        %get3A_250 = arith.index_cast %add3A_157 : i32 to index
        %get3A_251 = arith.constant 80 : index
        %get3A_252 = tpu.vector_load %arg17[%get3A_250, %get3A_251] {strides = array<i32>} : memref<128x128xf32, #tpu.memory_space<vmem>>, vector<16xf32>,
        %add3A_253 = arith.addf %add3A_249, %get3A_252 : vector<16xf32>
        %mul3A_254 = arith.constant 2.000000e-01 : f32
        %mul3A_255 = vector.broadcast %mul3A_254 : f32 to vector<16xf32>
        %mul3A_256 = arith.mulf %mul3A_255, %add3A_253 : vector<16xf32>
        %max3A_257 = arith.maximumf %add3A_253, %mul3A_256 : vector<16xf32>
        %mul3A_258 = arith.mulf %max3A_257, %get3A_13 : vector<16xf32>
        %add3A_259 = arith.addf %mul3A_242, %mul3A_258 : vector<16xf32>
        %swap3A_260 = arith.constant 32 : index
        %swap3A_261 = tpu.vector_load %arg19[%swap3A_260] {strides = array<i32>} : memref<256xf32, #tpu.memory_space<vmem>>, vector<16xf32>,
        tpu.vector_store %arg19[%swap3A_260], %add3A_259 {strides = array<i32>} : memref<256xf32, #tpu.memory_space<vmem>>, vector<16xf32>,
        %get3A_262 = arith.index_cast %add3A_157 : i32 to index
        %get3A_263 = arith.constant 96 : index
        %get3A_264 = tpu.vector_load %arg15[%get3A_262, %get3A_263] {strides = array<i32>} : memref<128x128xf32, #tpu.memory_space<vmem>>, vector<16xf32>,
        %get3A_265 = arith.index_cast %add3A_157 : i32 to index
        %get3A_266 = arith.constant 96 : index
        %get3A_267 = tpu.vector_load %arg16[%get3A_265, %get3A_266] {strides = array<i32>} : memref<128x128xf32, #tpu.memory_space<vmem>>, vector<16xf32>,
        %add3A_268 = arith.addf %get3A_264, %get3A_267 : vector<16xf32>
        %get3A_269 = arith.index_cast %add3A_157 : i32 to index
        %get3A_270 = arith.constant 96 : index
        %get3A_271 = tpu.vector_load %arg17[%get3A_269, %get3A_270] {strides = array<i32>} : memref<128x128xf32, #tpu.memory_space<vmem>>, vector<16xf32>,
        %add3A_272 = arith.addf %add3A_268, %get3A_271 : vector<16xf32>
        %mul3A_273 = arith.constant 2.000000e-01 : f32
        %mul3A_274 = vector.broadcast %mul3A_273 : f32 to vector<16xf32>
        %mul3A_275 = arith.mulf %mul3A_274, %add3A_272 : vector<16xf32>
        %max3A_276 = arith.maximumf %add3A_272, %mul3A_275 : vector<16xf32>
        %mul3A_277 = arith.mulf %max3A_276, %get3A_15 : vector<16xf32>
        %get3A_278 = arith.index_cast %add3A_157 : i32 to index
        %get3A_279 = arith.constant 112 : index
        %get3A_280 = tpu.vector_load %arg15[%get3A_278, %get3A_279] {strides = array<i32>} : memref<128x128xf32, #tpu.memory_space<vmem>>, vector<16xf32>,
        %get3A_281 = arith.index_cast %add3A_157 : i32 to index
        %get3A_282 = arith.constant 112 : index
        %get3A_283 = tpu.vector_load %arg16[%get3A_281, %get3A_282] {strides = array<i32>} : memref<128x128xf32, #tpu.memory_space<vmem>>, vector<16xf32>,
        %add3A_284 = arith.addf %get3A_280, %get3A_283 : vector<16xf32>
        %get3A_285 = arith.index_cast %add3A_157 : i32 to index
        %get3A_286 = arith.constant 112 : index
        %get3A_287 = tpu.vector_load %arg17[%get3A_285, %get3A_286] {strides = array<i32>} : memref<128x128xf32, #tpu.memory_space<vmem>>, vector<16xf32>,
        %add3A_288 = arith.addf %add3A_284, %get3A_287 : vector<16xf32>
        %mul3A_289 = arith.constant 2.000000e-01 : f32
        %mul3A_290 = vector.broadcast %mul3A_289 : f32 to vector<16xf32>
        %mul3A_291 = arith.mulf %mul3A_290, %add3A_288 : vector<16xf32>
        %max3A_292 = arith.maximumf %add3A_288, %mul3A_291 : vector<16xf32>
        %mul3A_293 = arith.mulf %max3A_292, %get3A_17 : vector<16xf32>
        %add3A_294 = arith.addf %mul3A_277, %mul3A_293 : vector<16xf32>
        %swap3A_295 = arith.constant 48 : index
        %swap3A_296 = tpu.vector_load %arg19[%swap3A_295] {strides = array<i32>} : memref<256xf32, #tpu.memory_space<vmem>>, vector<16xf32>,
        tpu.vector_store %arg19[%swap3A_295], %add3A_294 {strides = array<i32>} : memref<256xf32, #tpu.memory_space<vmem>>, vector<16xf32>,
        %mul3A_297 = arith.constant 4 : i32
        %mul3A_298 = arith.muli %mul3A_297, %scan3A_152 : i32
        %add3A_299 = arith.constant 1 : i32
        %add3A_300 = arith.addi %mul3A_298, %add3A_299 : i32
        %get3A_301 = arith.index_cast %add3A_300 : i32 to index
        %get3A_302 = arith.constant 0 : index
        %get3A_303 = tpu.vector_load %arg15[%get3A_301, %get3A_302] {strides = array<i32>} : memref<128x128xf32, #tpu.memory_space<vmem>>, vector<16xf32>,
        %get3A_304 = arith.index_cast %add3A_300 : i32 to index
        %get3A_305 = arith.constant 0 : index
        %get3A_306 = tpu.vector_load %arg16[%get3A_304, %get3A_305] {strides = array<i32>} : memref<128x128xf32, #tpu.memory_space<vmem>>, vector<16xf32>,
        %add3A_307 = arith.addf %get3A_303, %get3A_306 : vector<16xf32>
        %get3A_308 = arith.index_cast %add3A_300 : i32 to index
        %get3A_309 = arith.constant 0 : index
        %get3A_310 = tpu.vector_load %arg17[%get3A_308, %get3A_309] {strides = array<i32>} : memref<128x128xf32, #tpu.memory_space<vmem>>, vector<16xf32>,
        %add3A_311 = arith.addf %add3A_307, %get3A_310 : vector<16xf32>
        %mul3A_312 = arith.constant 2.000000e-01 : f32
        %mul3A_313 = vector.broadcast %mul3A_312 : f32 to vector<16xf32>
        %mul3A_314 = arith.mulf %mul3A_313, %add3A_311 : vector<16xf32>
        %max3A_315 = arith.maximumf %add3A_311, %mul3A_314 : vector<16xf32>
        %mul3A_316 = arith.mulf %max3A_315, %get3A_3 : vector<16xf32>
        %get3A_317 = arith.index_cast %add3A_300 : i32 to index
        %get3A_318 = arith.constant 16 : index
        %get3A_319 = tpu.vector_load %arg15[%get3A_317, %get3A_318] {strides = array<i32>} : memref<128x128xf32, #tpu.memory_space<vmem>>, vector<16xf32>,
        %get3A_320 = arith.index_cast %add3A_300 : i32 to index
        %get3A_321 = arith.constant 16 : index
        %get3A_322 = tpu.vector_load %arg16[%get3A_320, %get3A_321] {strides = array<i32>} : memref<128x128xf32, #tpu.memory_space<vmem>>, vector<16xf32>,
        %add3A_323 = arith.addf %get3A_319, %get3A_322 : vector<16xf32>
        %get3A_324 = arith.index_cast %add3A_300 : i32 to index
        %get3A_325 = arith.constant 16 : index
        %get3A_326 = tpu.vector_load %arg17[%get3A_324, %get3A_325] {strides = array<i32>} : memref<128x128xf32, #tpu.memory_space<vmem>>, vector<16xf32>,
        %add3A_327 = arith.addf %add3A_323, %get3A_326 : vector<16xf32>
        %mul3A_328 = arith.constant 2.000000e-01 : f32
        %mul3A_329 = vector.broadcast %mul3A_328 : f32 to vector<16xf32>
        %mul3A_330 = arith.mulf %mul3A_329, %add3A_327 : vector<16xf32>
        %max3A_331 = arith.maximumf %add3A_327, %mul3A_330 : vector<16xf32>
        %mul3A_332 = arith.mulf %max3A_331, %get3A_5 : vector<16xf32>
        %add3A_333 = arith.addf %mul3A_316, %mul3A_332 : vector<16xf32>
        %swap3A_334 = arith.constant 64 : index
        %swap3A_335 = tpu.vector_load %arg19[%swap3A_334] {strides = array<i32>} : memref<256xf32, #tpu.memory_space<vmem>>, vector<16xf32>,
        tpu.vector_store %arg19[%swap3A_334], %add3A_333 {strides = array<i32>} : memref<256xf32, #tpu.memory_space<vmem>>, vector<16xf32>,
        %get3A_336 = arith.index_cast %add3A_300 : i32 to index
        %get3A_337 = arith.constant 32 : index
        %get3A_338 = tpu.vector_load %arg15[%get3A_336, %get3A_337] {strides = array<i32>} : memref<128x128xf32, #tpu.memory_space<vmem>>, vector<16xf32>,
        %get3A_339 = arith.index_cast %add3A_300 : i32 to index
        %get3A_340 = arith.constant 32 : index
        %get3A_341 = tpu.vector_load %arg16[%get3A_339, %get3A_340] {strides = array<i32>} : memref<128x128xf32, #tpu.memory_space<vmem>>, vector<16xf32>,
        %add3A_342 = arith.addf %get3A_338, %get3A_341 : vector<16xf32>
        %get3A_343 = arith.index_cast %add3A_300 : i32 to index
        %get3A_344 = arith.constant 32 : index
        %get3A_345 = tpu.vector_load %arg17[%get3A_343, %get3A_344] {strides = array<i32>} : memref<128x128xf32, #tpu.memory_space<vmem>>, vector<16xf32>,
        %add3A_346 = arith.addf %add3A_342, %get3A_345 : vector<16xf32>
        %mul3A_347 = arith.constant 2.000000e-01 : f32
        %mul3A_348 = vector.broadcast %mul3A_347 : f32 to vector<16xf32>
        %mul3A_349 = arith.mulf %mul3A_348, %add3A_346 : vector<16xf32>
        %max3A_350 = arith.maximumf %add3A_346, %mul3A_349 : vector<16xf32>
        %mul3A_351 = arith.mulf %max3A_350, %get3A_7 : vector<16xf32>
        %get3A_352 = arith.index_cast %add3A_300 : i32 to index
        %get3A_353 = arith.constant 48 : index
        %get3A_354 = tpu.vector_load %arg15[%get3A_352, %get3A_353] {strides = array<i32>} : memref<128x128xf32, #tpu.memory_space<vmem>>, vector<16xf32>,
        %get3A_355 = arith.index_cast %add3A_300 : i32 to index
        %get3A_356 = arith.constant 48 : index
        %get3A_357 = tpu.vector_load %arg16[%get3A_355, %get3A_356] {strides = array<i32>} : memref<128x128xf32, #tpu.memory_space<vmem>>, vector<16xf32>,
        %add3A_358 = arith.addf %get3A_354, %get3A_357 : vector<16xf32>
        %get3A_359 = arith.index_cast %add3A_300 : i32 to index
        %get3A_360 = arith.constant 48 : index
        %get3A_361 = tpu.vector_load %arg17[%get3A_359, %get3A_360] {strides = array<i32>} : memref<128x128xf32, #tpu.memory_space<vmem>>, vector<16xf32>,
        %add3A_362 = arith.addf %add3A_358, %get3A_361 : vector<16xf32>
        %mul3A_363 = arith.constant 2.000000e-01 : f32
        %mul3A_364 = vector.broadcast %mul3A_363 : f32 to vector<16xf32>
        %mul3A_365 = arith.mulf %mul3A_364, %add3A_362 : vector<16xf32>
        %max3A_366 = arith.maximumf %add3A_362, %mul3A_365 : vector<16xf32>
        %mul3A_367 = arith.mulf %max3A_366, %get3A_9 : vector<16xf32>
        %add3A_368 = arith.addf %mul3A_351, %mul3A_367 : vector<16xf32>
        %swap3A_369 = arith.constant 80 : index
        %swap3A_370 = tpu.vector_load %arg19[%swap3A_369] {strides = array<i32>} : memref<256xf32, #tpu.memory_space<vmem>>, vector<16xf32>,
        tpu.vector_store %arg19[%swap3A_369], %add3A_368 {strides = array<i32>} : memref<256xf32, #tpu.memory_space<vmem>>, vector<16xf32>,
        %get3A_371 = arith.index_cast %add3A_300 : i32 to index
        %get3A_372 = arith.constant 64 : index
        %get3A_373 = tpu.vector_load %arg15[%get3A_371, %get3A_372] {strides = array<i32>} : memref<128x128xf32, #tpu.memory_space<vmem>>, vector<16xf32>,
        %get3A_374 = arith.index_cast %add3A_300 : i32 to index
        %get3A_375 = arith.constant 64 : index
        %get3A_376 = tpu.vector_load %arg16[%get3A_374, %get3A_375] {strides = array<i32>} : memref<128x128xf32, #tpu.memory_space<vmem>>, vector<16xf32>,
        %add3A_377 = arith.addf %get3A_373, %get3A_376 : vector<16xf32>
        %get3A_378 = arith.index_cast %add3A_300 : i32 to index
        %get3A_379 = arith.constant 64 : index
        %get3A_380 = tpu.vector_load %arg17[%get3A_378, %get3A_379] {strides = array<i32>} : memref<128x128xf32, #tpu.memory_space<vmem>>, vector<16xf32>,
        %add3A_381 = arith.addf %add3A_377, %get3A_380 : vector<16xf32>
        %mul3A_382 = arith.constant 2.000000e-01 : f32
        %mul3A_383 = vector.broadcast %mul3A_382 : f32 to vector<16xf32>
        %mul3A_384 = arith.mulf %mul3A_383, %add3A_381 : vector<16xf32>
        %max3A_385 = arith.maximumf %add3A_381, %mul3A_384 : vector<16xf32>
        %mul3A_386 = arith.mulf %max3A_385, %get3A_11 : vector<16xf32>
        %get3A_387 = arith.index_cast %add3A_300 : i32 to index
        %get3A_388 = arith.constant 80 : index
        %get3A_389 = tpu.vector_load %arg15[%get3A_387, %get3A_388] {strides = array<i32>} : memref<128x128xf32, #tpu.memory_space<vmem>>, vector<16xf32>,
        %get3A_390 = arith.index_cast %add3A_300 : i32 to index
        %get3A_391 = arith.constant 80 : index
        %get3A_392 = tpu.vector_load %arg16[%get3A_390, %get3A_391] {strides = array<i32>} : memref<128x128xf32, #tpu.memory_space<vmem>>, vector<16xf32>,
        %add3A_393 = arith.addf %get3A_389, %get3A_392 : vector<16xf32>
        %get3A_394 = arith.index_cast %add3A_300 : i32 to index
        %get3A_395 = arith.constant 80 : index
        %get3A_396 = tpu.vector_load %arg17[%get3A_394, %get3A_395] {strides = array<i32>} : memref<128x128xf32, #tpu.memory_space<vmem>>, vector<16xf32>,
        %add3A_397 = arith.addf %add3A_393, %get3A_396 : vector<16xf32>
        %mul3A_398 = arith.constant 2.000000e-01 : f32
        %mul3A_399 = vector.broadcast %mul3A_398 : f32 to vector<16xf32>
        %mul3A_400 = arith.mulf %mul3A_399, %add3A_397 : vector<16xf32>
        %max3A_401 = arith.maximumf %add3A_397, %mul3A_400 : vector<16xf32>
        %mul3A_402 = arith.mulf %max3A_401, %get3A_13 : vector<16xf32>
        %add3A_403 = arith.addf %mul3A_386, %mul3A_402 : vector<16xf32>
        %swap3A_404 = arith.constant 96 : index
        %swap3A_405 = tpu.vector_load %arg19[%swap3A_404] {strides = array<i32>} : memref<256xf32, #tpu.memory_space<vmem>>, vector<16xf32>,
        tpu.vector_store %arg19[%swap3A_404], %add3A_403 {strides = array<i32>} : memref<256xf32, #tpu.memory_space<vmem>>, vector<16xf32>,
        %get3A_406 = arith.index_cast %add3A_300 : i32 to index
        %get3A_407 = arith.constant 96 : index
        %get3A_408 = tpu.vector_load %arg15[%get3A_406, %get3A_407] {strides = array<i32>} : memref<128x128xf32, #tpu.memory_space<vmem>>, vector<16xf32>,
        %get3A_409 = arith.index_cast %add3A_300 : i32 to index
        %get3A_410 = arith.constant 96 : index
        %get3A_411 = tpu.vector_load %arg16[%get3A_409, %get3A_410] {strides = array<i32>} : memref<128x128xf32, #tpu.memory_space<vmem>>, vector<16xf32>,
        %add3A_412 = arith.addf %get3A_408, %get3A_411 : vector<16xf32>
        %get3A_413 = arith.index_cast %add3A_300 : i32 to index
        %get3A_414 = arith.constant 96 : index
        %get3A_415 = tpu.vector_load %arg17[%get3A_413, %get3A_414] {strides = array<i32>} : memref<128x128xf32, #tpu.memory_space<vmem>>, vector<16xf32>,
        %add3A_416 = arith.addf %add3A_412, %get3A_415 : vector<16xf32>
        %mul3A_417 = arith.constant 2.000000e-01 : f32
        %mul3A_418 = vector.broadcast %mul3A_417 : f32 to vector<16xf32>
        %mul3A_419 = arith.mulf %mul3A_418, %add3A_416 : vector<16xf32>
        %max3A_420 = arith.maximumf %add3A_416, %mul3A_419 : vector<16xf32>
        %mul3A_421 = arith.mulf %max3A_420, %get3A_15 : vector<16xf32>
        %get3A_422 = arith.index_cast %add3A_300 : i32 to index
        %get3A_423 = arith.constant 112 : index
        %get3A_424 = tpu.vector_load %arg15[%get3A_422, %get3A_423] {strides = array<i32>} : memref<128x128xf32, #tpu.memory_space<vmem>>, vector<16xf32>,
        %get3A_425 = arith.index_cast %add3A_300 : i32 to index
        %get3A_426 = arith.constant 112 : index
        %get3A_427 = tpu.vector_load %arg16[%get3A_425, %get3A_426] {strides = array<i32>} : memref<128x128xf32, #tpu.memory_space<vmem>>, vector<16xf32>,
        %add3A_428 = arith.addf %get3A_424, %get3A_427 : vector<16xf32>
        %get3A_429 = arith.index_cast %add3A_300 : i32 to index
        %get3A_430 = arith.constant 112 : index
        %get3A_431 = tpu.vector_load %arg17[%get3A_429, %get3A_430] {strides = array<i32>} : memref<128x128xf32, #tpu.memory_space<vmem>>, vector<16xf32>,
        %add3A_432 = arith.addf %add3A_428, %get3A_431 : vector<16xf32>
        %mul3A_433 = arith.constant 2.000000e-01 : f32
        %mul3A_434 = vector.broadcast %mul3A_433 : f32 to vector<16xf32>
        %mul3A_435 = arith.mulf %mul3A_434, %add3A_432 : vector<16xf32>
        %max3A_436 = arith.maximumf %add3A_432, %mul3A_435 : vector<16xf32>
        %mul3A_437 = arith.mulf %max3A_436, %get3A_17 : vector<16xf32>
        %add3A_438 = arith.addf %mul3A_421, %mul3A_437 : vector<16xf32>
        %swap3A_439 = arith.constant 112 : index
        %swap3A_440 = tpu.vector_load %arg19[%swap3A_439] {strides = array<i32>} : memref<256xf32, #tpu.memory_space<vmem>>, vector<16xf32>,
        tpu.vector_store %arg19[%swap3A_439], %add3A_438 {strides = array<i32>} : memref<256xf32, #tpu.memory_space<vmem>>, vector<16xf32>,
        %mul3A_441 = arith.constant 4 : i32
        %mul3A_442 = arith.muli %mul3A_441, %scan3A_152 : i32
        %add3A_443 = arith.constant 2 : i32
        %add3A_444 = arith.addi %mul3A_442, %add3A_443 : i32
        %get3A_445 = arith.index_cast %add3A_444 : i32 to index
        %get3A_446 = arith.constant 0 : index
        %get3A_447 = tpu.vector_load %arg15[%get3A_445, %get3A_446] {strides = array<i32>} : memref<128x128xf32, #tpu.memory_space<vmem>>, vector<16xf32>,
        %get3A_448 = arith.index_cast %add3A_444 : i32 to index
        %get3A_449 = arith.constant 0 : index
        %get3A_450 = tpu.vector_load %arg16[%get3A_448, %get3A_449] {strides = array<i32>} : memref<128x128xf32, #tpu.memory_space<vmem>>, vector<16xf32>,
        %add3A_451 = arith.addf %get3A_447, %get3A_450 : vector<16xf32>
        %get3A_452 = arith.index_cast %add3A_444 : i32 to index
        %get3A_453 = arith.constant 0 : index
        %get3A_454 = tpu.vector_load %arg17[%get3A_452, %get3A_453] {strides = array<i32>} : memref<128x128xf32, #tpu.memory_space<vmem>>, vector<16xf32>,
        %add3A_455 = arith.addf %add3A_451, %get3A_454 : vector<16xf32>
        %mul3A_456 = arith.constant 2.000000e-01 : f32
        %mul3A_457 = vector.broadcast %mul3A_456 : f32 to vector<16xf32>
        %mul3A_458 = arith.mulf %mul3A_457, %add3A_455 : vector<16xf32>
        %max3A_459 = arith.maximumf %add3A_455, %mul3A_458 : vector<16xf32>
        %mul3A_460 = arith.mulf %max3A_459, %get3A_3 : vector<16xf32>
        %get3A_461 = arith.index_cast %add3A_444 : i32 to index
        %get3A_462 = arith.constant 16 : index
        %get3A_463 = tpu.vector_load %arg15[%get3A_461, %get3A_462] {strides = array<i32>} : memref<128x128xf32, #tpu.memory_space<vmem>>, vector<16xf32>,
        %get3A_464 = arith.index_cast %add3A_444 : i32 to index
        %get3A_465 = arith.constant 16 : index
        %get3A_466 = tpu.vector_load %arg16[%get3A_464, %get3A_465] {strides = array<i32>} : memref<128x128xf32, #tpu.memory_space<vmem>>, vector<16xf32>,
        %add3A_467 = arith.addf %get3A_463, %get3A_466 : vector<16xf32>
        %get3A_468 = arith.index_cast %add3A_444 : i32 to index
        %get3A_469 = arith.constant 16 : index
        %get3A_470 = tpu.vector_load %arg17[%get3A_468, %get3A_469] {strides = array<i32>} : memref<128x128xf32, #tpu.memory_space<vmem>>, vector<16xf32>,
        %add3A_471 = arith.addf %add3A_467, %get3A_470 : vector<16xf32>
        %mul3A_472 = arith.constant 2.000000e-01 : f32
        %mul3A_473 = vector.broadcast %mul3A_472 : f32 to vector<16xf32>
        %mul3A_474 = arith.mulf %mul3A_473, %add3A_471 : vector<16xf32>
        %max3A_475 = arith.maximumf %add3A_471, %mul3A_474 : vector<16xf32>
        %mul3A_476 = arith.mulf %max3A_475, %get3A_5 : vector<16xf32>
        %add3A_477 = arith.addf %mul3A_460, %mul3A_476 : vector<16xf32>
        %swap3A_478 = arith.constant 128 : index
        %swap3A_479 = tpu.vector_load %arg19[%swap3A_478] {strides = array<i32>} : memref<256xf32, #tpu.memory_space<vmem>>, vector<16xf32>,
        tpu.vector_store %arg19[%swap3A_478], %add3A_477 {strides = array<i32>} : memref<256xf32, #tpu.memory_space<vmem>>, vector<16xf32>,
        %get3A_480 = arith.index_cast %add3A_444 : i32 to index
        %get3A_481 = arith.constant 32 : index
        %get3A_482 = tpu.vector_load %arg15[%get3A_480, %get3A_481] {strides = array<i32>} : memref<128x128xf32, #tpu.memory_space<vmem>>, vector<16xf32>,
        %get3A_483 = arith.index_cast %add3A_444 : i32 to index
        %get3A_484 = arith.constant 32 : index
        %get3A_485 = tpu.vector_load %arg16[%get3A_483, %get3A_484] {strides = array<i32>} : memref<128x128xf32, #tpu.memory_space<vmem>>, vector<16xf32>,
        %add3A_486 = arith.addf %get3A_482, %get3A_485 : vector<16xf32>
        %get3A_487 = arith.index_cast %add3A_444 : i32 to index
        %get3A_488 = arith.constant 32 : index
        %get3A_489 = tpu.vector_load %arg17[%get3A_487, %get3A_488] {strides = array<i32>} : memref<128x128xf32, #tpu.memory_space<vmem>>, vector<16xf32>,
        %add3A_490 = arith.addf %add3A_486, %get3A_489 : vector<16xf32>
        %mul3A_491 = arith.constant 2.000000e-01 : f32
        %mul3A_492 = vector.broadcast %mul3A_491 : f32 to vector<16xf32>
        %mul3A_493 = arith.mulf %mul3A_492, %add3A_490 : vector<16xf32>
        %max3A_494 = arith.maximumf %add3A_490, %mul3A_493 : vector<16xf32>
        %mul3A_495 = arith.mulf %max3A_494, %get3A_7 : vector<16xf32>
        %get3A_496 = arith.index_cast %add3A_444 : i32 to index
        %get3A_497 = arith.constant 48 : index
        %get3A_498 = tpu.vector_load %arg15[%get3A_496, %get3A_497] {strides = array<i32>} : memref<128x128xf32, #tpu.memory_space<vmem>>, vector<16xf32>,
        %get3A_499 = arith.index_cast %add3A_444 : i32 to index
        %get3A_500 = arith.constant 48 : index
        %get3A_501 = tpu.vector_load %arg16[%get3A_499, %get3A_500] {strides = array<i32>} : memref<128x128xf32, #tpu.memory_space<vmem>>, vector<16xf32>,
        %add3A_502 = arith.addf %get3A_498, %get3A_501 : vector<16xf32>
        %get3A_503 = arith.index_cast %add3A_444 : i32 to index
        %get3A_504 = arith.constant 48 : index
        %get3A_505 = tpu.vector_load %arg17[%get3A_503, %get3A_504] {strides = array<i32>} : memref<128x128xf32, #tpu.memory_space<vmem>>, vector<16xf32>,
        %add3A_506 = arith.addf %add3A_502, %get3A_505 : vector<16xf32>
        %mul3A_507 = arith.constant 2.000000e-01 : f32
        %mul3A_508 = vector.broadcast %mul3A_507 : f32 to vector<16xf32>
        %mul3A_509 = arith.mulf %mul3A_508, %add3A_506 : vector<16xf32>
        %max3A_510 = arith.maximumf %add3A_506, %mul3A_509 : vector<16xf32>
        %mul3A_511 = arith.mulf %max3A_510, %get3A_9 : vector<16xf32>
        %add3A_512 = arith.addf %mul3A_495, %mul3A_511 : vector<16xf32>
        %swap3A_513 = arith.constant 144 : index
        %swap3A_514 = tpu.vector_load %arg19[%swap3A_513] {strides = array<i32>} : memref<256xf32, #tpu.memory_space<vmem>>, vector<16xf32>,
        tpu.vector_store %arg19[%swap3A_513], %add3A_512 {strides = array<i32>} : memref<256xf32, #tpu.memory_space<vmem>>, vector<16xf32>,
        %get3A_515 = arith.index_cast %add3A_444 : i32 to index
        %get3A_516 = arith.constant 64 : index
        %get3A_517 = tpu.vector_load %arg15[%get3A_515, %get3A_516] {strides = array<i32>} : memref<128x128xf32, #tpu.memory_space<vmem>>, vector<16xf32>,
        %get3A_518 = arith.index_cast %add3A_444 : i32 to index
        %get3A_519 = arith.constant 64 : index
        %get3A_520 = tpu.vector_load %arg16[%get3A_518, %get3A_519] {strides = array<i32>} : memref<128x128xf32, #tpu.memory_space<vmem>>, vector<16xf32>,
        %add3A_521 = arith.addf %get3A_517, %get3A_520 : vector<16xf32>
        %get3A_522 = arith.index_cast %add3A_444 : i32 to index
        %get3A_523 = arith.constant 64 : index
        %get3A_524 = tpu.vector_load %arg17[%get3A_522, %get3A_523] {strides = array<i32>} : memref<128x128xf32, #tpu.memory_space<vmem>>, vector<16xf32>,
        %add3A_525 = arith.addf %add3A_521, %get3A_524 : vector<16xf32>
        %mul3A_526 = arith.constant 2.000000e-01 : f32
        %mul3A_527 = vector.broadcast %mul3A_526 : f32 to vector<16xf32>
        %mul3A_528 = arith.mulf %mul3A_527, %add3A_525 : vector<16xf32>
        %max3A_529 = arith.maximumf %add3A_525, %mul3A_528 : vector<16xf32>
        %mul3A_530 = arith.mulf %max3A_529, %get3A_11 : vector<16xf32>
        %get3A_531 = arith.index_cast %add3A_444 : i32 to index
        %get3A_532 = arith.constant 80 : index
        %get3A_533 = tpu.vector_load %arg15[%get3A_531, %get3A_532] {strides = array<i32>} : memref<128x128xf32, #tpu.memory_space<vmem>>, vector<16xf32>,
        %get3A_534 = arith.index_cast %add3A_444 : i32 to index
        %get3A_535 = arith.constant 80 : index
        %get3A_536 = tpu.vector_load %arg16[%get3A_534, %get3A_535] {strides = array<i32>} : memref<128x128xf32, #tpu.memory_space<vmem>>, vector<16xf32>,
        %add3A_537 = arith.addf %get3A_533, %get3A_536 : vector<16xf32>
        %get3A_538 = arith.index_cast %add3A_444 : i32 to index
        %get3A_539 = arith.constant 80 : index
        %get3A_540 = tpu.vector_load %arg17[%get3A_538, %get3A_539] {strides = array<i32>} : memref<128x128xf32, #tpu.memory_space<vmem>>, vector<16xf32>,
        %add3A_541 = arith.addf %add3A_537, %get3A_540 : vector<16xf32>
        %mul3A_542 = arith.constant 2.000000e-01 : f32
        %mul3A_543 = vector.broadcast %mul3A_542 : f32 to vector<16xf32>
        %mul3A_544 = arith.mulf %mul3A_543, %add3A_541 : vector<16xf32>
        %max3A_545 = arith.maximumf %add3A_541, %mul3A_544 : vector<16xf32>
        %mul3A_546 = arith.mulf %max3A_545, %get3A_13 : vector<16xf32>
        %add3A_547 = arith.addf %mul3A_530, %mul3A_546 : vector<16xf32>
        %swap3A_548 = arith.constant 160 : index
        %swap3A_549 = tpu.vector_load %arg19[%swap3A_548] {strides = array<i32>} : memref<256xf32, #tpu.memory_space<vmem>>, vector<16xf32>,
        tpu.vector_store %arg19[%swap3A_548], %add3A_547 {strides = array<i32>} : memref<256xf32, #tpu.memory_space<vmem>>, vector<16xf32>,
        %get3A_550 = arith.index_cast %add3A_444 : i32 to index
        %get3A_551 = arith.constant 96 : index
        %get3A_552 = tpu.vector_load %arg15[%get3A_550, %get3A_551] {strides = array<i32>} : memref<128x128xf32, #tpu.memory_space<vmem>>, vector<16xf32>,
        %get3A_553 = arith.index_cast %add3A_444 : i32 to index
        %get3A_554 = arith.constant 96 : index
        %get3A_555 = tpu.vector_load %arg16[%get3A_553, %get3A_554] {strides = array<i32>} : memref<128x128xf32, #tpu.memory_space<vmem>>, vector<16xf32>,
        %add3A_556 = arith.addf %get3A_552, %get3A_555 : vector<16xf32>
        %get3A_557 = arith.index_cast %add3A_444 : i32 to index
        %get3A_558 = arith.constant 96 : index
        %get3A_559 = tpu.vector_load %arg17[%get3A_557, %get3A_558] {strides = array<i32>} : memref<128x128xf32, #tpu.memory_space<vmem>>, vector<16xf32>,
        %add3A_560 = arith.addf %add3A_556, %get3A_559 : vector<16xf32>
        %mul3A_561 = arith.constant 2.000000e-01 : f32
        %mul3A_562 = vector.broadcast %mul3A_561 : f32 to vector<16xf32>
        %mul3A_563 = arith.mulf %mul3A_562, %add3A_560 : vector<16xf32>
        %max3A_564 = arith.maximumf %add3A_560, %mul3A_563 : vector<16xf32>
        %mul3A_565 = arith.mulf %max3A_564, %get3A_15 : vector<16xf32>
        %get3A_566 = arith.index_cast %add3A_444 : i32 to index
        %get3A_567 = arith.constant 112 : index
        %get3A_568 = tpu.vector_load %arg15[%get3A_566, %get3A_567] {strides = array<i32>} : memref<128x128xf32, #tpu.memory_space<vmem>>, vector<16xf32>,
        %get3A_569 = arith.index_cast %add3A_444 : i32 to index
        %get3A_570 = arith.constant 112 : index
        %get3A_571 = tpu.vector_load %arg16[%get3A_569, %get3A_570] {strides = array<i32>} : memref<128x128xf32, #tpu.memory_space<vmem>>, vector<16xf32>,
        %add3A_572 = arith.addf %get3A_568, %get3A_571 : vector<16xf32>
        %get3A_573 = arith.index_cast %add3A_444 : i32 to index
        %get3A_574 = arith.constant 112 : index
        %get3A_575 = tpu.vector_load %arg17[%get3A_573, %get3A_574] {strides = array<i32>} : memref<128x128xf32, #tpu.memory_space<vmem>>, vector<16xf32>,
        %add3A_576 = arith.addf %add3A_572, %get3A_575 : vector<16xf32>
        %mul3A_577 = arith.constant 2.000000e-01 : f32
        %mul3A_578 = vector.broadcast %mul3A_577 : f32 to vector<16xf32>
        %mul3A_579 = arith.mulf %mul3A_578, %add3A_576 : vector<16xf32>
        %max3A_580 = arith.maximumf %add3A_576, %mul3A_579 : vector<16xf32>
        %mul3A_581 = arith.mulf %max3A_580, %get3A_17 : vector<16xf32>
        %add3A_582 = arith.addf %mul3A_565, %mul3A_581 : vector<16xf32>
        %swap3A_583 = arith.constant 176 : index
        %swap3A_584 = tpu.vector_load %arg19[%swap3A_583] {strides = array<i32>} : memref<256xf32, #tpu.memory_space<vmem>>, vector<16xf32>,
        tpu.vector_store %arg19[%swap3A_583], %add3A_582 {strides = array<i32>} : memref<256xf32, #tpu.memory_space<vmem>>, vector<16xf32>,
        %mul3A_585 = arith.constant 4 : i32
        %mul3A_586 = arith.muli %mul3A_585, %scan3A_152 : i32
        %add3A_587 = arith.constant 3 : i32
        %add3A_588 = arith.addi %mul3A_586, %add3A_587 : i32
        %get3A_589 = arith.index_cast %add3A_588 : i32 to index
        %get3A_590 = arith.constant 0 : index
        %get3A_591 = tpu.vector_load %arg15[%get3A_589, %get3A_590] {strides = array<i32>} : memref<128x128xf32, #tpu.memory_space<vmem>>, vector<16xf32>,
        %get3A_592 = arith.index_cast %add3A_588 : i32 to index
        %get3A_593 = arith.constant 0 : index
        %get3A_594 = tpu.vector_load %arg16[%get3A_592, %get3A_593] {strides = array<i32>} : memref<128x128xf32, #tpu.memory_space<vmem>>, vector<16xf32>,
        %add3A_595 = arith.addf %get3A_591, %get3A_594 : vector<16xf32>
        %get3A_596 = arith.index_cast %add3A_588 : i32 to index
        %get3A_597 = arith.constant 0 : index
        %get3A_598 = tpu.vector_load %arg17[%get3A_596, %get3A_597] {strides = array<i32>} : memref<128x128xf32, #tpu.memory_space<vmem>>, vector<16xf32>,
        %add3A_599 = arith.addf %add3A_595, %get3A_598 : vector<16xf32>
        %mul3A_600 = arith.constant 2.000000e-01 : f32
        %mul3A_601 = vector.broadcast %mul3A_600 : f32 to vector<16xf32>
        %mul3A_602 = arith.mulf %mul3A_601, %add3A_599 : vector<16xf32>
        %max3A_603 = arith.maximumf %add3A_599, %mul3A_602 : vector<16xf32>
        %mul3A_604 = arith.mulf %max3A_603, %get3A_3 : vector<16xf32>
        %get3A_605 = arith.index_cast %add3A_588 : i32 to index
        %get3A_606 = arith.constant 16 : index
        %get3A_607 = tpu.vector_load %arg15[%get3A_605, %get3A_606] {strides = array<i32>} : memref<128x128xf32, #tpu.memory_space<vmem>>, vector<16xf32>,
        %get3A_608 = arith.index_cast %add3A_588 : i32 to index
        %get3A_609 = arith.constant 16 : index
        %get3A_610 = tpu.vector_load %arg16[%get3A_608, %get3A_609] {strides = array<i32>} : memref<128x128xf32, #tpu.memory_space<vmem>>, vector<16xf32>,
        %add3A_611 = arith.addf %get3A_607, %get3A_610 : vector<16xf32>
        %get3A_612 = arith.index_cast %add3A_588 : i32 to index
        %get3A_613 = arith.constant 16 : index
        %get3A_614 = tpu.vector_load %arg17[%get3A_612, %get3A_613] {strides = array<i32>} : memref<128x128xf32, #tpu.memory_space<vmem>>, vector<16xf32>,
        %add3A_615 = arith.addf %add3A_611, %get3A_614 : vector<16xf32>
        %mul3A_616 = arith.constant 2.000000e-01 : f32
        %mul3A_617 = vector.broadcast %mul3A_616 : f32 to vector<16xf32>
        %mul3A_618 = arith.mulf %mul3A_617, %add3A_615 : vector<16xf32>
        %max3A_619 = arith.maximumf %add3A_615, %mul3A_618 : vector<16xf32>
        %mul3A_620 = arith.mulf %max3A_619, %get3A_5 : vector<16xf32>
        %add3A_621 = arith.addf %mul3A_604, %mul3A_620 : vector<16xf32>
        %swap3A_622 = arith.constant 192 : index
        %swap3A_623 = tpu.vector_load %arg19[%swap3A_622] {strides = array<i32>} : memref<256xf32, #tpu.memory_space<vmem>>, vector<16xf32>,
        tpu.vector_store %arg19[%swap3A_622], %add3A_621 {strides = array<i32>} : memref<256xf32, #tpu.memory_space<vmem>>, vector<16xf32>,
        %get3A_624 = arith.index_cast %add3A_588 : i32 to index
        %get3A_625 = arith.constant 32 : index
        %get3A_626 = tpu.vector_load %arg15[%get3A_624, %get3A_625] {strides = array<i32>} : memref<128x128xf32, #tpu.memory_space<vmem>>, vector<16xf32>,
        %get3A_627 = arith.index_cast %add3A_588 : i32 to index
        %get3A_628 = arith.constant 32 : index
        %get3A_629 = tpu.vector_load %arg16[%get3A_627, %get3A_628] {strides = array<i32>} : memref<128x128xf32, #tpu.memory_space<vmem>>, vector<16xf32>,
        %add3A_630 = arith.addf %get3A_626, %get3A_629 : vector<16xf32>
        %get3A_631 = arith.index_cast %add3A_588 : i32 to index
        %get3A_632 = arith.constant 32 : index
        %get3A_633 = tpu.vector_load %arg17[%get3A_631, %get3A_632] {strides = array<i32>} : memref<128x128xf32, #tpu.memory_space<vmem>>, vector<16xf32>,
        %add3A_634 = arith.addf %add3A_630, %get3A_633 : vector<16xf32>
        %mul3A_635 = arith.constant 2.000000e-01 : f32
        %mul3A_636 = vector.broadcast %mul3A_635 : f32 to vector<16xf32>
        %mul3A_637 = arith.mulf %mul3A_636, %add3A_634 : vector<16xf32>
        %max3A_638 = arith.maximumf %add3A_634, %mul3A_637 : vector<16xf32>
        %mul3A_639 = arith.mulf %max3A_638, %get3A_7 : vector<16xf32>
        %get3A_640 = arith.index_cast %add3A_588 : i32 to index
        %get3A_641 = arith.constant 48 : index
        %get3A_642 = tpu.vector_load %arg15[%get3A_640, %get3A_641] {strides = array<i32>} : memref<128x128xf32, #tpu.memory_space<vmem>>, vector<16xf32>,
        %get3A_643 = arith.index_cast %add3A_588 : i32 to index
        %get3A_644 = arith.constant 48 : index
        %get3A_645 = tpu.vector_load %arg16[%get3A_643, %get3A_644] {strides = array<i32>} : memref<128x128xf32, #tpu.memory_space<vmem>>, vector<16xf32>,
        %add3A_646 = arith.addf %get3A_642, %get3A_645 : vector<16xf32>
        %get3A_647 = arith.index_cast %add3A_588 : i32 to index
        %get3A_648 = arith.constant 48 : index
        %get3A_649 = tpu.vector_load %arg17[%get3A_647, %get3A_648] {strides = array<i32>} : memref<128x128xf32, #tpu.memory_space<vmem>>, vector<16xf32>,
        %add3A_650 = arith.addf %add3A_646, %get3A_649 : vector<16xf32>
        %mul3A_651 = arith.constant 2.000000e-01 : f32
        %mul3A_652 = vector.broadcast %mul3A_651 : f32 to vector<16xf32>
        %mul3A_653 = arith.mulf %mul3A_652, %add3A_650 : vector<16xf32>
        %max3A_654 = arith.maximumf %add3A_650, %mul3A_653 : vector<16xf32>
        %mul3A_655 = arith.mulf %max3A_654, %get3A_9 : vector<16xf32>
        %add3A_656 = arith.addf %mul3A_639, %mul3A_655 : vector<16xf32>
        %swap3A_657 = arith.constant 208 : index
        %swap3A_658 = tpu.vector_load %arg19[%swap3A_657] {strides = array<i32>} : memref<256xf32, #tpu.memory_space<vmem>>, vector<16xf32>,
        tpu.vector_store %arg19[%swap3A_657], %add3A_656 {strides = array<i32>} : memref<256xf32, #tpu.memory_space<vmem>>, vector<16xf32>,
        %get3A_659 = arith.index_cast %add3A_588 : i32 to index
        %get3A_660 = arith.constant 64 : index
        %get3A_661 = tpu.vector_load %arg15[%get3A_659, %get3A_660] {strides = array<i32>} : memref<128x128xf32, #tpu.memory_space<vmem>>, vector<16xf32>,
        %get3A_662 = arith.index_cast %add3A_588 : i32 to index
        %get3A_663 = arith.constant 64 : index
        %get3A_664 = tpu.vector_load %arg16[%get3A_662, %get3A_663] {strides = array<i32>} : memref<128x128xf32, #tpu.memory_space<vmem>>, vector<16xf32>,
        %add3A_665 = arith.addf %get3A_661, %get3A_664 : vector<16xf32>
        %get3A_666 = arith.index_cast %add3A_588 : i32 to index
        %get3A_667 = arith.constant 64 : index
        %get3A_668 = tpu.vector_load %arg17[%get3A_666, %get3A_667] {strides = array<i32>} : memref<128x128xf32, #tpu.memory_space<vmem>>, vector<16xf32>,
        %add3A_669 = arith.addf %add3A_665, %get3A_668 : vector<16xf32>
        %mul3A_670 = arith.constant 2.000000e-01 : f32
        %mul3A_671 = vector.broadcast %mul3A_670 : f32 to vector<16xf32>
        %mul3A_672 = arith.mulf %mul3A_671, %add3A_669 : vector<16xf32>
        %max3A_673 = arith.maximumf %add3A_669, %mul3A_672 : vector<16xf32>
        %mul3A_674 = arith.mulf %max3A_673, %get3A_11 : vector<16xf32>
        %get3A_675 = arith.index_cast %add3A_588 : i32 to index
        %get3A_676 = arith.constant 80 : index
        %get3A_677 = tpu.vector_load %arg15[%get3A_675, %get3A_676] {strides = array<i32>} : memref<128x128xf32, #tpu.memory_space<vmem>>, vector<16xf32>,
        %get3A_678 = arith.index_cast %add3A_588 : i32 to index
        %get3A_679 = arith.constant 80 : index
        %get3A_680 = tpu.vector_load %arg16[%get3A_678, %get3A_679] {strides = array<i32>} : memref<128x128xf32, #tpu.memory_space<vmem>>, vector<16xf32>,
        %add3A_681 = arith.addf %get3A_677, %get3A_680 : vector<16xf32>
        %get3A_682 = arith.index_cast %add3A_588 : i32 to index
        %get3A_683 = arith.constant 80 : index
        %get3A_684 = tpu.vector_load %arg17[%get3A_682, %get3A_683] {strides = array<i32>} : memref<128x128xf32, #tpu.memory_space<vmem>>, vector<16xf32>,
        %add3A_685 = arith.addf %add3A_681, %get3A_684 : vector<16xf32>
        %mul3A_686 = arith.constant 2.000000e-01 : f32
        %mul3A_687 = vector.broadcast %mul3A_686 : f32 to vector<16xf32>
        %mul3A_688 = arith.mulf %mul3A_687, %add3A_685 : vector<16xf32>
        %max3A_689 = arith.maximumf %add3A_685, %mul3A_688 : vector<16xf32>
        %mul3A_690 = arith.mulf %max3A_689, %get3A_13 : vector<16xf32>
        %add3A_691 = arith.addf %mul3A_674, %mul3A_690 : vector<16xf32>
        %swap3A_692 = arith.constant 224 : index
        %swap3A_693 = tpu.vector_load %arg19[%swap3A_692] {strides = array<i32>} : memref<256xf32, #tpu.memory_space<vmem>>, vector<16xf32>,
        tpu.vector_store %arg19[%swap3A_692], %add3A_691 {strides = array<i32>} : memref<256xf32, #tpu.memory_space<vmem>>, vector<16xf32>,
        %get3A_694 = arith.index_cast %add3A_588 : i32 to index
        %get3A_695 = arith.constant 96 : index
        %get3A_696 = tpu.vector_load %arg15[%get3A_694, %get3A_695] {strides = array<i32>} : memref<128x128xf32, #tpu.memory_space<vmem>>, vector<16xf32>,
        %get3A_697 = arith.index_cast %add3A_588 : i32 to index
        %get3A_698 = arith.constant 96 : index
        %get3A_699 = tpu.vector_load %arg16[%get3A_697, %get3A_698] {strides = array<i32>} : memref<128x128xf32, #tpu.memory_space<vmem>>, vector<16xf32>,
        %add3A_700 = arith.addf %get3A_696, %get3A_699 : vector<16xf32>
        %get3A_701 = arith.index_cast %add3A_588 : i32 to index
        %get3A_702 = arith.constant 96 : index
        %get3A_703 = tpu.vector_load %arg17[%get3A_701, %get3A_702] {strides = array<i32>} : memref<128x128xf32, #tpu.memory_space<vmem>>, vector<16xf32>,
        %add3A_704 = arith.addf %add3A_700, %get3A_703 : vector<16xf32>
        %mul3A_705 = arith.constant 2.000000e-01 : f32
        %mul3A_706 = vector.broadcast %mul3A_705 : f32 to vector<16xf32>
        %mul3A_707 = arith.mulf %mul3A_706, %add3A_704 : vector<16xf32>
        %max3A_708 = arith.maximumf %add3A_704, %mul3A_707 : vector<16xf32>
        %mul3A_709 = arith.mulf %max3A_708, %get3A_15 : vector<16xf32>
        %get3A_710 = arith.index_cast %add3A_588 : i32 to index
        %get3A_711 = arith.constant 112 : index
        %get3A_712 = tpu.vector_load %arg15[%get3A_710, %get3A_711] {strides = array<i32>} : memref<128x128xf32, #tpu.memory_space<vmem>>, vector<16xf32>,
        %get3A_713 = arith.index_cast %add3A_588 : i32 to index
        %get3A_714 = arith.constant 112 : index
        %get3A_715 = tpu.vector_load %arg16[%get3A_713, %get3A_714] {strides = array<i32>} : memref<128x128xf32, #tpu.memory_space<vmem>>, vector<16xf32>,
        %add3A_716 = arith.addf %get3A_712, %get3A_715 : vector<16xf32>
        %get3A_717 = arith.index_cast %add3A_588 : i32 to index
        %get3A_718 = arith.constant 112 : index
        %get3A_719 = tpu.vector_load %arg17[%get3A_717, %get3A_718] {strides = array<i32>} : memref<128x128xf32, #tpu.memory_space<vmem>>, vector<16xf32>,
        %add3A_720 = arith.addf %add3A_716, %get3A_719 : vector<16xf32>
        %mul3A_721 = arith.constant 2.000000e-01 : f32
        %mul3A_722 = vector.broadcast %mul3A_721 : f32 to vector<16xf32>
        %mul3A_723 = arith.mulf %mul3A_722, %add3A_720 : vector<16xf32>
        %max3A_724 = arith.maximumf %add3A_720, %mul3A_723 : vector<16xf32>
        %mul3A_725 = arith.mulf %max3A_724, %get3A_17 : vector<16xf32>
        %add3A_726 = arith.addf %mul3A_709, %mul3A_725 : vector<16xf32>
        %swap3A_727 = arith.constant 240 : index
        %swap3A_728 = tpu.vector_load %arg19[%swap3A_727] {strides = array<i32>} : memref<256xf32, #tpu.memory_space<vmem>>, vector<16xf32>,
        tpu.vector_store %arg19[%swap3A_727], %add3A_726 {strides = array<i32>} : memref<256xf32, #tpu.memory_space<vmem>>, vector<16xf32>,
        %gather3A = tpu.vector_load_idx %arg19[%add3A_23] : memref<256xf32, #tpu.memory_space<vmem>>[vector<16xi32>], vector<16xf32>,
        %gather3A_729 = tpu.vector_load_idx %arg19[%add3A_29] : memref<256xf32, #tpu.memory_space<vmem>>[vector<16xi32>], vector<16xf32>,
        %add3A_730 = arith.addf %gather3A, %gather3A_729 : vector<16xf32>
        %gather3A_731 = tpu.vector_load_idx %arg19[%add3A_35] : memref<256xf32, #tpu.memory_space<vmem>>[vector<16xi32>], vector<16xf32>,
        %add3A_732 = arith.addf %add3A_730, %gather3A_731 : vector<16xf32>
        %gather3A_733 = tpu.vector_load_idx %arg19[%add3A_41] : memref<256xf32, #tpu.memory_space<vmem>>[vector<16xi32>], vector<16xf32>,
        %add3A_734 = arith.addf %add3A_732, %gather3A_733 : vector<16xf32>
        %gather3A_735 = tpu.vector_load_idx %arg19[%add3A_47] : memref<256xf32, #tpu.memory_space<vmem>>[vector<16xi32>], vector<16xf32>,
        %add3A_736 = arith.addf %add3A_734, %gather3A_735 : vector<16xf32>
        %gather3A_737 = tpu.vector_load_idx %arg19[%add3A_53] : memref<256xf32, #tpu.memory_space<vmem>>[vector<16xi32>], vector<16xf32>,
        %add3A_738 = arith.addf %add3A_736, %gather3A_737 : vector<16xf32>
        %gather3A_739 = tpu.vector_load_idx %arg19[%add3A_59] : memref<256xf32, #tpu.memory_space<vmem>>[vector<16xi32>], vector<16xf32>,
        %add3A_740 = arith.addf %add3A_738, %gather3A_739 : vector<16xf32>
        %gather3A_741 = tpu.vector_load_idx %arg19[%add3A_65] : memref<256xf32, #tpu.memory_space<vmem>>[vector<16xi32>], vector<16xf32>,
        %add3A_742 = arith.addf %add3A_740, %gather3A_741 : vector<16xf32>
        %gather3A_743 = tpu.vector_load_idx %arg19[%add3A_71] : memref<256xf32, #tpu.memory_space<vmem>>[vector<16xi32>], vector<16xf32>,
        %add3A_744 = arith.addf %add3A_742, %gather3A_743 : vector<16xf32>
        %gather3A_745 = tpu.vector_load_idx %arg19[%add3A_77] : memref<256xf32, #tpu.memory_space<vmem>>[vector<16xi32>], vector<16xf32>,
        %add3A_746 = arith.addf %add3A_744, %gather3A_745 : vector<16xf32>
        %gather3A_747 = tpu.vector_load_idx %arg19[%add3A_83] : memref<256xf32, #tpu.memory_space<vmem>>[vector<16xi32>], vector<16xf32>,
        %add3A_748 = arith.addf %add3A_746, %gather3A_747 : vector<16xf32>
        %gather3A_749 = tpu.vector_load_idx %arg19[%add3A_89] : memref<256xf32, #tpu.memory_space<vmem>>[vector<16xi32>], vector<16xf32>,
        %add3A_750 = arith.addf %add3A_748, %gather3A_749 : vector<16xf32>
        %gather3A_751 = tpu.vector_load_idx %arg19[%add3A_95] : memref<256xf32, #tpu.memory_space<vmem>>[vector<16xi32>], vector<16xf32>,
        %add3A_752 = arith.addf %add3A_750, %gather3A_751 : vector<16xf32>
        %gather3A_753 = tpu.vector_load_idx %arg19[%add3A_101] : memref<256xf32, #tpu.memory_space<vmem>>[vector<16xi32>], vector<16xf32>,
        %add3A_754 = arith.addf %add3A_752, %gather3A_753 : vector<16xf32>
        %gather3A_755 = tpu.vector_load_idx %arg19[%add3A_107] : memref<256xf32, #tpu.memory_space<vmem>>[vector<16xi32>], vector<16xf32>,
        %add3A_756 = arith.addf %add3A_754, %gather3A_755 : vector<16xf32>
        %gather3A_757 = tpu.vector_load_idx %arg19[%add3A_113] : memref<256xf32, #tpu.memory_space<vmem>>[vector<16xi32>], vector<16xf32>,
        %add3A_758 = arith.addf %add3A_756, %gather3A_757 : vector<16xf32>
        %mul3A_759 = arith.constant 16 : i32
        %mul3A_760 = arith.muli %mul3A_759, %scan3A_152 : i32
        %swap3A_761 = arith.index_cast %mul3A_760 : i32 to index
        %swap3A_762 = tpu.vector_load %arg18[%swap3A_761] {strides = array<i32>} : memref<512xf32, #tpu.memory_space<vmem>>, vector<16xf32>,
        tpu.vector_store %arg18[%swap3A_761], %add3A_758 {strides = array<i32>} : memref<512xf32, #tpu.memory_space<vmem>>, vector<16xf32>,
        %max3A_763 = arith.maximumf %scan3A_153, %add3A_758 : vector<16xf32>
        scf.yield %max3A_763 : vector<16xf32>
      }
      %scan3A_149 = arith.constant 32 : i32
      %mul3A_150 = arith.constant 4 : i32
      %mul3A_151 = arith.muli %add3A_127, %mul3A_150 : i32
      "tpu.region"() ({
        %run_scoped3A = tpu.sem_alloc : memref<!tpu.dma_semaphore, #tpu.memory_space<semaphore_mem>>
        %dma_start3A_152 = tpu.memref_slice %arg9[%mul3A_151] : memref<1294336xf32, #tpu.memory_space<hbm>> -> memref<512xf32, #tpu.memory_space<hbm>>
        %dma_start3A_153 = tpu.memref_slice %arg9[%mul3A_151] : memref<1294336xf32, #tpu.memory_space<hbm>> -> memref<512xf32, #tpu.memory_space<hbm>>
        tpu.enqueue_dma source(%arg18 : memref<512xf32, #tpu.memory_space<vmem>>) target(%dma_start3A_153 : memref<512xf32, #tpu.memory_space<hbm>>) target_semaphore(%run_scoped3A : memref<!tpu.dma_semaphore, #tpu.memory_space<semaphore_mem>>)
        %dma_wait3A_154 = tpu.memref_slice %arg9[%mul3A_151] : memref<1294336xf32, #tpu.memory_space<hbm>> -> memref<512xf32, #tpu.memory_space<hbm>>
        %dma_wait3A_155 = tpu.memref_slice %arg9[%mul3A_151] : memref<1294336xf32, #tpu.memory_space<hbm>> -> memref<512xf32, #tpu.memory_space<hbm>>
        tpu.wait_dma2 semaphore(%run_scoped3A : memref<!tpu.dma_semaphore, #tpu.memory_space<semaphore_mem>>) src(%arg18 : memref<512xf32, #tpu.memory_space<vmem>>) dst(%dma_wait3A_155 : memref<512xf32, #tpu.memory_space<hbm>>)
        tpu.yield
      }) : () -> ()
      scf.yield %scan3A_148 : vector<16xf32>
    }
    %scan3A_119 = arith.constant 79 : i32
    %swap3A = arith.constant 0 : index
    %swap3A_120 = tpu.vector_load %arg20[%swap3A] {strides = array<i32>} : memref<16xf32, #tpu.memory_space<vmem>>, vector<16xf32>,
    tpu.vector_store %arg20[%swap3A], %scan3A_118 {strides = array<i32>} : memref<16xf32, #tpu.memory_space<vmem>>, vector<16xf32>,
    %mul3A_121 = arith.constant 16 : i32
    %mul3A_122 = arith.muli %add3A, %mul3A_121 : i32
    "tpu.region"() ({
      %run_scoped3A = tpu.sem_alloc : memref<!tpu.dma_semaphore, #tpu.memory_space<semaphore_mem>>
      %dma_start3A = tpu.memref_slice %arg10[%mul3A_122] : memref<512xf32, #tpu.memory_space<hbm>> -> memref<16xf32, #tpu.memory_space<hbm>>
      %dma_start3A_123 = tpu.memref_slice %arg10[%mul3A_122] : memref<512xf32, #tpu.memory_space<hbm>> -> memref<16xf32, #tpu.memory_space<hbm>>
      tpu.enqueue_dma source(%arg20 : memref<16xf32, #tpu.memory_space<vmem>>) target(%dma_start3A_123 : memref<16xf32, #tpu.memory_space<hbm>>) target_semaphore(%run_scoped3A : memref<!tpu.dma_semaphore, #tpu.memory_space<semaphore_mem>>)
      %dma_wait3A = tpu.memref_slice %arg10[%mul3A_122] : memref<512xf32, #tpu.memory_space<hbm>> -> memref<16xf32, #tpu.memory_space<hbm>>
      %dma_wait3A_124 = tpu.memref_slice %arg10[%mul3A_122] : memref<512xf32, #tpu.memory_space<hbm>> -> memref<16xf32, #tpu.memory_space<hbm>>
      tpu.wait_dma2 semaphore(%run_scoped3A : memref<!tpu.dma_semaphore, #tpu.memory_space<semaphore_mem>>) src(%arg20 : memref<16xf32, #tpu.memory_space<vmem>>) dst(%dma_wait3A_124 : memref<16xf32, #tpu.memory_space<hbm>>)
      tpu.yield
    }) : () -> ()
    return
  }
}

#map = affine_map<(d0, d1) -> (0, 0)>
#map1 = affine_map<(d0, d1) -> (0)>
#map2 = affine_map<(d0, d1) -> (0, 0, 0)>
module attributes {stable_mosaic.version = 14 : i64} {
  func.func @_sc2_body(%arg0: i32, %arg1: i32, %arg2: memref<10000x128xf32, #tpu.memory_space<hbm>>, %arg3: memref<323584xi32, #tpu.memory_space<hbm>>, %arg4: memref<323584xi32, #tpu.memory_space<hbm>>, %arg5: memref<1294336xf32, #tpu.memory_space<hbm>>, %arg6: memref<512xf32, #tpu.memory_space<hbm>>, %arg7: memref<2x10112x128xf32, #tpu.memory_space<hbm>>, %arg8: memref<2x10112x16xf32, #tpu.memory_space<hbm>>, %arg9: memref<512xf32, #tpu.memory_space<vmem>>, %arg10: memref<128xi32, #tpu.memory_space<vmem>>, %arg11: memref<128xi32, #tpu.memory_space<vmem>>, %arg12: memref<128x128xf32, #tpu.memory_space<vmem>>, %arg13: memref<512xf32, #tpu.memory_space<vmem>>, %arg14: memref<544xf32, #tpu.memory_space<vmem>>, %arg15: memref<128x16xf32, #tpu.memory_space<vmem>>, %arg16: memref<16xf32, #tpu.memory_space<vmem>>, %arg17: memref<10112x128xf32, #tpu.memory_space<vmem_shared>>, %arg18: memref<10112x16xf32, #tpu.memory_space<vmem_shared>>, %arg19: memref<!tpu.dma_semaphore, #tpu.memory_space<semaphore_mem>>) attributes {dimension_semantics = [#tpu.dimension_semantics<core_parallel>, #tpu.dimension_semantics<subcore_parallel>], iteration_bounds = array<i64: 2, 16>, scalar_prefetch = 0 : i64, scratch_operands = 11 : i64, tpu.core_type = #tpu.core_type<sc_vector_subcore>, window_params = [{transform_indices = #map}, {transform_indices = #map1}, {transform_indices = #map1}, {transform_indices = #map1}, {transform_indices = #map1}, {transform_indices = #map2}, {transform_indices = #map2}]} {
    %mul3A = arith.constant 2 : i32
    %mul3A_0 = arith.muli %arg1, %mul3A : i32
    %add3A = arith.addi %mul3A_0, %arg0 : i32
    %mul3A_1 = arith.constant 10112 : i32
    %mul3A_2 = arith.muli %add3A, %mul3A_1 : i32
    %iota3A = tpu.iota {dimensions = array<i32: 0>} : vector<16xi32>
    %lt3A = arith.constant 4 : i32
    %lt3A_3 = vector.broadcast %lt3A : i32 to vector<16xi32>
    %lt3A_4 = arith.cmpi slt, %iota3A, %lt3A_3 : vector<16xi32>
    "tpu.region"() ({
      %run_scoped3A = tpu.sem_alloc : memref<!tpu.dma_semaphore, #tpu.memory_space<semaphore_mem>>
      tpu.enqueue_dma source(%arg6 : memref<512xf32, #tpu.memory_space<hbm>>) target(%arg9 : memref<512xf32, #tpu.memory_space<vmem>>) target_semaphore(%run_scoped3A : memref<!tpu.dma_semaphore, #tpu.memory_space<semaphore_mem>>)
      tpu.wait_dma2 semaphore(%run_scoped3A : memref<!tpu.dma_semaphore, #tpu.memory_space<semaphore_mem>>) src(%arg6 : memref<512xf32, #tpu.memory_space<hbm>>) dst(%arg9 : memref<512xf32, #tpu.memory_space<vmem>>)
      tpu.yield
    }) : () -> ()
    %get3A = arith.constant 0 : index
    %get3A_5 = tpu.vector_load %arg9[%get3A] {strides = array<i32>} : memref<512xf32, #tpu.memory_space<vmem>>, vector<16xf32>,
    %get3A_6 = arith.constant 16 : index
    %get3A_7 = tpu.vector_load %arg9[%get3A_6] {strides = array<i32>} : memref<512xf32, #tpu.memory_space<vmem>>, vector<16xf32>,
    %max3A = arith.maximumf %get3A_5, %get3A_7 : vector<16xf32>
    %get3A_8 = arith.constant 32 : index
    %get3A_9 = tpu.vector_load %arg9[%get3A_8] {strides = array<i32>} : memref<512xf32, #tpu.memory_space<vmem>>, vector<16xf32>,
    %max3A_10 = arith.maximumf %max3A, %get3A_9 : vector<16xf32>
    %get3A_11 = arith.constant 48 : index
    %get3A_12 = tpu.vector_load %arg9[%get3A_11] {strides = array<i32>} : memref<512xf32, #tpu.memory_space<vmem>>, vector<16xf32>,
    %max3A_13 = arith.maximumf %max3A_10, %get3A_12 : vector<16xf32>
    %get3A_14 = arith.constant 64 : index
    %get3A_15 = tpu.vector_load %arg9[%get3A_14] {strides = array<i32>} : memref<512xf32, #tpu.memory_space<vmem>>, vector<16xf32>,
    %max3A_16 = arith.maximumf %max3A_13, %get3A_15 : vector<16xf32>
    %get3A_17 = arith.constant 80 : index
    %get3A_18 = tpu.vector_load %arg9[%get3A_17] {strides = array<i32>} : memref<512xf32, #tpu.memory_space<vmem>>, vector<16xf32>,
    %max3A_19 = arith.maximumf %max3A_16, %get3A_18 : vector<16xf32>
    %get3A_20 = arith.constant 96 : index
    %get3A_21 = tpu.vector_load %arg9[%get3A_20] {strides = array<i32>} : memref<512xf32, #tpu.memory_space<vmem>>, vector<16xf32>,
    %max3A_22 = arith.maximumf %max3A_19, %get3A_21 : vector<16xf32>
    %get3A_23 = arith.constant 112 : index
    %get3A_24 = tpu.vector_load %arg9[%get3A_23] {strides = array<i32>} : memref<512xf32, #tpu.memory_space<vmem>>, vector<16xf32>,
    %max3A_25 = arith.maximumf %max3A_22, %get3A_24 : vector<16xf32>
    %get3A_26 = arith.constant 128 : index
    %get3A_27 = tpu.vector_load %arg9[%get3A_26] {strides = array<i32>} : memref<512xf32, #tpu.memory_space<vmem>>, vector<16xf32>,
    %max3A_28 = arith.maximumf %max3A_25, %get3A_27 : vector<16xf32>
    %get3A_29 = arith.constant 144 : index
    %get3A_30 = tpu.vector_load %arg9[%get3A_29] {strides = array<i32>} : memref<512xf32, #tpu.memory_space<vmem>>, vector<16xf32>,
    %max3A_31 = arith.maximumf %max3A_28, %get3A_30 : vector<16xf32>
    %get3A_32 = arith.constant 160 : index
    %get3A_33 = tpu.vector_load %arg9[%get3A_32] {strides = array<i32>} : memref<512xf32, #tpu.memory_space<vmem>>, vector<16xf32>,
    %max3A_34 = arith.maximumf %max3A_31, %get3A_33 : vector<16xf32>
    %get3A_35 = arith.constant 176 : index
    %get3A_36 = tpu.vector_load %arg9[%get3A_35] {strides = array<i32>} : memref<512xf32, #tpu.memory_space<vmem>>, vector<16xf32>,
    %max3A_37 = arith.maximumf %max3A_34, %get3A_36 : vector<16xf32>
    %get3A_38 = arith.constant 192 : index
    %get3A_39 = tpu.vector_load %arg9[%get3A_38] {strides = array<i32>} : memref<512xf32, #tpu.memory_space<vmem>>, vector<16xf32>,
    %max3A_40 = arith.maximumf %max3A_37, %get3A_39 : vector<16xf32>
    %get3A_41 = arith.constant 208 : index
    %get3A_42 = tpu.vector_load %arg9[%get3A_41] {strides = array<i32>} : memref<512xf32, #tpu.memory_space<vmem>>, vector<16xf32>,
    %max3A_43 = arith.maximumf %max3A_40, %get3A_42 : vector<16xf32>
    %get3A_44 = arith.constant 224 : index
    %get3A_45 = tpu.vector_load %arg9[%get3A_44] {strides = array<i32>} : memref<512xf32, #tpu.memory_space<vmem>>, vector<16xf32>,
    %max3A_46 = arith.maximumf %max3A_43, %get3A_45 : vector<16xf32>
    %get3A_47 = arith.constant 240 : index
    %get3A_48 = tpu.vector_load %arg9[%get3A_47] {strides = array<i32>} : memref<512xf32, #tpu.memory_space<vmem>>, vector<16xf32>,
    %max3A_49 = arith.maximumf %max3A_46, %get3A_48 : vector<16xf32>
    %get3A_50 = arith.constant 256 : index
    %get3A_51 = tpu.vector_load %arg9[%get3A_50] {strides = array<i32>} : memref<512xf32, #tpu.memory_space<vmem>>, vector<16xf32>,
    %max3A_52 = arith.maximumf %max3A_49, %get3A_51 : vector<16xf32>
    %get3A_53 = arith.constant 272 : index
    %get3A_54 = tpu.vector_load %arg9[%get3A_53] {strides = array<i32>} : memref<512xf32, #tpu.memory_space<vmem>>, vector<16xf32>,
    %max3A_55 = arith.maximumf %max3A_52, %get3A_54 : vector<16xf32>
    %get3A_56 = arith.constant 288 : index
    %get3A_57 = tpu.vector_load %arg9[%get3A_56] {strides = array<i32>} : memref<512xf32, #tpu.memory_space<vmem>>, vector<16xf32>,
    %max3A_58 = arith.maximumf %max3A_55, %get3A_57 : vector<16xf32>
    %get3A_59 = arith.constant 304 : index
    %get3A_60 = tpu.vector_load %arg9[%get3A_59] {strides = array<i32>} : memref<512xf32, #tpu.memory_space<vmem>>, vector<16xf32>,
    %max3A_61 = arith.maximumf %max3A_58, %get3A_60 : vector<16xf32>
    %get3A_62 = arith.constant 320 : index
    %get3A_63 = tpu.vector_load %arg9[%get3A_62] {strides = array<i32>} : memref<512xf32, #tpu.memory_space<vmem>>, vector<16xf32>,
    %max3A_64 = arith.maximumf %max3A_61, %get3A_63 : vector<16xf32>
    %get3A_65 = arith.constant 336 : index
    %get3A_66 = tpu.vector_load %arg9[%get3A_65] {strides = array<i32>} : memref<512xf32, #tpu.memory_space<vmem>>, vector<16xf32>,
    %max3A_67 = arith.maximumf %max3A_64, %get3A_66 : vector<16xf32>
    %get3A_68 = arith.constant 352 : index
    %get3A_69 = tpu.vector_load %arg9[%get3A_68] {strides = array<i32>} : memref<512xf32, #tpu.memory_space<vmem>>, vector<16xf32>,
    %max3A_70 = arith.maximumf %max3A_67, %get3A_69 : vector<16xf32>
    %get3A_71 = arith.constant 368 : index
    %get3A_72 = tpu.vector_load %arg9[%get3A_71] {strides = array<i32>} : memref<512xf32, #tpu.memory_space<vmem>>, vector<16xf32>,
    %max3A_73 = arith.maximumf %max3A_70, %get3A_72 : vector<16xf32>
    %get3A_74 = arith.constant 384 : index
    %get3A_75 = tpu.vector_load %arg9[%get3A_74] {strides = array<i32>} : memref<512xf32, #tpu.memory_space<vmem>>, vector<16xf32>,
    %max3A_76 = arith.maximumf %max3A_73, %get3A_75 : vector<16xf32>
    %get3A_77 = arith.constant 400 : index
    %get3A_78 = tpu.vector_load %arg9[%get3A_77] {strides = array<i32>} : memref<512xf32, #tpu.memory_space<vmem>>, vector<16xf32>,
    %max3A_79 = arith.maximumf %max3A_76, %get3A_78 : vector<16xf32>
    %get3A_80 = arith.constant 416 : index
    %get3A_81 = tpu.vector_load %arg9[%get3A_80] {strides = array<i32>} : memref<512xf32, #tpu.memory_space<vmem>>, vector<16xf32>,
    %max3A_82 = arith.maximumf %max3A_79, %get3A_81 : vector<16xf32>
    %get3A_83 = arith.constant 432 : index
    %get3A_84 = tpu.vector_load %arg9[%get3A_83] {strides = array<i32>} : memref<512xf32, #tpu.memory_space<vmem>>, vector<16xf32>,
    %max3A_85 = arith.maximumf %max3A_82, %get3A_84 : vector<16xf32>
    %get3A_86 = arith.constant 448 : index
    %get3A_87 = tpu.vector_load %arg9[%get3A_86] {strides = array<i32>} : memref<512xf32, #tpu.memory_space<vmem>>, vector<16xf32>,
    %max3A_88 = arith.maximumf %max3A_85, %get3A_87 : vector<16xf32>
    %get3A_89 = arith.constant 464 : index
    %get3A_90 = tpu.vector_load %arg9[%get3A_89] {strides = array<i32>} : memref<512xf32, #tpu.memory_space<vmem>>, vector<16xf32>,
    %max3A_91 = arith.maximumf %max3A_88, %get3A_90 : vector<16xf32>
    %get3A_92 = arith.constant 480 : index
    %get3A_93 = tpu.vector_load %arg9[%get3A_92] {strides = array<i32>} : memref<512xf32, #tpu.memory_space<vmem>>, vector<16xf32>,
    %max3A_94 = arith.maximumf %max3A_91, %get3A_93 : vector<16xf32>
    %get3A_95 = arith.constant 496 : index
    %get3A_96 = tpu.vector_load %arg9[%get3A_95] {strides = array<i32>} : memref<512xf32, #tpu.memory_space<vmem>>, vector<16xf32>,
    %max3A_97 = arith.maximumf %max3A_94, %get3A_96 : vector<16xf32>
    %swap3A = arith.constant 0 : index
    %swap3A_98 = tpu.vector_load %arg16[%swap3A] {strides = array<i32>} : memref<16xf32, #tpu.memory_space<vmem>>, vector<16xf32>,
    tpu.vector_store %arg16[%swap3A], %max3A_97 {strides = array<i32>} : memref<16xf32, #tpu.memory_space<vmem>>, vector<16xf32>,
    %xor3A = arith.constant 8 : i32
    %xor3A_99 = vector.broadcast %xor3A : i32 to vector<16xi32>
    %xor3A_100 = arith.xori %iota3A, %xor3A_99 : vector<16xi32>
    %gather3A = tpu.vector_load_idx %arg16[%xor3A_100] : memref<16xf32, #tpu.memory_space<vmem>>[vector<16xi32>], vector<16xf32>,
    %max3A_101 = arith.maximumf %max3A_97, %gather3A : vector<16xf32>
    %swap3A_102 = arith.constant 0 : index
    %swap3A_103 = tpu.vector_load %arg16[%swap3A_102] {strides = array<i32>} : memref<16xf32, #tpu.memory_space<vmem>>, vector<16xf32>,
    tpu.vector_store %arg16[%swap3A_102], %max3A_101 {strides = array<i32>} : memref<16xf32, #tpu.memory_space<vmem>>, vector<16xf32>,
    %xor3A_104 = arith.constant 4 : i32
    %xor3A_105 = vector.broadcast %xor3A_104 : i32 to vector<16xi32>
    %xor3A_106 = arith.xori %iota3A, %xor3A_105 : vector<16xi32>
    %gather3A_107 = tpu.vector_load_idx %arg16[%xor3A_106] : memref<16xf32, #tpu.memory_space<vmem>>[vector<16xi32>], vector<16xf32>,
    %max3A_108 = arith.maximumf %max3A_101, %gather3A_107 : vector<16xf32>
    %swap3A_109 = arith.constant 0 : index
    %swap3A_110 = tpu.vector_load %arg16[%swap3A_109] {strides = array<i32>} : memref<16xf32, #tpu.memory_space<vmem>>, vector<16xf32>,
    tpu.vector_store %arg16[%swap3A_109], %max3A_108 {strides = array<i32>} : memref<16xf32, #tpu.memory_space<vmem>>, vector<16xf32>,
    %xor3A_111 = arith.constant 2 : i32
    %xor3A_112 = vector.broadcast %xor3A_111 : i32 to vector<16xi32>
    %xor3A_113 = arith.xori %iota3A, %xor3A_112 : vector<16xi32>
    %gather3A_114 = tpu.vector_load_idx %arg16[%xor3A_113] : memref<16xf32, #tpu.memory_space<vmem>>[vector<16xi32>], vector<16xf32>,
    %max3A_115 = arith.maximumf %max3A_108, %gather3A_114 : vector<16xf32>
    %swap3A_116 = arith.constant 0 : index
    %swap3A_117 = tpu.vector_load %arg16[%swap3A_116] {strides = array<i32>} : memref<16xf32, #tpu.memory_space<vmem>>, vector<16xf32>,
    tpu.vector_store %arg16[%swap3A_116], %max3A_115 {strides = array<i32>} : memref<16xf32, #tpu.memory_space<vmem>>, vector<16xf32>,
    %xor3A_118 = arith.constant 1 : i32
    %xor3A_119 = vector.broadcast %xor3A_118 : i32 to vector<16xi32>
    %xor3A_120 = arith.xori %iota3A, %xor3A_119 : vector<16xi32>
    %gather3A_121 = tpu.vector_load_idx %arg16[%xor3A_120] : memref<16xf32, #tpu.memory_space<vmem>>[vector<16xi32>], vector<16xf32>,
    %max3A_122 = arith.maximumf %max3A_115, %gather3A_121 : vector<16xf32>
    %broadcast_in_dim3A = arith.constant 0.000000e+00 : f32
    %broadcast_in_dim3A_123 = vector.broadcast %broadcast_in_dim3A : f32 to vector<16xf32>
    %scan3A = arith.constant 0 : i32
    %scan3A_124 = arith.constant 0 : i32
    %scan3A_125 = arith.constant 128 : i32
    %scan3A_126 = arith.addi %scan3A_124, %scan3A_125 : i32
    %scan3A_127 = arith.constant 1 : i32
    %scan3A_128 = scf.for %scan3A_202 = %scan3A_124 to %scan3A_126 step %scan3A_127 iter_args(%scan3A_203 = %scan3A) -> (i32)  : i32 {
      %swap3A_204 = arith.index_cast %scan3A_202 : i32 to index
      %swap3A_205 = arith.constant 0 : index
      %swap3A_206 = tpu.vector_load %arg12[%swap3A_204, %swap3A_205] {strides = array<i32>} : memref<128x128xf32, #tpu.memory_space<vmem>>, vector<16xf32>,
      tpu.vector_store %arg12[%swap3A_204, %swap3A_205], %broadcast_in_dim3A_123 {strides = array<i32>} : memref<128x128xf32, #tpu.memory_space<vmem>>, vector<16xf32>,
      %swap3A_207 = arith.index_cast %scan3A_202 : i32 to index
      %swap3A_208 = arith.constant 16 : index
      %swap3A_209 = tpu.vector_load %arg12[%swap3A_207, %swap3A_208] {strides = array<i32>} : memref<128x128xf32, #tpu.memory_space<vmem>>, vector<16xf32>,
      tpu.vector_store %arg12[%swap3A_207, %swap3A_208], %broadcast_in_dim3A_123 {strides = array<i32>} : memref<128x128xf32, #tpu.memory_space<vmem>>, vector<16xf32>,
      %swap3A_210 = arith.index_cast %scan3A_202 : i32 to index
      %swap3A_211 = arith.constant 32 : index
      %swap3A_212 = tpu.vector_load %arg12[%swap3A_210, %swap3A_211] {strides = array<i32>} : memref<128x128xf32, #tpu.memory_space<vmem>>, vector<16xf32>,
      tpu.vector_store %arg12[%swap3A_210, %swap3A_211], %broadcast_in_dim3A_123 {strides = array<i32>} : memref<128x128xf32, #tpu.memory_space<vmem>>, vector<16xf32>,
      %swap3A_213 = arith.index_cast %scan3A_202 : i32 to index
      %swap3A_214 = arith.constant 48 : index
      %swap3A_215 = tpu.vector_load %arg12[%swap3A_213, %swap3A_214] {strides = array<i32>} : memref<128x128xf32, #tpu.memory_space<vmem>>, vector<16xf32>,
      tpu.vector_store %arg12[%swap3A_213, %swap3A_214], %broadcast_in_dim3A_123 {strides = array<i32>} : memref<128x128xf32, #tpu.memory_space<vmem>>, vector<16xf32>,
      %swap3A_216 = arith.index_cast %scan3A_202 : i32 to index
      %swap3A_217 = arith.constant 64 : index
      %swap3A_218 = tpu.vector_load %arg12[%swap3A_216, %swap3A_217] {strides = array<i32>} : memref<128x128xf32, #tpu.memory_space<vmem>>, vector<16xf32>,
      tpu.vector_store %arg12[%swap3A_216, %swap3A_217], %broadcast_in_dim3A_123 {strides = array<i32>} : memref<128x128xf32, #tpu.memory_space<vmem>>, vector<16xf32>,
      %swap3A_219 = arith.index_cast %scan3A_202 : i32 to index
      %swap3A_220 = arith.constant 80 : index
      %swap3A_221 = tpu.vector_load %arg12[%swap3A_219, %swap3A_220] {strides = array<i32>} : memref<128x128xf32, #tpu.memory_space<vmem>>, vector<16xf32>,
      tpu.vector_store %arg12[%swap3A_219, %swap3A_220], %broadcast_in_dim3A_123 {strides = array<i32>} : memref<128x128xf32, #tpu.memory_space<vmem>>, vector<16xf32>,
      %swap3A_222 = arith.index_cast %scan3A_202 : i32 to index
      %swap3A_223 = arith.constant 96 : index
      %swap3A_224 = tpu.vector_load %arg12[%swap3A_222, %swap3A_223] {strides = array<i32>} : memref<128x128xf32, #tpu.memory_space<vmem>>, vector<16xf32>,
      tpu.vector_store %arg12[%swap3A_222, %swap3A_223], %broadcast_in_dim3A_123 {strides = array<i32>} : memref<128x128xf32, #tpu.memory_space<vmem>>, vector<16xf32>,
      %swap3A_225 = arith.index_cast %scan3A_202 : i32 to index
      %swap3A_226 = arith.constant 112 : index
      %swap3A_227 = tpu.vector_load %arg12[%swap3A_225, %swap3A_226] {strides = array<i32>} : memref<128x128xf32, #tpu.memory_space<vmem>>, vector<16xf32>,
      tpu.vector_store %arg12[%swap3A_225, %swap3A_226], %broadcast_in_dim3A_123 {strides = array<i32>} : memref<128x128xf32, #tpu.memory_space<vmem>>, vector<16xf32>,
      %swap3A_228 = arith.index_cast %scan3A_202 : i32 to index
      %swap3A_229 = arith.constant 0 : index
      %swap3A_230 = tpu.vector_load %arg15[%swap3A_228, %swap3A_229] {strides = array<i32>} : memref<128x16xf32, #tpu.memory_space<vmem>>, vector<16xf32>,
      tpu.vector_store %arg15[%swap3A_228, %swap3A_229], %broadcast_in_dim3A_123 {strides = array<i32>} : memref<128x16xf32, #tpu.memory_space<vmem>>, vector<16xf32>,
      %scan3A_231 = arith.constant 0 : i32
      scf.yield %scan3A_231 : i32
    }
    %scan3A_129 = arith.constant 128 : i32
    %mul3A_130 = arith.constant 632 : i32
    %mul3A_131 = arith.muli %arg1, %mul3A_130 : i32
    %add3A_132 = arith.constant 0 : i32
    %add3A_133 = arith.addi %mul3A_131, %add3A_132 : i32
    "tpu.region"() ({
      %run_scoped3A = tpu.sem_alloc : memref<!tpu.dma_semaphore, #tpu.memory_space<semaphore_mem>>
      %dma_start3A = arith.constant 0 : i32
      %dma_start3A_202 = arith.constant 0 : i32
      %dma_start3A_203 = tpu.memref_slice %arg12[%dma_start3A, %dma_start3A_202] : memref<128x128xf32, #tpu.memory_space<vmem>> -> memref<128x128xf32, #tpu.memory_space<vmem>>
      %dma_start3A_204 = arith.constant 0 : i32
      %dma_start3A_205 = tpu.memref_slice %arg17[%add3A_133, %dma_start3A_204] : memref<10112x128xf32, #tpu.memory_space<vmem_shared>> -> memref<128x128xf32, #tpu.memory_space<vmem_shared>>
      %dma_start3A_206 = arith.constant 0 : i32
      %dma_start3A_207 = tpu.memref_slice %arg17[%add3A_133, %dma_start3A_206] : memref<10112x128xf32, #tpu.memory_space<vmem_shared>> -> memref<128x128xf32, #tpu.memory_space<vmem_shared>>
      %dma_start3A_208 = arith.constant 0 : i32
      %dma_start3A_209 = arith.constant 0 : i32
      %dma_start3A_210 = tpu.memref_slice %arg12[%dma_start3A_208, %dma_start3A_209] : memref<128x128xf32, #tpu.memory_space<vmem>> -> memref<128x128xf32, #tpu.memory_space<vmem>>
      tpu.enqueue_dma source(%dma_start3A_210 : memref<128x128xf32, #tpu.memory_space<vmem>>) target(%dma_start3A_207 : memref<128x128xf32, #tpu.memory_space<vmem_shared>>) target_semaphore(%run_scoped3A : memref<!tpu.dma_semaphore, #tpu.memory_space<semaphore_mem>>)
      %dma_wait3A = arith.constant 0 : i32
      %dma_wait3A_211 = arith.constant 0 : i32
      %dma_wait3A_212 = tpu.memref_slice %arg12[%dma_wait3A, %dma_wait3A_211] : memref<128x128xf32, #tpu.memory_space<vmem>> -> memref<128x128xf32, #tpu.memory_space<vmem>>
      %dma_wait3A_213 = arith.constant 0 : i32
      %dma_wait3A_214 = tpu.memref_slice %arg17[%add3A_133, %dma_wait3A_213] : memref<10112x128xf32, #tpu.memory_space<vmem_shared>> -> memref<128x128xf32, #tpu.memory_space<vmem_shared>>
      %dma_wait3A_215 = arith.constant 0 : i32
      %dma_wait3A_216 = tpu.memref_slice %arg17[%add3A_133, %dma_wait3A_215] : memref<10112x128xf32, #tpu.memory_space<vmem_shared>> -> memref<128x128xf32, #tpu.memory_space<vmem_shared>>
      %dma_wait3A_217 = arith.constant 0 : i32
      %dma_wait3A_218 = arith.constant 0 : i32
      %dma_wait3A_219 = tpu.memref_slice %arg12[%dma_wait3A_217, %dma_wait3A_218] : memref<128x128xf32, #tpu.memory_space<vmem>> -> memref<128x128xf32, #tpu.memory_space<vmem>>
      tpu.wait_dma2 semaphore(%run_scoped3A : memref<!tpu.dma_semaphore, #tpu.memory_space<semaphore_mem>>) src(%dma_wait3A_219 : memref<128x128xf32, #tpu.memory_space<vmem>>) dst(%dma_wait3A_216 : memref<128x128xf32, #tpu.memory_space<vmem_shared>>)
      tpu.yield
    }) : () -> ()
    %add3A_134 = arith.constant 0 : i32
    %add3A_135 = arith.addi %mul3A_131, %add3A_134 : i32
    "tpu.region"() ({
      %run_scoped3A = tpu.sem_alloc : memref<!tpu.dma_semaphore, #tpu.memory_space<semaphore_mem>>
      %dma_start3A = arith.constant 0 : i32
      %dma_start3A_202 = arith.constant 0 : i32
      %dma_start3A_203 = tpu.memref_slice %arg15[%dma_start3A, %dma_start3A_202] : memref<128x16xf32, #tpu.memory_space<vmem>> -> memref<128x16xf32, #tpu.memory_space<vmem>>
      %dma_start3A_204 = arith.constant 0 : i32
      %dma_start3A_205 = tpu.memref_slice %arg18[%add3A_135, %dma_start3A_204] : memref<10112x16xf32, #tpu.memory_space<vmem_shared>> -> memref<128x16xf32, #tpu.memory_space<vmem_shared>>
      %dma_start3A_206 = arith.constant 0 : i32
      %dma_start3A_207 = tpu.memref_slice %arg18[%add3A_135, %dma_start3A_206] : memref<10112x16xf32, #tpu.memory_space<vmem_shared>> -> memref<128x16xf32, #tpu.memory_space<vmem_shared>>
      %dma_start3A_208 = arith.constant 0 : i32
      %dma_start3A_209 = arith.constant 0 : i32
      %dma_start3A_210 = tpu.memref_slice %arg15[%dma_start3A_208, %dma_start3A_209] : memref<128x16xf32, #tpu.memory_space<vmem>> -> memref<128x16xf32, #tpu.memory_space<vmem>>
      tpu.enqueue_dma source(%dma_start3A_210 : memref<128x16xf32, #tpu.memory_space<vmem>>) target(%dma_start3A_207 : memref<128x16xf32, #tpu.memory_space<vmem_shared>>) target_semaphore(%run_scoped3A : memref<!tpu.dma_semaphore, #tpu.memory_space<semaphore_mem>>)
      %dma_wait3A = arith.constant 0 : i32
      %dma_wait3A_211 = arith.constant 0 : i32
      %dma_wait3A_212 = tpu.memref_slice %arg15[%dma_wait3A, %dma_wait3A_211] : memref<128x16xf32, #tpu.memory_space<vmem>> -> memref<128x16xf32, #tpu.memory_space<vmem>>
      %dma_wait3A_213 = arith.constant 0 : i32
      %dma_wait3A_214 = tpu.memref_slice %arg18[%add3A_135, %dma_wait3A_213] : memref<10112x16xf32, #tpu.memory_space<vmem_shared>> -> memref<128x16xf32, #tpu.memory_space<vmem_shared>>
      %dma_wait3A_215 = arith.constant 0 : i32
      %dma_wait3A_216 = tpu.memref_slice %arg18[%add3A_135, %dma_wait3A_215] : memref<10112x16xf32, #tpu.memory_space<vmem_shared>> -> memref<128x16xf32, #tpu.memory_space<vmem_shared>>
      %dma_wait3A_217 = arith.constant 0 : i32
      %dma_wait3A_218 = arith.constant 0 : i32
      %dma_wait3A_219 = tpu.memref_slice %arg15[%dma_wait3A_217, %dma_wait3A_218] : memref<128x16xf32, #tpu.memory_space<vmem>> -> memref<128x16xf32, #tpu.memory_space<vmem>>
      tpu.wait_dma2 semaphore(%run_scoped3A : memref<!tpu.dma_semaphore, #tpu.memory_space<semaphore_mem>>) src(%dma_wait3A_219 : memref<128x16xf32, #tpu.memory_space<vmem>>) dst(%dma_wait3A_216 : memref<128x16xf32, #tpu.memory_space<vmem_shared>>)
      tpu.yield
    }) : () -> ()
    %add3A_136 = arith.constant 128 : i32
    %add3A_137 = arith.addi %mul3A_131, %add3A_136 : i32
    "tpu.region"() ({
      %run_scoped3A = tpu.sem_alloc : memref<!tpu.dma_semaphore, #tpu.memory_space<semaphore_mem>>
      %dma_start3A = arith.constant 0 : i32
      %dma_start3A_202 = arith.constant 0 : i32
      %dma_start3A_203 = tpu.memref_slice %arg12[%dma_start3A, %dma_start3A_202] : memref<128x128xf32, #tpu.memory_space<vmem>> -> memref<128x128xf32, #tpu.memory_space<vmem>>
      %dma_start3A_204 = arith.constant 0 : i32
      %dma_start3A_205 = tpu.memref_slice %arg17[%add3A_137, %dma_start3A_204] : memref<10112x128xf32, #tpu.memory_space<vmem_shared>> -> memref<128x128xf32, #tpu.memory_space<vmem_shared>>
      %dma_start3A_206 = arith.constant 0 : i32
      %dma_start3A_207 = tpu.memref_slice %arg17[%add3A_137, %dma_start3A_206] : memref<10112x128xf32, #tpu.memory_space<vmem_shared>> -> memref<128x128xf32, #tpu.memory_space<vmem_shared>>
      %dma_start3A_208 = arith.constant 0 : i32
      %dma_start3A_209 = arith.constant 0 : i32
      %dma_start3A_210 = tpu.memref_slice %arg12[%dma_start3A_208, %dma_start3A_209] : memref<128x128xf32, #tpu.memory_space<vmem>> -> memref<128x128xf32, #tpu.memory_space<vmem>>
      tpu.enqueue_dma source(%dma_start3A_210 : memref<128x128xf32, #tpu.memory_space<vmem>>) target(%dma_start3A_207 : memref<128x128xf32, #tpu.memory_space<vmem_shared>>) target_semaphore(%run_scoped3A : memref<!tpu.dma_semaphore, #tpu.memory_space<semaphore_mem>>)
      %dma_wait3A = arith.constant 0 : i32
      %dma_wait3A_211 = arith.constant 0 : i32
      %dma_wait3A_212 = tpu.memref_slice %arg12[%dma_wait3A, %dma_wait3A_211] : memref<128x128xf32, #tpu.memory_space<vmem>> -> memref<128x128xf32, #tpu.memory_space<vmem>>
      %dma_wait3A_213 = arith.constant 0 : i32
      %dma_wait3A_214 = tpu.memref_slice %arg17[%add3A_137, %dma_wait3A_213] : memref<10112x128xf32, #tpu.memory_space<vmem_shared>> -> memref<128x128xf32, #tpu.memory_space<vmem_shared>>
      %dma_wait3A_215 = arith.constant 0 : i32
      %dma_wait3A_216 = tpu.memref_slice %arg17[%add3A_137, %dma_wait3A_215] : memref<10112x128xf32, #tpu.memory_space<vmem_shared>> -> memref<128x128xf32, #tpu.memory_space<vmem_shared>>
      %dma_wait3A_217 = arith.constant 0 : i32
      %dma_wait3A_218 = arith.constant 0 : i32
      %dma_wait3A_219 = tpu.memref_slice %arg12[%dma_wait3A_217, %dma_wait3A_218] : memref<128x128xf32, #tpu.memory_space<vmem>> -> memref<128x128xf32, #tpu.memory_space<vmem>>
      tpu.wait_dma2 semaphore(%run_scoped3A : memref<!tpu.dma_semaphore, #tpu.memory_space<semaphore_mem>>) src(%dma_wait3A_219 : memref<128x128xf32, #tpu.memory_space<vmem>>) dst(%dma_wait3A_216 : memref<128x128xf32, #tpu.memory_space<vmem_shared>>)
      tpu.yield
    }) : () -> ()
    %add3A_138 = arith.constant 128 : i32
    %add3A_139 = arith.addi %mul3A_131, %add3A_138 : i32
    "tpu.region"() ({
      %run_scoped3A = tpu.sem_alloc : memref<!tpu.dma_semaphore, #tpu.memory_space<semaphore_mem>>
      %dma_start3A = arith.constant 0 : i32
      %dma_start3A_202 = arith.constant 0 : i32
      %dma_start3A_203 = tpu.memref_slice %arg15[%dma_start3A, %dma_start3A_202] : memref<128x16xf32, #tpu.memory_space<vmem>> -> memref<128x16xf32, #tpu.memory_space<vmem>>
      %dma_start3A_204 = arith.constant 0 : i32
      %dma_start3A_205 = tpu.memref_slice %arg18[%add3A_139, %dma_start3A_204] : memref<10112x16xf32, #tpu.memory_space<vmem_shared>> -> memref<128x16xf32, #tpu.memory_space<vmem_shared>>
      %dma_start3A_206 = arith.constant 0 : i32
      %dma_start3A_207 = tpu.memref_slice %arg18[%add3A_139, %dma_start3A_206] : memref<10112x16xf32, #tpu.memory_space<vmem_shared>> -> memref<128x16xf32, #tpu.memory_space<vmem_shared>>
      %dma_start3A_208 = arith.constant 0 : i32
      %dma_start3A_209 = arith.constant 0 : i32
      %dma_start3A_210 = tpu.memref_slice %arg15[%dma_start3A_208, %dma_start3A_209] : memref<128x16xf32, #tpu.memory_space<vmem>> -> memref<128x16xf32, #tpu.memory_space<vmem>>
      tpu.enqueue_dma source(%dma_start3A_210 : memref<128x16xf32, #tpu.memory_space<vmem>>) target(%dma_start3A_207 : memref<128x16xf32, #tpu.memory_space<vmem_shared>>) target_semaphore(%run_scoped3A : memref<!tpu.dma_semaphore, #tpu.memory_space<semaphore_mem>>)
      %dma_wait3A = arith.constant 0 : i32
      %dma_wait3A_211 = arith.constant 0 : i32
      %dma_wait3A_212 = tpu.memref_slice %arg15[%dma_wait3A, %dma_wait3A_211] : memref<128x16xf32, #tpu.memory_space<vmem>> -> memref<128x16xf32, #tpu.memory_space<vmem>>
      %dma_wait3A_213 = arith.constant 0 : i32
      %dma_wait3A_214 = tpu.memref_slice %arg18[%add3A_139, %dma_wait3A_213] : memref<10112x16xf32, #tpu.memory_space<vmem_shared>> -> memref<128x16xf32, #tpu.memory_space<vmem_shared>>
      %dma_wait3A_215 = arith.constant 0 : i32
      %dma_wait3A_216 = tpu.memref_slice %arg18[%add3A_139, %dma_wait3A_215] : memref<10112x16xf32, #tpu.memory_space<vmem_shared>> -> memref<128x16xf32, #tpu.memory_space<vmem_shared>>
      %dma_wait3A_217 = arith.constant 0 : i32
      %dma_wait3A_218 = arith.constant 0 : i32
      %dma_wait3A_219 = tpu.memref_slice %arg15[%dma_wait3A_217, %dma_wait3A_218] : memref<128x16xf32, #tpu.memory_space<vmem>> -> memref<128x16xf32, #tpu.memory_space<vmem>>
      tpu.wait_dma2 semaphore(%run_scoped3A : memref<!tpu.dma_semaphore, #tpu.memory_space<semaphore_mem>>) src(%dma_wait3A_219 : memref<128x16xf32, #tpu.memory_space<vmem>>) dst(%dma_wait3A_216 : memref<128x16xf32, #tpu.memory_space<vmem_shared>>)
      tpu.yield
    }) : () -> ()
    %add3A_140 = arith.constant 256 : i32
    %add3A_141 = arith.addi %mul3A_131, %add3A_140 : i32
    "tpu.region"() ({
      %run_scoped3A = tpu.sem_alloc : memref<!tpu.dma_semaphore, #tpu.memory_space<semaphore_mem>>
      %dma_start3A = arith.constant 0 : i32
      %dma_start3A_202 = arith.constant 0 : i32
      %dma_start3A_203 = tpu.memref_slice %arg12[%dma_start3A, %dma_start3A_202] : memref<128x128xf32, #tpu.memory_space<vmem>> -> memref<128x128xf32, #tpu.memory_space<vmem>>
      %dma_start3A_204 = arith.constant 0 : i32
      %dma_start3A_205 = tpu.memref_slice %arg17[%add3A_141, %dma_start3A_204] : memref<10112x128xf32, #tpu.memory_space<vmem_shared>> -> memref<128x128xf32, #tpu.memory_space<vmem_shared>>
      %dma_start3A_206 = arith.constant 0 : i32
      %dma_start3A_207 = tpu.memref_slice %arg17[%add3A_141, %dma_start3A_206] : memref<10112x128xf32, #tpu.memory_space<vmem_shared>> -> memref<128x128xf32, #tpu.memory_space<vmem_shared>>
      %dma_start3A_208 = arith.constant 0 : i32
      %dma_start3A_209 = arith.constant 0 : i32
      %dma_start3A_210 = tpu.memref_slice %arg12[%dma_start3A_208, %dma_start3A_209] : memref<128x128xf32, #tpu.memory_space<vmem>> -> memref<128x128xf32, #tpu.memory_space<vmem>>
      tpu.enqueue_dma source(%dma_start3A_210 : memref<128x128xf32, #tpu.memory_space<vmem>>) target(%dma_start3A_207 : memref<128x128xf32, #tpu.memory_space<vmem_shared>>) target_semaphore(%run_scoped3A : memref<!tpu.dma_semaphore, #tpu.memory_space<semaphore_mem>>)
      %dma_wait3A = arith.constant 0 : i32
      %dma_wait3A_211 = arith.constant 0 : i32
      %dma_wait3A_212 = tpu.memref_slice %arg12[%dma_wait3A, %dma_wait3A_211] : memref<128x128xf32, #tpu.memory_space<vmem>> -> memref<128x128xf32, #tpu.memory_space<vmem>>
      %dma_wait3A_213 = arith.constant 0 : i32
      %dma_wait3A_214 = tpu.memref_slice %arg17[%add3A_141, %dma_wait3A_213] : memref<10112x128xf32, #tpu.memory_space<vmem_shared>> -> memref<128x128xf32, #tpu.memory_space<vmem_shared>>
      %dma_wait3A_215 = arith.constant 0 : i32
      %dma_wait3A_216 = tpu.memref_slice %arg17[%add3A_141, %dma_wait3A_215] : memref<10112x128xf32, #tpu.memory_space<vmem_shared>> -> memref<128x128xf32, #tpu.memory_space<vmem_shared>>
      %dma_wait3A_217 = arith.constant 0 : i32
      %dma_wait3A_218 = arith.constant 0 : i32
      %dma_wait3A_219 = tpu.memref_slice %arg12[%dma_wait3A_217, %dma_wait3A_218] : memref<128x128xf32, #tpu.memory_space<vmem>> -> memref<128x128xf32, #tpu.memory_space<vmem>>
      tpu.wait_dma2 semaphore(%run_scoped3A : memref<!tpu.dma_semaphore, #tpu.memory_space<semaphore_mem>>) src(%dma_wait3A_219 : memref<128x128xf32, #tpu.memory_space<vmem>>) dst(%dma_wait3A_216 : memref<128x128xf32, #tpu.memory_space<vmem_shared>>)
      tpu.yield
    }) : () -> ()
    %add3A_142 = arith.constant 256 : i32
    %add3A_143 = arith.addi %mul3A_131, %add3A_142 : i32
    "tpu.region"() ({
      %run_scoped3A = tpu.sem_alloc : memref<!tpu.dma_semaphore, #tpu.memory_space<semaphore_mem>>
      %dma_start3A = arith.constant 0 : i32
      %dma_start3A_202 = arith.constant 0 : i32
      %dma_start3A_203 = tpu.memref_slice %arg15[%dma_start3A, %dma_start3A_202] : memref<128x16xf32, #tpu.memory_space<vmem>> -> memref<128x16xf32, #tpu.memory_space<vmem>>
      %dma_start3A_204 = arith.constant 0 : i32
      %dma_start3A_205 = tpu.memref_slice %arg18[%add3A_143, %dma_start3A_204] : memref<10112x16xf32, #tpu.memory_space<vmem_shared>> -> memref<128x16xf32, #tpu.memory_space<vmem_shared>>
      %dma_start3A_206 = arith.constant 0 : i32
      %dma_start3A_207 = tpu.memref_slice %arg18[%add3A_143, %dma_start3A_206] : memref<10112x16xf32, #tpu.memory_space<vmem_shared>> -> memref<128x16xf32, #tpu.memory_space<vmem_shared>>
      %dma_start3A_208 = arith.constant 0 : i32
      %dma_start3A_209 = arith.constant 0 : i32
      %dma_start3A_210 = tpu.memref_slice %arg15[%dma_start3A_208, %dma_start3A_209] : memref<128x16xf32, #tpu.memory_space<vmem>> -> memref<128x16xf32, #tpu.memory_space<vmem>>
      tpu.enqueue_dma source(%dma_start3A_210 : memref<128x16xf32, #tpu.memory_space<vmem>>) target(%dma_start3A_207 : memref<128x16xf32, #tpu.memory_space<vmem_shared>>) target_semaphore(%run_scoped3A : memref<!tpu.dma_semaphore, #tpu.memory_space<semaphore_mem>>)
      %dma_wait3A = arith.constant 0 : i32
      %dma_wait3A_211 = arith.constant 0 : i32
      %dma_wait3A_212 = tpu.memref_slice %arg15[%dma_wait3A, %dma_wait3A_211] : memref<128x16xf32, #tpu.memory_space<vmem>> -> memref<128x16xf32, #tpu.memory_space<vmem>>
      %dma_wait3A_213 = arith.constant 0 : i32
      %dma_wait3A_214 = tpu.memref_slice %arg18[%add3A_143, %dma_wait3A_213] : memref<10112x16xf32, #tpu.memory_space<vmem_shared>> -> memref<128x16xf32, #tpu.memory_space<vmem_shared>>
      %dma_wait3A_215 = arith.constant 0 : i32
      %dma_wait3A_216 = tpu.memref_slice %arg18[%add3A_143, %dma_wait3A_215] : memref<10112x16xf32, #tpu.memory_space<vmem_shared>> -> memref<128x16xf32, #tpu.memory_space<vmem_shared>>
      %dma_wait3A_217 = arith.constant 0 : i32
      %dma_wait3A_218 = arith.constant 0 : i32
      %dma_wait3A_219 = tpu.memref_slice %arg15[%dma_wait3A_217, %dma_wait3A_218] : memref<128x16xf32, #tpu.memory_space<vmem>> -> memref<128x16xf32, #tpu.memory_space<vmem>>
      tpu.wait_dma2 semaphore(%run_scoped3A : memref<!tpu.dma_semaphore, #tpu.memory_space<semaphore_mem>>) src(%dma_wait3A_219 : memref<128x16xf32, #tpu.memory_space<vmem>>) dst(%dma_wait3A_216 : memref<128x16xf32, #tpu.memory_space<vmem_shared>>)
      tpu.yield
    }) : () -> ()
    %add3A_144 = arith.constant 384 : i32
    %add3A_145 = arith.addi %mul3A_131, %add3A_144 : i32
    "tpu.region"() ({
      %run_scoped3A = tpu.sem_alloc : memref<!tpu.dma_semaphore, #tpu.memory_space<semaphore_mem>>
      %dma_start3A = arith.constant 0 : i32
      %dma_start3A_202 = arith.constant 0 : i32
      %dma_start3A_203 = tpu.memref_slice %arg12[%dma_start3A, %dma_start3A_202] : memref<128x128xf32, #tpu.memory_space<vmem>> -> memref<128x128xf32, #tpu.memory_space<vmem>>
      %dma_start3A_204 = arith.constant 0 : i32
      %dma_start3A_205 = tpu.memref_slice %arg17[%add3A_145, %dma_start3A_204] : memref<10112x128xf32, #tpu.memory_space<vmem_shared>> -> memref<128x128xf32, #tpu.memory_space<vmem_shared>>
      %dma_start3A_206 = arith.constant 0 : i32
      %dma_start3A_207 = tpu.memref_slice %arg17[%add3A_145, %dma_start3A_206] : memref<10112x128xf32, #tpu.memory_space<vmem_shared>> -> memref<128x128xf32, #tpu.memory_space<vmem_shared>>
      %dma_start3A_208 = arith.constant 0 : i32
      %dma_start3A_209 = arith.constant 0 : i32
      %dma_start3A_210 = tpu.memref_slice %arg12[%dma_start3A_208, %dma_start3A_209] : memref<128x128xf32, #tpu.memory_space<vmem>> -> memref<128x128xf32, #tpu.memory_space<vmem>>
      tpu.enqueue_dma source(%dma_start3A_210 : memref<128x128xf32, #tpu.memory_space<vmem>>) target(%dma_start3A_207 : memref<128x128xf32, #tpu.memory_space<vmem_shared>>) target_semaphore(%run_scoped3A : memref<!tpu.dma_semaphore, #tpu.memory_space<semaphore_mem>>)
      %dma_wait3A = arith.constant 0 : i32
      %dma_wait3A_211 = arith.constant 0 : i32
      %dma_wait3A_212 = tpu.memref_slice %arg12[%dma_wait3A, %dma_wait3A_211] : memref<128x128xf32, #tpu.memory_space<vmem>> -> memref<128x128xf32, #tpu.memory_space<vmem>>
      %dma_wait3A_213 = arith.constant 0 : i32
      %dma_wait3A_214 = tpu.memref_slice %arg17[%add3A_145, %dma_wait3A_213] : memref<10112x128xf32, #tpu.memory_space<vmem_shared>> -> memref<128x128xf32, #tpu.memory_space<vmem_shared>>
      %dma_wait3A_215 = arith.constant 0 : i32
      %dma_wait3A_216 = tpu.memref_slice %arg17[%add3A_145, %dma_wait3A_215] : memref<10112x128xf32, #tpu.memory_space<vmem_shared>> -> memref<128x128xf32, #tpu.memory_space<vmem_shared>>
      %dma_wait3A_217 = arith.constant 0 : i32
      %dma_wait3A_218 = arith.constant 0 : i32
      %dma_wait3A_219 = tpu.memref_slice %arg12[%dma_wait3A_217, %dma_wait3A_218] : memref<128x128xf32, #tpu.memory_space<vmem>> -> memref<128x128xf32, #tpu.memory_space<vmem>>
      tpu.wait_dma2 semaphore(%run_scoped3A : memref<!tpu.dma_semaphore, #tpu.memory_space<semaphore_mem>>) src(%dma_wait3A_219 : memref<128x128xf32, #tpu.memory_space<vmem>>) dst(%dma_wait3A_216 : memref<128x128xf32, #tpu.memory_space<vmem_shared>>)
      tpu.yield
    }) : () -> ()
    %add3A_146 = arith.constant 384 : i32
    %add3A_147 = arith.addi %mul3A_131, %add3A_146 : i32
    "tpu.region"() ({
      %run_scoped3A = tpu.sem_alloc : memref<!tpu.dma_semaphore, #tpu.memory_space<semaphore_mem>>
      %dma_start3A = arith.constant 0 : i32
      %dma_start3A_202 = arith.constant 0 : i32
      %dma_start3A_203 = tpu.memref_slice %arg15[%dma_start3A, %dma_start3A_202] : memref<128x16xf32, #tpu.memory_space<vmem>> -> memref<128x16xf32, #tpu.memory_space<vmem>>
      %dma_start3A_204 = arith.constant 0 : i32
      %dma_start3A_205 = tpu.memref_slice %arg18[%add3A_147, %dma_start3A_204] : memref<10112x16xf32, #tpu.memory_space<vmem_shared>> -> memref<128x16xf32, #tpu.memory_space<vmem_shared>>
      %dma_start3A_206 = arith.constant 0 : i32
      %dma_start3A_207 = tpu.memref_slice %arg18[%add3A_147, %dma_start3A_206] : memref<10112x16xf32, #tpu.memory_space<vmem_shared>> -> memref<128x16xf32, #tpu.memory_space<vmem_shared>>
      %dma_start3A_208 = arith.constant 0 : i32
      %dma_start3A_209 = arith.constant 0 : i32
      %dma_start3A_210 = tpu.memref_slice %arg15[%dma_start3A_208, %dma_start3A_209] : memref<128x16xf32, #tpu.memory_space<vmem>> -> memref<128x16xf32, #tpu.memory_space<vmem>>
      tpu.enqueue_dma source(%dma_start3A_210 : memref<128x16xf32, #tpu.memory_space<vmem>>) target(%dma_start3A_207 : memref<128x16xf32, #tpu.memory_space<vmem_shared>>) target_semaphore(%run_scoped3A : memref<!tpu.dma_semaphore, #tpu.memory_space<semaphore_mem>>)
      %dma_wait3A = arith.constant 0 : i32
      %dma_wait3A_211 = arith.constant 0 : i32
      %dma_wait3A_212 = tpu.memref_slice %arg15[%dma_wait3A, %dma_wait3A_211] : memref<128x16xf32, #tpu.memory_space<vmem>> -> memref<128x16xf32, #tpu.memory_space<vmem>>
      %dma_wait3A_213 = arith.constant 0 : i32
      %dma_wait3A_214 = tpu.memref_slice %arg18[%add3A_147, %dma_wait3A_213] : memref<10112x16xf32, #tpu.memory_space<vmem_shared>> -> memref<128x16xf32, #tpu.memory_space<vmem_shared>>
      %dma_wait3A_215 = arith.constant 0 : i32
      %dma_wait3A_216 = tpu.memref_slice %arg18[%add3A_147, %dma_wait3A_215] : memref<10112x16xf32, #tpu.memory_space<vmem_shared>> -> memref<128x16xf32, #tpu.memory_space<vmem_shared>>
      %dma_wait3A_217 = arith.constant 0 : i32
      %dma_wait3A_218 = arith.constant 0 : i32
      %dma_wait3A_219 = tpu.memref_slice %arg15[%dma_wait3A_217, %dma_wait3A_218] : memref<128x16xf32, #tpu.memory_space<vmem>> -> memref<128x16xf32, #tpu.memory_space<vmem>>
      tpu.wait_dma2 semaphore(%run_scoped3A : memref<!tpu.dma_semaphore, #tpu.memory_space<semaphore_mem>>) src(%dma_wait3A_219 : memref<128x16xf32, #tpu.memory_space<vmem>>) dst(%dma_wait3A_216 : memref<128x16xf32, #tpu.memory_space<vmem_shared>>)
      tpu.yield
    }) : () -> ()
    %add3A_148 = arith.constant 512 : i32
    %add3A_149 = arith.addi %mul3A_131, %add3A_148 : i32
    "tpu.region"() ({
      %run_scoped3A = tpu.sem_alloc : memref<!tpu.dma_semaphore, #tpu.memory_space<semaphore_mem>>
      %dma_start3A = arith.constant 0 : i32
      %dma_start3A_202 = arith.constant 0 : i32
      %dma_start3A_203 = tpu.memref_slice %arg12[%dma_start3A, %dma_start3A_202] : memref<128x128xf32, #tpu.memory_space<vmem>> -> memref<120x128xf32, #tpu.memory_space<vmem>>
      %dma_start3A_204 = arith.constant 0 : i32
      %dma_start3A_205 = tpu.memref_slice %arg17[%add3A_149, %dma_start3A_204] : memref<10112x128xf32, #tpu.memory_space<vmem_shared>> -> memref<120x128xf32, #tpu.memory_space<vmem_shared>>
      %dma_start3A_206 = arith.constant 0 : i32
      %dma_start3A_207 = tpu.memref_slice %arg17[%add3A_149, %dma_start3A_206] : memref<10112x128xf32, #tpu.memory_space<vmem_shared>> -> memref<120x128xf32, #tpu.memory_space<vmem_shared>>
      %dma_start3A_208 = arith.constant 0 : i32
      %dma_start3A_209 = arith.constant 0 : i32
      %dma_start3A_210 = tpu.memref_slice %arg12[%dma_start3A_208, %dma_start3A_209] : memref<128x128xf32, #tpu.memory_space<vmem>> -> memref<120x128xf32, #tpu.memory_space<vmem>>
      tpu.enqueue_dma source(%dma_start3A_210 : memref<120x128xf32, #tpu.memory_space<vmem>>) target(%dma_start3A_207 : memref<120x128xf32, #tpu.memory_space<vmem_shared>>) target_semaphore(%run_scoped3A : memref<!tpu.dma_semaphore, #tpu.memory_space<semaphore_mem>>)
      %dma_wait3A = arith.constant 0 : i32
      %dma_wait3A_211 = arith.constant 0 : i32
      %dma_wait3A_212 = tpu.memref_slice %arg12[%dma_wait3A, %dma_wait3A_211] : memref<128x128xf32, #tpu.memory_space<vmem>> -> memref<120x128xf32, #tpu.memory_space<vmem>>
      %dma_wait3A_213 = arith.constant 0 : i32
      %dma_wait3A_214 = tpu.memref_slice %arg17[%add3A_149, %dma_wait3A_213] : memref<10112x128xf32, #tpu.memory_space<vmem_shared>> -> memref<120x128xf32, #tpu.memory_space<vmem_shared>>
      %dma_wait3A_215 = arith.constant 0 : i32
      %dma_wait3A_216 = tpu.memref_slice %arg17[%add3A_149, %dma_wait3A_215] : memref<10112x128xf32, #tpu.memory_space<vmem_shared>> -> memref<120x128xf32, #tpu.memory_space<vmem_shared>>
      %dma_wait3A_217 = arith.constant 0 : i32
      %dma_wait3A_218 = arith.constant 0 : i32
      %dma_wait3A_219 = tpu.memref_slice %arg12[%dma_wait3A_217, %dma_wait3A_218] : memref<128x128xf32, #tpu.memory_space<vmem>> -> memref<120x128xf32, #tpu.memory_space<vmem>>
      tpu.wait_dma2 semaphore(%run_scoped3A : memref<!tpu.dma_semaphore, #tpu.memory_space<semaphore_mem>>) src(%dma_wait3A_219 : memref<120x128xf32, #tpu.memory_space<vmem>>) dst(%dma_wait3A_216 : memref<120x128xf32, #tpu.memory_space<vmem_shared>>)
      tpu.yield
    }) : () -> ()
    %add3A_150 = arith.constant 512 : i32
    %add3A_151 = arith.addi %mul3A_131, %add3A_150 : i32
    "tpu.region"() ({
      %run_scoped3A = tpu.sem_alloc : memref<!tpu.dma_semaphore, #tpu.memory_space<semaphore_mem>>
      %dma_start3A = arith.constant 0 : i32
      %dma_start3A_202 = arith.constant 0 : i32
      %dma_start3A_203 = tpu.memref_slice %arg15[%dma_start3A, %dma_start3A_202] : memref<128x16xf32, #tpu.memory_space<vmem>> -> memref<120x16xf32, #tpu.memory_space<vmem>>
      %dma_start3A_204 = arith.constant 0 : i32
      %dma_start3A_205 = tpu.memref_slice %arg18[%add3A_151, %dma_start3A_204] : memref<10112x16xf32, #tpu.memory_space<vmem_shared>> -> memref<120x16xf32, #tpu.memory_space<vmem_shared>>
      %dma_start3A_206 = arith.constant 0 : i32
      %dma_start3A_207 = tpu.memref_slice %arg18[%add3A_151, %dma_start3A_206] : memref<10112x16xf32, #tpu.memory_space<vmem_shared>> -> memref<120x16xf32, #tpu.memory_space<vmem_shared>>
      %dma_start3A_208 = arith.constant 0 : i32
      %dma_start3A_209 = arith.constant 0 : i32
      %dma_start3A_210 = tpu.memref_slice %arg15[%dma_start3A_208, %dma_start3A_209] : memref<128x16xf32, #tpu.memory_space<vmem>> -> memref<120x16xf32, #tpu.memory_space<vmem>>
      tpu.enqueue_dma source(%dma_start3A_210 : memref<120x16xf32, #tpu.memory_space<vmem>>) target(%dma_start3A_207 : memref<120x16xf32, #tpu.memory_space<vmem_shared>>) target_semaphore(%run_scoped3A : memref<!tpu.dma_semaphore, #tpu.memory_space<semaphore_mem>>)
      %dma_wait3A = arith.constant 0 : i32
      %dma_wait3A_211 = arith.constant 0 : i32
      %dma_wait3A_212 = tpu.memref_slice %arg15[%dma_wait3A, %dma_wait3A_211] : memref<128x16xf32, #tpu.memory_space<vmem>> -> memref<120x16xf32, #tpu.memory_space<vmem>>
      %dma_wait3A_213 = arith.constant 0 : i32
      %dma_wait3A_214 = tpu.memref_slice %arg18[%add3A_151, %dma_wait3A_213] : memref<10112x16xf32, #tpu.memory_space<vmem_shared>> -> memref<120x16xf32, #tpu.memory_space<vmem_shared>>
      %dma_wait3A_215 = arith.constant 0 : i32
      %dma_wait3A_216 = tpu.memref_slice %arg18[%add3A_151, %dma_wait3A_215] : memref<10112x16xf32, #tpu.memory_space<vmem_shared>> -> memref<120x16xf32, #tpu.memory_space<vmem_shared>>
      %dma_wait3A_217 = arith.constant 0 : i32
      %dma_wait3A_218 = arith.constant 0 : i32
      %dma_wait3A_219 = tpu.memref_slice %arg15[%dma_wait3A_217, %dma_wait3A_218] : memref<128x16xf32, #tpu.memory_space<vmem>> -> memref<120x16xf32, #tpu.memory_space<vmem>>
      tpu.wait_dma2 semaphore(%run_scoped3A : memref<!tpu.dma_semaphore, #tpu.memory_space<semaphore_mem>>) src(%dma_wait3A_219 : memref<120x16xf32, #tpu.memory_space<vmem>>) dst(%dma_wait3A_216 : memref<120x16xf32, #tpu.memory_space<vmem_shared>>)
      tpu.yield
    }) : () -> ()
    %barrier3A = arith.constant 0 : index
    tpu.barrier barrier_id(%barrier3A)
    %broadcast_in_dim3A_152 = arith.constant 0.000000e+00 : f32
    %broadcast_in_dim3A_153 = vector.broadcast %broadcast_in_dim3A_152 : f32 to vector<16xf32>
    %scan3A_154 = arith.constant 0 : i32
    %scan3A_155 = arith.constant 0 : i32
    %scan3A_156 = arith.constant 79 : i32
    %scan3A_157 = arith.addi %scan3A_155, %scan3A_156 : i32
    %scan3A_158 = arith.constant 1 : i32
    %scan3A_159 = scf.for %scan3A_202 = %scan3A_155 to %scan3A_157 step %scan3A_158 iter_args(%scan3A_203 = %scan3A_154) -> (i32)  : i32 {
      %mul3A_204 = arith.constant 128 : i32
      %mul3A_205 = arith.muli %scan3A_202, %mul3A_204 : i32
      %add3A_206 = arith.addi %mul3A_2, %mul3A_205 : i32
      "tpu.region"() ({
        %run_scoped3A = tpu.sem_alloc : memref<!tpu.dma_semaphore, #tpu.memory_space<semaphore_mem>>
        %dma_start3A_228 = tpu.memref_slice %arg3[%add3A_206] : memref<323584xi32, #tpu.memory_space<hbm>> -> memref<128xi32, #tpu.memory_space<hbm>>
        %dma_start3A_229 = tpu.memref_slice %arg3[%add3A_206] : memref<323584xi32, #tpu.memory_space<hbm>> -> memref<128xi32, #tpu.memory_space<hbm>>
        tpu.enqueue_dma source(%dma_start3A_229 : memref<128xi32, #tpu.memory_space<hbm>>) target(%arg10 : memref<128xi32, #tpu.memory_space<vmem>>) target_semaphore(%run_scoped3A : memref<!tpu.dma_semaphore, #tpu.memory_space<semaphore_mem>>)
        %dma_wait3A_230 = tpu.memref_slice %arg3[%add3A_206] : memref<323584xi32, #tpu.memory_space<hbm>> -> memref<128xi32, #tpu.memory_space<hbm>>
        %dma_wait3A_231 = tpu.memref_slice %arg3[%add3A_206] : memref<323584xi32, #tpu.memory_space<hbm>> -> memref<128xi32, #tpu.memory_space<hbm>>
        tpu.wait_dma2 semaphore(%run_scoped3A : memref<!tpu.dma_semaphore, #tpu.memory_space<semaphore_mem>>) src(%dma_wait3A_231 : memref<128xi32, #tpu.memory_space<hbm>>) dst(%arg10 : memref<128xi32, #tpu.memory_space<vmem>>)
        tpu.yield
      }) : () -> ()
      "tpu.region"() ({
        %run_scoped3A = tpu.sem_alloc : memref<!tpu.dma_semaphore, #tpu.memory_space<semaphore_mem>>
        %dma_start3A_228 = tpu.memref_slice %arg4[%add3A_206] : memref<323584xi32, #tpu.memory_space<hbm>> -> memref<128xi32, #tpu.memory_space<hbm>>
        %dma_start3A_229 = tpu.memref_slice %arg4[%add3A_206] : memref<323584xi32, #tpu.memory_space<hbm>> -> memref<128xi32, #tpu.memory_space<hbm>>
        tpu.enqueue_dma source(%dma_start3A_229 : memref<128xi32, #tpu.memory_space<hbm>>) target(%arg11 : memref<128xi32, #tpu.memory_space<vmem>>) target_semaphore(%run_scoped3A : memref<!tpu.dma_semaphore, #tpu.memory_space<semaphore_mem>>)
        %dma_wait3A_230 = tpu.memref_slice %arg4[%add3A_206] : memref<323584xi32, #tpu.memory_space<hbm>> -> memref<128xi32, #tpu.memory_space<hbm>>
        %dma_wait3A_231 = tpu.memref_slice %arg4[%add3A_206] : memref<323584xi32, #tpu.memory_space<hbm>> -> memref<128xi32, #tpu.memory_space<hbm>>
        tpu.wait_dma2 semaphore(%run_scoped3A : memref<!tpu.dma_semaphore, #tpu.memory_space<semaphore_mem>>) src(%dma_wait3A_231 : memref<128xi32, #tpu.memory_space<hbm>>) dst(%arg11 : memref<128xi32, #tpu.memory_space<vmem>>)
        tpu.yield
      }) : () -> ()
      %mul3A_207 = arith.constant 4 : i32
      %mul3A_208 = arith.muli %add3A_206, %mul3A_207 : i32
      "tpu.region"() ({
        %run_scoped3A = tpu.sem_alloc : memref<!tpu.dma_semaphore, #tpu.memory_space<semaphore_mem>>
        %dma_start3A_228 = tpu.memref_slice %arg5[%mul3A_208] : memref<1294336xf32, #tpu.memory_space<hbm>> -> memref<512xf32, #tpu.memory_space<hbm>>
        %dma_start3A_229 = tpu.memref_slice %arg5[%mul3A_208] : memref<1294336xf32, #tpu.memory_space<hbm>> -> memref<512xf32, #tpu.memory_space<hbm>>
        tpu.enqueue_dma source(%dma_start3A_229 : memref<512xf32, #tpu.memory_space<hbm>>) target(%arg13 : memref<512xf32, #tpu.memory_space<vmem>>) target_semaphore(%run_scoped3A : memref<!tpu.dma_semaphore, #tpu.memory_space<semaphore_mem>>)
        %dma_wait3A_230 = tpu.memref_slice %arg5[%mul3A_208] : memref<1294336xf32, #tpu.memory_space<hbm>> -> memref<512xf32, #tpu.memory_space<hbm>>
        %dma_wait3A_231 = tpu.memref_slice %arg5[%mul3A_208] : memref<1294336xf32, #tpu.memory_space<hbm>> -> memref<512xf32, #tpu.memory_space<hbm>>
        tpu.wait_dma2 semaphore(%run_scoped3A : memref<!tpu.dma_semaphore, #tpu.memory_space<semaphore_mem>>) src(%dma_wait3A_231 : memref<512xf32, #tpu.memory_space<hbm>>) dst(%arg13 : memref<512xf32, #tpu.memory_space<vmem>>)
        tpu.yield
      }) : () -> ()
      %dma_start3A = arith.constant 0 : i32
      %dma_start3A_209 = arith.constant 0 : i32
      %dma_start3A_210 = tpu.memref_slice %arg2[%dma_start3A, %dma_start3A_209] : memref<10000x128xf32, #tpu.memory_space<hbm>> -> memref<10000x128xf32, #tpu.memory_space<hbm>>
      tpu.enqueue_indirect_dma source(%dma_start3A_210 : memref<10000x128xf32, #tpu.memory_space<hbm>>) target(%arg12 : memref<128x128xf32, #tpu.memory_space<vmem>>) offsets(%arg10 : memref<128xi32, #tpu.memory_space<vmem>>) semaphore(%arg19 : memref<!tpu.dma_semaphore, #tpu.memory_space<semaphore_mem>>)
      %scan3A_211 = arith.constant 0 : i32
      %scan3A_212 = arith.constant 0 : i32
      %scan3A_213 = arith.constant 32 : i32
      %scan3A_214 = arith.addi %scan3A_212, %scan3A_213 : i32
      %scan3A_215 = arith.constant 1 : i32
      %scan3A_216 = scf.for %scan3A_228 = %scan3A_212 to %scan3A_214 step %scan3A_215 iter_args(%scan3A_229 = %scan3A_211) -> (i32)  : i32 {
        %mul3A_230 = arith.constant 16 : i32
        %mul3A_231 = arith.muli %mul3A_230, %scan3A_228 : i32
        %get3A_232 = arith.index_cast %mul3A_231 : i32 to index
        %get3A_233 = tpu.vector_load %arg13[%get3A_232] {strides = array<i32>} : memref<512xf32, #tpu.memory_space<vmem>>, vector<16xf32>,
        %sub3A = arith.subf %get3A_233, %max3A_122 : vector<16xf32>
        %exp3A = math.exp %sub3A : vector<16xf32>
        %mul3A_234 = arith.constant 16 : i32
        %mul3A_235 = arith.muli %mul3A_234, %scan3A_228 : i32
        %swap3A_236 = arith.index_cast %mul3A_235 : i32 to index
        %swap3A_237 = tpu.vector_load %arg14[%swap3A_236] {strides = array<i32>} : memref<544xf32, #tpu.memory_space<vmem>>, vector<16xf32>,
        tpu.vector_store %arg14[%swap3A_236], %exp3A {strides = array<i32>} : memref<544xf32, #tpu.memory_space<vmem>>, vector<16xf32>,
        %scan3A_238 = arith.constant 0 : i32
        scf.yield %scan3A_238 : i32
      }
      %scan3A_217 = arith.constant 32 : i32
      %dma_wait3A = arith.constant 0 : i32
      %dma_wait3A_218 = arith.constant 0 : i32
      %dma_wait3A_219 = tpu.memref_slice %arg2[%dma_wait3A, %dma_wait3A_218] : memref<10000x128xf32, #tpu.memory_space<hbm>> -> memref<10000x128xf32, #tpu.memory_space<hbm>>
      tpu.wait_indirect_dma semaphore(%arg19 : memref<!tpu.dma_semaphore, #tpu.memory_space<semaphore_mem>>) src(%dma_wait3A_219 : memref<10000x128xf32, #tpu.memory_space<hbm>>) dst(%arg12 : memref<128x128xf32, #tpu.memory_space<vmem>>)
      %scan3A_220 = arith.constant 0 : i32
      %scan3A_221 = arith.constant 0 : i32
      %scan3A_222 = arith.constant 128 : i32
      %scan3A_223 = arith.addi %scan3A_221, %scan3A_222 : i32
      %scan3A_224 = arith.constant 1 : i32
      %scan3A_225 = scf.for %scan3A_228 = %scan3A_221 to %scan3A_223 step %scan3A_224 iter_args(%scan3A_229 = %scan3A_220) -> (i32)  : i32 {
        %mul3A_230 = arith.constant 4 : i32
        %mul3A_231 = arith.muli %mul3A_230, %scan3A_228 : i32
        %get3A_232 = arith.index_cast %mul3A_231 : i32 to index
        %get3A_233 = tpu.vector_load %arg14[%get3A_232] {strides = array<i32>} : memref<544xf32, #tpu.memory_space<vmem>>, vector<16xf32>,
        %select_n3A = arith.select %lt3A_4, %get3A_233, %broadcast_in_dim3A_153 : vector<16xi1>, vector<16xf32>
        %swap3A_234 = arith.index_cast %scan3A_228 : i32 to index
        %swap3A_235 = arith.constant 0 : index
        %swap3A_236 = tpu.vector_load %arg15[%swap3A_234, %swap3A_235] {strides = array<i32>} : memref<128x16xf32, #tpu.memory_space<vmem>>, vector<16xf32>,
        tpu.vector_store %arg15[%swap3A_234, %swap3A_235], %select_n3A {strides = array<i32>} : memref<128x16xf32, #tpu.memory_space<vmem>>, vector<16xf32>,
        %slice3A = vector.extract_strided_slice %get3A_233 {offsets = [0], sizes = [1], strides = [1]} : vector<16xf32> to vector<1xf32>
        %squeeze3A = vector.extract %slice3A[0] : f32 from vector<1xf32>
        %get3A_237 = arith.index_cast %scan3A_228 : i32 to index
        %get3A_238 = arith.constant 0 : index
        %get3A_239 = tpu.vector_load %arg12[%get3A_237, %get3A_238] {strides = array<i32>} : memref<128x128xf32, #tpu.memory_space<vmem>>, vector<16xf32>,
        %mul3A_240 = vector.broadcast %squeeze3A : f32 to vector<16xf32>
        %mul3A_241 = arith.mulf %get3A_239, %mul3A_240 : vector<16xf32>
        %swap3A_242 = arith.index_cast %scan3A_228 : i32 to index
        %swap3A_243 = arith.constant 0 : index
        %swap3A_244 = tpu.vector_load %arg12[%swap3A_242, %swap3A_243] {strides = array<i32>} : memref<128x128xf32, #tpu.memory_space<vmem>>, vector<16xf32>,
        tpu.vector_store %arg12[%swap3A_242, %swap3A_243], %mul3A_241 {strides = array<i32>} : memref<128x128xf32, #tpu.memory_space<vmem>>, vector<16xf32>,
        %get3A_245 = arith.index_cast %scan3A_228 : i32 to index
        %get3A_246 = arith.constant 16 : index
        %get3A_247 = tpu.vector_load %arg12[%get3A_245, %get3A_246] {strides = array<i32>} : memref<128x128xf32, #tpu.memory_space<vmem>>, vector<16xf32>,
        %mul3A_248 = vector.broadcast %squeeze3A : f32 to vector<16xf32>
        %mul3A_249 = arith.mulf %get3A_247, %mul3A_248 : vector<16xf32>
        %swap3A_250 = arith.index_cast %scan3A_228 : i32 to index
        %swap3A_251 = arith.constant 16 : index
        %swap3A_252 = tpu.vector_load %arg12[%swap3A_250, %swap3A_251] {strides = array<i32>} : memref<128x128xf32, #tpu.memory_space<vmem>>, vector<16xf32>,
        tpu.vector_store %arg12[%swap3A_250, %swap3A_251], %mul3A_249 {strides = array<i32>} : memref<128x128xf32, #tpu.memory_space<vmem>>, vector<16xf32>,
        %slice3A_253 = vector.extract_strided_slice %get3A_233 {offsets = [1], sizes = [1], strides = [1]} : vector<16xf32> to vector<1xf32>
        %squeeze3A_254 = vector.extract %slice3A_253[0] : f32 from vector<1xf32>
        %get3A_255 = arith.index_cast %scan3A_228 : i32 to index
        %get3A_256 = arith.constant 32 : index
        %get3A_257 = tpu.vector_load %arg12[%get3A_255, %get3A_256] {strides = array<i32>} : memref<128x128xf32, #tpu.memory_space<vmem>>, vector<16xf32>,
        %mul3A_258 = vector.broadcast %squeeze3A_254 : f32 to vector<16xf32>
        %mul3A_259 = arith.mulf %get3A_257, %mul3A_258 : vector<16xf32>
        %swap3A_260 = arith.index_cast %scan3A_228 : i32 to index
        %swap3A_261 = arith.constant 32 : index
        %swap3A_262 = tpu.vector_load %arg12[%swap3A_260, %swap3A_261] {strides = array<i32>} : memref<128x128xf32, #tpu.memory_space<vmem>>, vector<16xf32>,
        tpu.vector_store %arg12[%swap3A_260, %swap3A_261], %mul3A_259 {strides = array<i32>} : memref<128x128xf32, #tpu.memory_space<vmem>>, vector<16xf32>,
        %get3A_263 = arith.index_cast %scan3A_228 : i32 to index
        %get3A_264 = arith.constant 48 : index
        %get3A_265 = tpu.vector_load %arg12[%get3A_263, %get3A_264] {strides = array<i32>} : memref<128x128xf32, #tpu.memory_space<vmem>>, vector<16xf32>,
        %mul3A_266 = vector.broadcast %squeeze3A_254 : f32 to vector<16xf32>
        %mul3A_267 = arith.mulf %get3A_265, %mul3A_266 : vector<16xf32>
        %swap3A_268 = arith.index_cast %scan3A_228 : i32 to index
        %swap3A_269 = arith.constant 48 : index
        %swap3A_270 = tpu.vector_load %arg12[%swap3A_268, %swap3A_269] {strides = array<i32>} : memref<128x128xf32, #tpu.memory_space<vmem>>, vector<16xf32>,
        tpu.vector_store %arg12[%swap3A_268, %swap3A_269], %mul3A_267 {strides = array<i32>} : memref<128x128xf32, #tpu.memory_space<vmem>>, vector<16xf32>,
        %slice3A_271 = vector.extract_strided_slice %get3A_233 {offsets = [2], sizes = [1], strides = [1]} : vector<16xf32> to vector<1xf32>
        %squeeze3A_272 = vector.extract %slice3A_271[0] : f32 from vector<1xf32>
        %get3A_273 = arith.index_cast %scan3A_228 : i32 to index
        %get3A_274 = arith.constant 64 : index
        %get3A_275 = tpu.vector_load %arg12[%get3A_273, %get3A_274] {strides = array<i32>} : memref<128x128xf32, #tpu.memory_space<vmem>>, vector<16xf32>,
        %mul3A_276 = vector.broadcast %squeeze3A_272 : f32 to vector<16xf32>
        %mul3A_277 = arith.mulf %get3A_275, %mul3A_276 : vector<16xf32>
        %swap3A_278 = arith.index_cast %scan3A_228 : i32 to index
        %swap3A_279 = arith.constant 64 : index
        %swap3A_280 = tpu.vector_load %arg12[%swap3A_278, %swap3A_279] {strides = array<i32>} : memref<128x128xf32, #tpu.memory_space<vmem>>, vector<16xf32>,
        tpu.vector_store %arg12[%swap3A_278, %swap3A_279], %mul3A_277 {strides = array<i32>} : memref<128x128xf32, #tpu.memory_space<vmem>>, vector<16xf32>,
        %get3A_281 = arith.index_cast %scan3A_228 : i32 to index
        %get3A_282 = arith.constant 80 : index
        %get3A_283 = tpu.vector_load %arg12[%get3A_281, %get3A_282] {strides = array<i32>} : memref<128x128xf32, #tpu.memory_space<vmem>>, vector<16xf32>,
        %mul3A_284 = vector.broadcast %squeeze3A_272 : f32 to vector<16xf32>
        %mul3A_285 = arith.mulf %get3A_283, %mul3A_284 : vector<16xf32>
        %swap3A_286 = arith.index_cast %scan3A_228 : i32 to index
        %swap3A_287 = arith.constant 80 : index
        %swap3A_288 = tpu.vector_load %arg12[%swap3A_286, %swap3A_287] {strides = array<i32>} : memref<128x128xf32, #tpu.memory_space<vmem>>, vector<16xf32>,
        tpu.vector_store %arg12[%swap3A_286, %swap3A_287], %mul3A_285 {strides = array<i32>} : memref<128x128xf32, #tpu.memory_space<vmem>>, vector<16xf32>,
        %slice3A_289 = vector.extract_strided_slice %get3A_233 {offsets = [3], sizes = [1], strides = [1]} : vector<16xf32> to vector<1xf32>
        %squeeze3A_290 = vector.extract %slice3A_289[0] : f32 from vector<1xf32>
        %get3A_291 = arith.index_cast %scan3A_228 : i32 to index
        %get3A_292 = arith.constant 96 : index
        %get3A_293 = tpu.vector_load %arg12[%get3A_291, %get3A_292] {strides = array<i32>} : memref<128x128xf32, #tpu.memory_space<vmem>>, vector<16xf32>,
        %mul3A_294 = vector.broadcast %squeeze3A_290 : f32 to vector<16xf32>
        %mul3A_295 = arith.mulf %get3A_293, %mul3A_294 : vector<16xf32>
        %swap3A_296 = arith.index_cast %scan3A_228 : i32 to index
        %swap3A_297 = arith.constant 96 : index
        %swap3A_298 = tpu.vector_load %arg12[%swap3A_296, %swap3A_297] {strides = array<i32>} : memref<128x128xf32, #tpu.memory_space<vmem>>, vector<16xf32>,
        tpu.vector_store %arg12[%swap3A_296, %swap3A_297], %mul3A_295 {strides = array<i32>} : memref<128x128xf32, #tpu.memory_space<vmem>>, vector<16xf32>,
        %get3A_299 = arith.index_cast %scan3A_228 : i32 to index
        %get3A_300 = arith.constant 112 : index
        %get3A_301 = tpu.vector_load %arg12[%get3A_299, %get3A_300] {strides = array<i32>} : memref<128x128xf32, #tpu.memory_space<vmem>>, vector<16xf32>,
        %mul3A_302 = vector.broadcast %squeeze3A_290 : f32 to vector<16xf32>
        %mul3A_303 = arith.mulf %get3A_301, %mul3A_302 : vector<16xf32>
        %swap3A_304 = arith.index_cast %scan3A_228 : i32 to index
        %swap3A_305 = arith.constant 112 : index
        %swap3A_306 = tpu.vector_load %arg12[%swap3A_304, %swap3A_305] {strides = array<i32>} : memref<128x128xf32, #tpu.memory_space<vmem>>, vector<16xf32>,
        tpu.vector_store %arg12[%swap3A_304, %swap3A_305], %mul3A_303 {strides = array<i32>} : memref<128x128xf32, #tpu.memory_space<vmem>>, vector<16xf32>,
        %scan3A_307 = arith.constant 0 : i32
        scf.yield %scan3A_307 : i32
      }
      %scan3A_226 = arith.constant 128 : i32
      "tpu.region"() ({
        %run_scoped3A = tpu.sem_alloc : memref<!tpu.dma_semaphore, #tpu.memory_space<semaphore_mem>>
        %dma_start3A_228 = arith.constant 0 : i32
        %dma_start3A_229 = arith.constant 0 : i32
        %dma_start3A_230 = tpu.memref_slice %arg17[%dma_start3A_228, %dma_start3A_229] : memref<10112x128xf32, #tpu.memory_space<vmem_shared>> -> memref<10112x128xf32, #tpu.memory_space<vmem_shared>>
        tpu.enqueue_indirect_dma source(%arg12 : memref<128x128xf32, #tpu.memory_space<vmem>>) target(%dma_start3A_230 : memref<10112x128xf32, #tpu.memory_space<vmem_shared>>) offsets(%arg11 : memref<128xi32, #tpu.memory_space<vmem>>) semaphore(%run_scoped3A : memref<!tpu.dma_semaphore, #tpu.memory_space<semaphore_mem>>) {add = true}
        %dma_wait3A_231 = arith.constant 0 : i32
        %dma_wait3A_232 = arith.constant 0 : i32
        %dma_wait3A_233 = tpu.memref_slice %arg17[%dma_wait3A_231, %dma_wait3A_232] : memref<10112x128xf32, #tpu.memory_space<vmem_shared>> -> memref<10112x128xf32, #tpu.memory_space<vmem_shared>>
        tpu.wait_indirect_dma semaphore(%run_scoped3A : memref<!tpu.dma_semaphore, #tpu.memory_space<semaphore_mem>>) src(%arg12 : memref<128x128xf32, #tpu.memory_space<vmem>>) dst(%dma_wait3A_233 : memref<10112x128xf32, #tpu.memory_space<vmem_shared>>)
        tpu.yield
      }) : () -> ()
      "tpu.region"() ({
        %run_scoped3A = tpu.sem_alloc : memref<!tpu.dma_semaphore, #tpu.memory_space<semaphore_mem>>
        %dma_start3A_228 = arith.constant 0 : i32
        %dma_start3A_229 = arith.constant 0 : i32
        %dma_start3A_230 = tpu.memref_slice %arg18[%dma_start3A_228, %dma_start3A_229] : memref<10112x16xf32, #tpu.memory_space<vmem_shared>> -> memref<10112x16xf32, #tpu.memory_space<vmem_shared>>
        tpu.enqueue_indirect_dma source(%arg15 : memref<128x16xf32, #tpu.memory_space<vmem>>) target(%dma_start3A_230 : memref<10112x16xf32, #tpu.memory_space<vmem_shared>>) offsets(%arg11 : memref<128xi32, #tpu.memory_space<vmem>>) semaphore(%run_scoped3A : memref<!tpu.dma_semaphore, #tpu.memory_space<semaphore_mem>>) {add = true}
        %dma_wait3A_231 = arith.constant 0 : i32
        %dma_wait3A_232 = arith.constant 0 : i32
        %dma_wait3A_233 = tpu.memref_slice %arg18[%dma_wait3A_231, %dma_wait3A_232] : memref<10112x16xf32, #tpu.memory_space<vmem_shared>> -> memref<10112x16xf32, #tpu.memory_space<vmem_shared>>
        tpu.wait_indirect_dma semaphore(%run_scoped3A : memref<!tpu.dma_semaphore, #tpu.memory_space<semaphore_mem>>) src(%arg15 : memref<128x16xf32, #tpu.memory_space<vmem>>) dst(%dma_wait3A_233 : memref<10112x16xf32, #tpu.memory_space<vmem_shared>>)
        tpu.yield
      }) : () -> ()
      %scan3A_227 = arith.constant 0 : i32
      scf.yield %scan3A_227 : i32
    }
    %scan3A_160 = arith.constant 79 : i32
    %barrier3A_161 = arith.constant 0 : index
    tpu.barrier barrier_id(%barrier3A_161)
    %add3A_162 = arith.constant 0 : i32
    %add3A_163 = arith.addi %mul3A_131, %add3A_162 : i32
    %add3A_164 = arith.constant 0 : i32
    %add3A_165 = arith.addi %mul3A_131, %add3A_164 : i32
    "tpu.region"() ({
      %run_scoped3A = tpu.sem_alloc : memref<!tpu.dma_semaphore, #tpu.memory_space<semaphore_mem>>
      %dma_start3A = arith.constant 0 : i32
      %dma_start3A_202 = tpu.memref_slice %arg7[%arg0, %add3A_165, %dma_start3A] : memref<2x10112x128xf32, #tpu.memory_space<hbm>> -> memref<1x128x128xf32, #tpu.memory_space<hbm>>
      %dma_start3A_203 = tpu.memref_squeeze %dma_start3A_202 : memref<1x128x128xf32, #tpu.memory_space<hbm>> -> memref<128x128xf32, #tpu.memory_space<hbm>>
      %dma_start3A_204 = arith.constant 0 : i32
      %dma_start3A_205 = tpu.memref_slice %arg17[%add3A_163, %dma_start3A_204] : memref<10112x128xf32, #tpu.memory_space<vmem_shared>> -> memref<128x128xf32, #tpu.memory_space<vmem_shared>>
      tpu.enqueue_dma source(%dma_start3A_205 : memref<128x128xf32, #tpu.memory_space<vmem_shared>>) target(%dma_start3A_203 : memref<128x128xf32, #tpu.memory_space<hbm>>) target_semaphore(%run_scoped3A : memref<!tpu.dma_semaphore, #tpu.memory_space<semaphore_mem>>)
      %dma_wait3A = arith.constant 0 : i32
      %dma_wait3A_206 = tpu.memref_slice %arg7[%arg0, %add3A_165, %dma_wait3A] : memref<2x10112x128xf32, #tpu.memory_space<hbm>> -> memref<1x128x128xf32, #tpu.memory_space<hbm>>
      %dma_wait3A_207 = tpu.memref_squeeze %dma_wait3A_206 : memref<1x128x128xf32, #tpu.memory_space<hbm>> -> memref<128x128xf32, #tpu.memory_space<hbm>>
      %dma_wait3A_208 = arith.constant 0 : i32
      %dma_wait3A_209 = tpu.memref_slice %arg17[%add3A_163, %dma_wait3A_208] : memref<10112x128xf32, #tpu.memory_space<vmem_shared>> -> memref<128x128xf32, #tpu.memory_space<vmem_shared>>
      tpu.wait_dma2 semaphore(%run_scoped3A : memref<!tpu.dma_semaphore, #tpu.memory_space<semaphore_mem>>) src(%dma_wait3A_209 : memref<128x128xf32, #tpu.memory_space<vmem_shared>>) dst(%dma_wait3A_207 : memref<128x128xf32, #tpu.memory_space<hbm>>)
      tpu.yield
    }) : () -> ()
    %add3A_166 = arith.constant 0 : i32
    %add3A_167 = arith.addi %mul3A_131, %add3A_166 : i32
    %add3A_168 = arith.constant 0 : i32
    %add3A_169 = arith.addi %mul3A_131, %add3A_168 : i32
    "tpu.region"() ({
      %run_scoped3A = tpu.sem_alloc : memref<!tpu.dma_semaphore, #tpu.memory_space<semaphore_mem>>
      %dma_start3A = arith.constant 0 : i32
      %dma_start3A_202 = tpu.memref_slice %arg8[%arg0, %add3A_169, %dma_start3A] : memref<2x10112x16xf32, #tpu.memory_space<hbm>> -> memref<1x128x16xf32, #tpu.memory_space<hbm>>
      %dma_start3A_203 = tpu.memref_squeeze %dma_start3A_202 : memref<1x128x16xf32, #tpu.memory_space<hbm>> -> memref<128x16xf32, #tpu.memory_space<hbm>>
      %dma_start3A_204 = arith.constant 0 : i32
      %dma_start3A_205 = tpu.memref_slice %arg18[%add3A_167, %dma_start3A_204] : memref<10112x16xf32, #tpu.memory_space<vmem_shared>> -> memref<128x16xf32, #tpu.memory_space<vmem_shared>>
      tpu.enqueue_dma source(%dma_start3A_205 : memref<128x16xf32, #tpu.memory_space<vmem_shared>>) target(%dma_start3A_203 : memref<128x16xf32, #tpu.memory_space<hbm>>) target_semaphore(%run_scoped3A : memref<!tpu.dma_semaphore, #tpu.memory_space<semaphore_mem>>)
      %dma_wait3A = arith.constant 0 : i32
      %dma_wait3A_206 = tpu.memref_slice %arg8[%arg0, %add3A_169, %dma_wait3A] : memref<2x10112x16xf32, #tpu.memory_space<hbm>> -> memref<1x128x16xf32, #tpu.memory_space<hbm>>
      %dma_wait3A_207 = tpu.memref_squeeze %dma_wait3A_206 : memref<1x128x16xf32, #tpu.memory_space<hbm>> -> memref<128x16xf32, #tpu.memory_space<hbm>>
      %dma_wait3A_208 = arith.constant 0 : i32
      %dma_wait3A_209 = tpu.memref_slice %arg18[%add3A_167, %dma_wait3A_208] : memref<10112x16xf32, #tpu.memory_space<vmem_shared>> -> memref<128x16xf32, #tpu.memory_space<vmem_shared>>
      tpu.wait_dma2 semaphore(%run_scoped3A : memref<!tpu.dma_semaphore, #tpu.memory_space<semaphore_mem>>) src(%dma_wait3A_209 : memref<128x16xf32, #tpu.memory_space<vmem_shared>>) dst(%dma_wait3A_207 : memref<128x16xf32, #tpu.memory_space<hbm>>)
      tpu.yield
    }) : () -> ()
    %add3A_170 = arith.constant 128 : i32
    %add3A_171 = arith.addi %mul3A_131, %add3A_170 : i32
    %add3A_172 = arith.constant 128 : i32
    %add3A_173 = arith.addi %mul3A_131, %add3A_172 : i32
    "tpu.region"() ({
      %run_scoped3A = tpu.sem_alloc : memref<!tpu.dma_semaphore, #tpu.memory_space<semaphore_mem>>
      %dma_start3A = arith.constant 0 : i32
      %dma_start3A_202 = tpu.memref_slice %arg7[%arg0, %add3A_173, %dma_start3A] : memref<2x10112x128xf32, #tpu.memory_space<hbm>> -> memref<1x128x128xf32, #tpu.memory_space<hbm>>
      %dma_start3A_203 = tpu.memref_squeeze %dma_start3A_202 : memref<1x128x128xf32, #tpu.memory_space<hbm>> -> memref<128x128xf32, #tpu.memory_space<hbm>>
      %dma_start3A_204 = arith.constant 0 : i32
      %dma_start3A_205 = tpu.memref_slice %arg17[%add3A_171, %dma_start3A_204] : memref<10112x128xf32, #tpu.memory_space<vmem_shared>> -> memref<128x128xf32, #tpu.memory_space<vmem_shared>>
      tpu.enqueue_dma source(%dma_start3A_205 : memref<128x128xf32, #tpu.memory_space<vmem_shared>>) target(%dma_start3A_203 : memref<128x128xf32, #tpu.memory_space<hbm>>) target_semaphore(%run_scoped3A : memref<!tpu.dma_semaphore, #tpu.memory_space<semaphore_mem>>)
      %dma_wait3A = arith.constant 0 : i32
      %dma_wait3A_206 = tpu.memref_slice %arg7[%arg0, %add3A_173, %dma_wait3A] : memref<2x10112x128xf32, #tpu.memory_space<hbm>> -> memref<1x128x128xf32, #tpu.memory_space<hbm>>
      %dma_wait3A_207 = tpu.memref_squeeze %dma_wait3A_206 : memref<1x128x128xf32, #tpu.memory_space<hbm>> -> memref<128x128xf32, #tpu.memory_space<hbm>>
      %dma_wait3A_208 = arith.constant 0 : i32
      %dma_wait3A_209 = tpu.memref_slice %arg17[%add3A_171, %dma_wait3A_208] : memref<10112x128xf32, #tpu.memory_space<vmem_shared>> -> memref<128x128xf32, #tpu.memory_space<vmem_shared>>
      tpu.wait_dma2 semaphore(%run_scoped3A : memref<!tpu.dma_semaphore, #tpu.memory_space<semaphore_mem>>) src(%dma_wait3A_209 : memref<128x128xf32, #tpu.memory_space<vmem_shared>>) dst(%dma_wait3A_207 : memref<128x128xf32, #tpu.memory_space<hbm>>)
      tpu.yield
    }) : () -> ()
    %add3A_174 = arith.constant 128 : i32
    %add3A_175 = arith.addi %mul3A_131, %add3A_174 : i32
    %add3A_176 = arith.constant 128 : i32
    %add3A_177 = arith.addi %mul3A_131, %add3A_176 : i32
    "tpu.region"() ({
      %run_scoped3A = tpu.sem_alloc : memref<!tpu.dma_semaphore, #tpu.memory_space<semaphore_mem>>
      %dma_start3A = arith.constant 0 : i32
      %dma_start3A_202 = tpu.memref_slice %arg8[%arg0, %add3A_177, %dma_start3A] : memref<2x10112x16xf32, #tpu.memory_space<hbm>> -> memref<1x128x16xf32, #tpu.memory_space<hbm>>
      %dma_start3A_203 = tpu.memref_squeeze %dma_start3A_202 : memref<1x128x16xf32, #tpu.memory_space<hbm>> -> memref<128x16xf32, #tpu.memory_space<hbm>>
      %dma_start3A_204 = arith.constant 0 : i32
      %dma_start3A_205 = tpu.memref_slice %arg18[%add3A_175, %dma_start3A_204] : memref<10112x16xf32, #tpu.memory_space<vmem_shared>> -> memref<128x16xf32, #tpu.memory_space<vmem_shared>>
      tpu.enqueue_dma source(%dma_start3A_205 : memref<128x16xf32, #tpu.memory_space<vmem_shared>>) target(%dma_start3A_203 : memref<128x16xf32, #tpu.memory_space<hbm>>) target_semaphore(%run_scoped3A : memref<!tpu.dma_semaphore, #tpu.memory_space<semaphore_mem>>)
      %dma_wait3A = arith.constant 0 : i32
      %dma_wait3A_206 = tpu.memref_slice %arg8[%arg0, %add3A_177, %dma_wait3A] : memref<2x10112x16xf32, #tpu.memory_space<hbm>> -> memref<1x128x16xf32, #tpu.memory_space<hbm>>
      %dma_wait3A_207 = tpu.memref_squeeze %dma_wait3A_206 : memref<1x128x16xf32, #tpu.memory_space<hbm>> -> memref<128x16xf32, #tpu.memory_space<hbm>>
      %dma_wait3A_208 = arith.constant 0 : i32
      %dma_wait3A_209 = tpu.memref_slice %arg18[%add3A_175, %dma_wait3A_208] : memref<10112x16xf32, #tpu.memory_space<vmem_shared>> -> memref<128x16xf32, #tpu.memory_space<vmem_shared>>
      tpu.wait_dma2 semaphore(%run_scoped3A : memref<!tpu.dma_semaphore, #tpu.memory_space<semaphore_mem>>) src(%dma_wait3A_209 : memref<128x16xf32, #tpu.memory_space<vmem_shared>>) dst(%dma_wait3A_207 : memref<128x16xf32, #tpu.memory_space<hbm>>)
      tpu.yield
    }) : () -> ()
    %add3A_178 = arith.constant 256 : i32
    %add3A_179 = arith.addi %mul3A_131, %add3A_178 : i32
    %add3A_180 = arith.constant 256 : i32
    %add3A_181 = arith.addi %mul3A_131, %add3A_180 : i32
    "tpu.region"() ({
      %run_scoped3A = tpu.sem_alloc : memref<!tpu.dma_semaphore, #tpu.memory_space<semaphore_mem>>
      %dma_start3A = arith.constant 0 : i32
      %dma_start3A_202 = tpu.memref_slice %arg7[%arg0, %add3A_181, %dma_start3A] : memref<2x10112x128xf32, #tpu.memory_space<hbm>> -> memref<1x128x128xf32, #tpu.memory_space<hbm>>
      %dma_start3A_203 = tpu.memref_squeeze %dma_start3A_202 : memref<1x128x128xf32, #tpu.memory_space<hbm>> -> memref<128x128xf32, #tpu.memory_space<hbm>>
      %dma_start3A_204 = arith.constant 0 : i32
      %dma_start3A_205 = tpu.memref_slice %arg17[%add3A_179, %dma_start3A_204] : memref<10112x128xf32, #tpu.memory_space<vmem_shared>> -> memref<128x128xf32, #tpu.memory_space<vmem_shared>>
      tpu.enqueue_dma source(%dma_start3A_205 : memref<128x128xf32, #tpu.memory_space<vmem_shared>>) target(%dma_start3A_203 : memref<128x128xf32, #tpu.memory_space<hbm>>) target_semaphore(%run_scoped3A : memref<!tpu.dma_semaphore, #tpu.memory_space<semaphore_mem>>)
      %dma_wait3A = arith.constant 0 : i32
      %dma_wait3A_206 = tpu.memref_slice %arg7[%arg0, %add3A_181, %dma_wait3A] : memref<2x10112x128xf32, #tpu.memory_space<hbm>> -> memref<1x128x128xf32, #tpu.memory_space<hbm>>
      %dma_wait3A_207 = tpu.memref_squeeze %dma_wait3A_206 : memref<1x128x128xf32, #tpu.memory_space<hbm>> -> memref<128x128xf32, #tpu.memory_space<hbm>>
      %dma_wait3A_208 = arith.constant 0 : i32
      %dma_wait3A_209 = tpu.memref_slice %arg17[%add3A_179, %dma_wait3A_208] : memref<10112x128xf32, #tpu.memory_space<vmem_shared>> -> memref<128x128xf32, #tpu.memory_space<vmem_shared>>
      tpu.wait_dma2 semaphore(%run_scoped3A : memref<!tpu.dma_semaphore, #tpu.memory_space<semaphore_mem>>) src(%dma_wait3A_209 : memref<128x128xf32, #tpu.memory_space<vmem_shared>>) dst(%dma_wait3A_207 : memref<128x128xf32, #tpu.memory_space<hbm>>)
      tpu.yield
    }) : () -> ()
    %add3A_182 = arith.constant 256 : i32
    %add3A_183 = arith.addi %mul3A_131, %add3A_182 : i32
    %add3A_184 = arith.constant 256 : i32
    %add3A_185 = arith.addi %mul3A_131, %add3A_184 : i32
    "tpu.region"() ({
      %run_scoped3A = tpu.sem_alloc : memref<!tpu.dma_semaphore, #tpu.memory_space<semaphore_mem>>
      %dma_start3A = arith.constant 0 : i32
      %dma_start3A_202 = tpu.memref_slice %arg8[%arg0, %add3A_185, %dma_start3A] : memref<2x10112x16xf32, #tpu.memory_space<hbm>> -> memref<1x128x16xf32, #tpu.memory_space<hbm>>
      %dma_start3A_203 = tpu.memref_squeeze %dma_start3A_202 : memref<1x128x16xf32, #tpu.memory_space<hbm>> -> memref<128x16xf32, #tpu.memory_space<hbm>>
      %dma_start3A_204 = arith.constant 0 : i32
      %dma_start3A_205 = tpu.memref_slice %arg18[%add3A_183, %dma_start3A_204] : memref<10112x16xf32, #tpu.memory_space<vmem_shared>> -> memref<128x16xf32, #tpu.memory_space<vmem_shared>>
      tpu.enqueue_dma source(%dma_start3A_205 : memref<128x16xf32, #tpu.memory_space<vmem_shared>>) target(%dma_start3A_203 : memref<128x16xf32, #tpu.memory_space<hbm>>) target_semaphore(%run_scoped3A : memref<!tpu.dma_semaphore, #tpu.memory_space<semaphore_mem>>)
      %dma_wait3A = arith.constant 0 : i32
      %dma_wait3A_206 = tpu.memref_slice %arg8[%arg0, %add3A_185, %dma_wait3A] : memref<2x10112x16xf32, #tpu.memory_space<hbm>> -> memref<1x128x16xf32, #tpu.memory_space<hbm>>
      %dma_wait3A_207 = tpu.memref_squeeze %dma_wait3A_206 : memref<1x128x16xf32, #tpu.memory_space<hbm>> -> memref<128x16xf32, #tpu.memory_space<hbm>>
      %dma_wait3A_208 = arith.constant 0 : i32
      %dma_wait3A_209 = tpu.memref_slice %arg18[%add3A_183, %dma_wait3A_208] : memref<10112x16xf32, #tpu.memory_space<vmem_shared>> -> memref<128x16xf32, #tpu.memory_space<vmem_shared>>
      tpu.wait_dma2 semaphore(%run_scoped3A : memref<!tpu.dma_semaphore, #tpu.memory_space<semaphore_mem>>) src(%dma_wait3A_209 : memref<128x16xf32, #tpu.memory_space<vmem_shared>>) dst(%dma_wait3A_207 : memref<128x16xf32, #tpu.memory_space<hbm>>)
      tpu.yield
    }) : () -> ()
    %add3A_186 = arith.constant 384 : i32
    %add3A_187 = arith.addi %mul3A_131, %add3A_186 : i32
    %add3A_188 = arith.constant 384 : i32
    %add3A_189 = arith.addi %mul3A_131, %add3A_188 : i32
    "tpu.region"() ({
      %run_scoped3A = tpu.sem_alloc : memref<!tpu.dma_semaphore, #tpu.memory_space<semaphore_mem>>
      %dma_start3A = arith.constant 0 : i32
      %dma_start3A_202 = tpu.memref_slice %arg7[%arg0, %add3A_189, %dma_start3A] : memref<2x10112x128xf32, #tpu.memory_space<hbm>> -> memref<1x128x128xf32, #tpu.memory_space<hbm>>
      %dma_start3A_203 = tpu.memref_squeeze %dma_start3A_202 : memref<1x128x128xf32, #tpu.memory_space<hbm>> -> memref<128x128xf32, #tpu.memory_space<hbm>>
      %dma_start3A_204 = arith.constant 0 : i32
      %dma_start3A_205 = tpu.memref_slice %arg17[%add3A_187, %dma_start3A_204] : memref<10112x128xf32, #tpu.memory_space<vmem_shared>> -> memref<128x128xf32, #tpu.memory_space<vmem_shared>>
      tpu.enqueue_dma source(%dma_start3A_205 : memref<128x128xf32, #tpu.memory_space<vmem_shared>>) target(%dma_start3A_203 : memref<128x128xf32, #tpu.memory_space<hbm>>) target_semaphore(%run_scoped3A : memref<!tpu.dma_semaphore, #tpu.memory_space<semaphore_mem>>)
      %dma_wait3A = arith.constant 0 : i32
      %dma_wait3A_206 = tpu.memref_slice %arg7[%arg0, %add3A_189, %dma_wait3A] : memref<2x10112x128xf32, #tpu.memory_space<hbm>> -> memref<1x128x128xf32, #tpu.memory_space<hbm>>
      %dma_wait3A_207 = tpu.memref_squeeze %dma_wait3A_206 : memref<1x128x128xf32, #tpu.memory_space<hbm>> -> memref<128x128xf32, #tpu.memory_space<hbm>>
      %dma_wait3A_208 = arith.constant 0 : i32
      %dma_wait3A_209 = tpu.memref_slice %arg17[%add3A_187, %dma_wait3A_208] : memref<10112x128xf32, #tpu.memory_space<vmem_shared>> -> memref<128x128xf32, #tpu.memory_space<vmem_shared>>
      tpu.wait_dma2 semaphore(%run_scoped3A : memref<!tpu.dma_semaphore, #tpu.memory_space<semaphore_mem>>) src(%dma_wait3A_209 : memref<128x128xf32, #tpu.memory_space<vmem_shared>>) dst(%dma_wait3A_207 : memref<128x128xf32, #tpu.memory_space<hbm>>)
      tpu.yield
    }) : () -> ()
    %add3A_190 = arith.constant 384 : i32
    %add3A_191 = arith.addi %mul3A_131, %add3A_190 : i32
    %add3A_192 = arith.constant 384 : i32
    %add3A_193 = arith.addi %mul3A_131, %add3A_192 : i32
    "tpu.region"() ({
      %run_scoped3A = tpu.sem_alloc : memref<!tpu.dma_semaphore, #tpu.memory_space<semaphore_mem>>
      %dma_start3A = arith.constant 0 : i32
      %dma_start3A_202 = tpu.memref_slice %arg8[%arg0, %add3A_193, %dma_start3A] : memref<2x10112x16xf32, #tpu.memory_space<hbm>> -> memref<1x128x16xf32, #tpu.memory_space<hbm>>
      %dma_start3A_203 = tpu.memref_squeeze %dma_start3A_202 : memref<1x128x16xf32, #tpu.memory_space<hbm>> -> memref<128x16xf32, #tpu.memory_space<hbm>>
      %dma_start3A_204 = arith.constant 0 : i32
      %dma_start3A_205 = tpu.memref_slice %arg18[%add3A_191, %dma_start3A_204] : memref<10112x16xf32, #tpu.memory_space<vmem_shared>> -> memref<128x16xf32, #tpu.memory_space<vmem_shared>>
      tpu.enqueue_dma source(%dma_start3A_205 : memref<128x16xf32, #tpu.memory_space<vmem_shared>>) target(%dma_start3A_203 : memref<128x16xf32, #tpu.memory_space<hbm>>) target_semaphore(%run_scoped3A : memref<!tpu.dma_semaphore, #tpu.memory_space<semaphore_mem>>)
      %dma_wait3A = arith.constant 0 : i32
      %dma_wait3A_206 = tpu.memref_slice %arg8[%arg0, %add3A_193, %dma_wait3A] : memref<2x10112x16xf32, #tpu.memory_space<hbm>> -> memref<1x128x16xf32, #tpu.memory_space<hbm>>
      %dma_wait3A_207 = tpu.memref_squeeze %dma_wait3A_206 : memref<1x128x16xf32, #tpu.memory_space<hbm>> -> memref<128x16xf32, #tpu.memory_space<hbm>>
      %dma_wait3A_208 = arith.constant 0 : i32
      %dma_wait3A_209 = tpu.memref_slice %arg18[%add3A_191, %dma_wait3A_208] : memref<10112x16xf32, #tpu.memory_space<vmem_shared>> -> memref<128x16xf32, #tpu.memory_space<vmem_shared>>
      tpu.wait_dma2 semaphore(%run_scoped3A : memref<!tpu.dma_semaphore, #tpu.memory_space<semaphore_mem>>) src(%dma_wait3A_209 : memref<128x16xf32, #tpu.memory_space<vmem_shared>>) dst(%dma_wait3A_207 : memref<128x16xf32, #tpu.memory_space<hbm>>)
      tpu.yield
    }) : () -> ()
    %add3A_194 = arith.constant 512 : i32
    %add3A_195 = arith.addi %mul3A_131, %add3A_194 : i32
    %add3A_196 = arith.constant 512 : i32
    %add3A_197 = arith.addi %mul3A_131, %add3A_196 : i32
    "tpu.region"() ({
      %run_scoped3A = tpu.sem_alloc : memref<!tpu.dma_semaphore, #tpu.memory_space<semaphore_mem>>
      %dma_start3A = arith.constant 0 : i32
      %dma_start3A_202 = tpu.memref_slice %arg7[%arg0, %add3A_197, %dma_start3A] : memref<2x10112x128xf32, #tpu.memory_space<hbm>> -> memref<1x120x128xf32, #tpu.memory_space<hbm>>
      %dma_start3A_203 = tpu.memref_squeeze %dma_start3A_202 : memref<1x120x128xf32, #tpu.memory_space<hbm>> -> memref<120x128xf32, #tpu.memory_space<hbm>>
      %dma_start3A_204 = arith.constant 0 : i32
      %dma_start3A_205 = tpu.memref_slice %arg17[%add3A_195, %dma_start3A_204] : memref<10112x128xf32, #tpu.memory_space<vmem_shared>> -> memref<120x128xf32, #tpu.memory_space<vmem_shared>>
      tpu.enqueue_dma source(%dma_start3A_205 : memref<120x128xf32, #tpu.memory_space<vmem_shared>>) target(%dma_start3A_203 : memref<120x128xf32, #tpu.memory_space<hbm>>) target_semaphore(%run_scoped3A : memref<!tpu.dma_semaphore, #tpu.memory_space<semaphore_mem>>)
      %dma_wait3A = arith.constant 0 : i32
      %dma_wait3A_206 = tpu.memref_slice %arg7[%arg0, %add3A_197, %dma_wait3A] : memref<2x10112x128xf32, #tpu.memory_space<hbm>> -> memref<1x120x128xf32, #tpu.memory_space<hbm>>
      %dma_wait3A_207 = tpu.memref_squeeze %dma_wait3A_206 : memref<1x120x128xf32, #tpu.memory_space<hbm>> -> memref<120x128xf32, #tpu.memory_space<hbm>>
      %dma_wait3A_208 = arith.constant 0 : i32
      %dma_wait3A_209 = tpu.memref_slice %arg17[%add3A_195, %dma_wait3A_208] : memref<10112x128xf32, #tpu.memory_space<vmem_shared>> -> memref<120x128xf32, #tpu.memory_space<vmem_shared>>
      tpu.wait_dma2 semaphore(%run_scoped3A : memref<!tpu.dma_semaphore, #tpu.memory_space<semaphore_mem>>) src(%dma_wait3A_209 : memref<120x128xf32, #tpu.memory_space<vmem_shared>>) dst(%dma_wait3A_207 : memref<120x128xf32, #tpu.memory_space<hbm>>)
      tpu.yield
    }) : () -> ()
    %add3A_198 = arith.constant 512 : i32
    %add3A_199 = arith.addi %mul3A_131, %add3A_198 : i32
    %add3A_200 = arith.constant 512 : i32
    %add3A_201 = arith.addi %mul3A_131, %add3A_200 : i32
    "tpu.region"() ({
      %run_scoped3A = tpu.sem_alloc : memref<!tpu.dma_semaphore, #tpu.memory_space<semaphore_mem>>
      %dma_start3A = arith.constant 0 : i32
      %dma_start3A_202 = tpu.memref_slice %arg8[%arg0, %add3A_201, %dma_start3A] : memref<2x10112x16xf32, #tpu.memory_space<hbm>> -> memref<1x120x16xf32, #tpu.memory_space<hbm>>
      %dma_start3A_203 = tpu.memref_squeeze %dma_start3A_202 : memref<1x120x16xf32, #tpu.memory_space<hbm>> -> memref<120x16xf32, #tpu.memory_space<hbm>>
      %dma_start3A_204 = arith.constant 0 : i32
      %dma_start3A_205 = tpu.memref_slice %arg18[%add3A_199, %dma_start3A_204] : memref<10112x16xf32, #tpu.memory_space<vmem_shared>> -> memref<120x16xf32, #tpu.memory_space<vmem_shared>>
      tpu.enqueue_dma source(%dma_start3A_205 : memref<120x16xf32, #tpu.memory_space<vmem_shared>>) target(%dma_start3A_203 : memref<120x16xf32, #tpu.memory_space<hbm>>) target_semaphore(%run_scoped3A : memref<!tpu.dma_semaphore, #tpu.memory_space<semaphore_mem>>)
      %dma_wait3A = arith.constant 0 : i32
      %dma_wait3A_206 = tpu.memref_slice %arg8[%arg0, %add3A_201, %dma_wait3A] : memref<2x10112x16xf32, #tpu.memory_space<hbm>> -> memref<1x120x16xf32, #tpu.memory_space<hbm>>
      %dma_wait3A_207 = tpu.memref_squeeze %dma_wait3A_206 : memref<1x120x16xf32, #tpu.memory_space<hbm>> -> memref<120x16xf32, #tpu.memory_space<hbm>>
      %dma_wait3A_208 = arith.constant 0 : i32
      %dma_wait3A_209 = tpu.memref_slice %arg18[%add3A_199, %dma_wait3A_208] : memref<10112x16xf32, #tpu.memory_space<vmem_shared>> -> memref<120x16xf32, #tpu.memory_space<vmem_shared>>
      tpu.wait_dma2 semaphore(%run_scoped3A : memref<!tpu.dma_semaphore, #tpu.memory_space<semaphore_mem>>) src(%dma_wait3A_209 : memref<120x16xf32, #tpu.memory_space<vmem_shared>>) dst(%dma_wait3A_207 : memref<120x16xf32, #tpu.memory_space<hbm>>)
      tpu.yield
    }) : () -> ()
    return
  }
}

module attributes {stable_mosaic.version = 14 : i64} {
  func.func @_proj_body(%arg0: i32, %arg1: memref<1000x128xf32, #tpu.memory_space<vmem>>, %arg2: memref<128x128xf32, #tpu.memory_space<vmem>>, %arg3: memref<1x128xf32, #tpu.memory_space<vmem>>, %arg4: memref<128x128xf32, #tpu.memory_space<vmem>>, %arg5: memref<1x128xf32, #tpu.memory_space<vmem>>, %arg6: memref<1000x128xf32, #tpu.memory_space<vmem>>, %arg7: memref<1000x128xf32, #tpu.memory_space<vmem>>) attributes {dimension_semantics = [#tpu.dimension_semantics<arbitrary>], iteration_bounds = array<i64: 10>, scalar_prefetch = 0 : i64, scratch_operands = 0 : i64, tpu.core_type = #tpu.core_type<tc>, window_params = [{transform_indices = @transform_0, window_bounds = array<i64: 1000, 128>}, {pipeline_mode = #tpu.pipeline_mode<synchronous>, transform_indices = @transform_1, window_bounds = array<i64: 128, 128>}, {pipeline_mode = #tpu.pipeline_mode<synchronous>, transform_indices = @transform_2, window_bounds = array<i64: 1, 128>}, {pipeline_mode = #tpu.pipeline_mode<synchronous>, transform_indices = @transform_3, window_bounds = array<i64: 128, 128>}, {pipeline_mode = #tpu.pipeline_mode<synchronous>, transform_indices = @transform_4, window_bounds = array<i64: 1, 128>}, {transform_indices = @transform_5, window_bounds = array<i64: 1000, 128>}, {transform_indices = @transform_6, window_bounds = array<i64: 1000, 128>}]} {
    %get3A = arith.constant 0 : index
    %get3A_0 = arith.constant 0 : index
    %get3A_1 = vector.load %arg1[%get3A, %get3A_0] : memref<1000x128xf32, #tpu.memory_space<vmem>>, vector<1000x128xf32>
    %get3A_2 = arith.constant 0 : index
    %get3A_3 = arith.constant 0 : index
    %get3A_4 = vector.load %arg2[%get3A_2, %get3A_3] : memref<128x128xf32, #tpu.memory_space<vmem>>, vector<128x128xf32>
    %dot_general3A = arith.constant dense<0.000000e+00> : vector<1000x128xf32>
    %dot_general3A_5 = tpu.matmul %get3A_1, %get3A_4, %dot_general3A {dimension_numbers = #tpu.dot_dimension_numbers<[1], [0], [0], [1], [0, 0, 1, 1], [], []>, transpose_lhs_hint = false} : vector<1000x128xf32>, vector<128x128xf32>, vector<1000x128xf32> -> vector<1000x128xf32>
    %get3A_6 = arith.constant 0 : index
    %get3A_7 = arith.constant 0 : index
    %get3A_8 = vector.load %arg3[%get3A_6, %get3A_7] : memref<1x128xf32, #tpu.memory_space<vmem>>, vector<1x128xf32>
    %add3A = vector.broadcast %get3A_8 : vector<1x128xf32> to vector<1000x128xf32>
    %add3A_9 = arith.addf %dot_general3A_5, %add3A : vector<1000x128xf32>
    %swap3A = arith.constant 0 : index
    %swap3A_10 = arith.constant 0 : index
    %swap3A_11 = vector.load %arg6[%swap3A, %swap3A_10] : memref<1000x128xf32, #tpu.memory_space<vmem>>, vector<1000x128xf32>
    tpu.vector_store %arg6[%swap3A, %swap3A_10], %add3A_9 {strides = array<i32>} : memref<1000x128xf32, #tpu.memory_space<vmem>>, vector<1000x128xf32>,
    %get3A_12 = arith.constant 0 : index
    %get3A_13 = arith.constant 0 : index
    %get3A_14 = vector.load %arg4[%get3A_12, %get3A_13] : memref<128x128xf32, #tpu.memory_space<vmem>>, vector<128x128xf32>
    %dot_general3A_15 = arith.constant dense<0.000000e+00> : vector<1000x128xf32>
    %dot_general3A_16 = tpu.matmul %get3A_1, %get3A_14, %dot_general3A_15 {dimension_numbers = #tpu.dot_dimension_numbers<[1], [0], [0], [1], [0, 0, 1, 1], [], []>, transpose_lhs_hint = false} : vector<1000x128xf32>, vector<128x128xf32>, vector<1000x128xf32> -> vector<1000x128xf32>
    %get3A_17 = arith.constant 0 : index
    %get3A_18 = arith.constant 0 : index
    %get3A_19 = vector.load %arg5[%get3A_17, %get3A_18] : memref<1x128xf32, #tpu.memory_space<vmem>>, vector<1x128xf32>
    %add3A_20 = vector.broadcast %get3A_19 : vector<1x128xf32> to vector<1000x128xf32>
    %add3A_21 = arith.addf %dot_general3A_16, %add3A_20 : vector<1000x128xf32>
    %swap3A_22 = arith.constant 0 : index
    %swap3A_23 = arith.constant 0 : index
    %swap3A_24 = vector.load %arg7[%swap3A_22, %swap3A_23] : memref<1000x128xf32, #tpu.memory_space<vmem>>, vector<1000x128xf32>
    tpu.vector_store %arg7[%swap3A_22, %swap3A_23], %add3A_21 {strides = array<i32>} : memref<1000x128xf32, #tpu.memory_space<vmem>>, vector<1000x128xf32>,
    return
  }
  func.func @transform_0(%arg0: i32) -> (i32, i32) {
    %c0_i32 = arith.constant 0 : i32
    %c0_i32_0 = arith.constant 0 : i32
    return %arg0, %c0_i32 : i32, i32
  }
  func.func @transform_1(%arg0: i32) -> (i32, i32) {
    %c0_i32 = arith.constant 0 : i32
    %c0_i32_0 = arith.constant 0 : i32
    %c0_i32_1 = arith.constant 0 : i32
    return %c0_i32, %c0_i32_0 : i32, i32
  }
  func.func @transform_2(%arg0: i32) -> (i32, i32) {
    %c0_i32 = arith.constant 0 : i32
    %c0_i32_0 = arith.constant 0 : i32
    %c0_i32_1 = arith.constant 0 : i32
    return %c0_i32, %c0_i32_0 : i32, i32
  }
  func.func @transform_3(%arg0: i32) -> (i32, i32) {
    %c0_i32 = arith.constant 0 : i32
    %c0_i32_0 = arith.constant 0 : i32
    %c0_i32_1 = arith.constant 0 : i32
    return %c0_i32, %c0_i32_0 : i32, i32
  }
  func.func @transform_4(%arg0: i32) -> (i32, i32) {
    %c0_i32 = arith.constant 0 : i32
    %c0_i32_0 = arith.constant 0 : i32
    %c0_i32_1 = arith.constant 0 : i32
    return %c0_i32, %c0_i32_0 : i32, i32
  }
  func.func @transform_5(%arg0: i32) -> (i32, i32) {
    %c0_i32 = arith.constant 0 : i32
    %c0_i32_0 = arith.constant 0 : i32
    return %arg0, %c0_i32 : i32, i32
  }
  func.func @transform_6(%arg0: i32) -> (i32, i32) {
    %c0_i32 = arith.constant 0 : i32
    %c0_i32_0 = arith.constant 0 : i32
    return %arg0, %c0_i32 : i32, i32
  }
}

module attributes {stable_mosaic.version = 14 : i64} {
  func.func @_out_body(%arg0: i32, %arg1: memref<2x1000x128xf32, #tpu.memory_space<vmem>>, %arg2: memref<2x1000x16xf32, #tpu.memory_space<vmem>>, %arg3: memref<16x128xf32, #tpu.memory_space<vmem>>, %arg4: memref<1000x128xf32, #tpu.memory_space<vmem>>, %arg5: memref<128x128xf32, #tpu.memory_space<vmem>>, %arg6: memref<1x128xf32, #tpu.memory_space<vmem>>, %arg7: memref<1x128xf32, #tpu.memory_space<vmem>>, %arg8: memref<128x256xf32, #tpu.memory_space<vmem>>, %arg9: memref<1x256xf32, #tpu.memory_space<vmem>>, %arg10: memref<1x128xf32, #tpu.memory_space<vmem>>, %arg11: memref<1x128xf32, #tpu.memory_space<vmem>>, %arg12: memref<1000x128xf32, #tpu.memory_space<vmem>>) attributes {dimension_semantics = [#tpu.dimension_semantics<arbitrary>], iteration_bounds = array<i64: 10>, scalar_prefetch = 0 : i64, scratch_operands = 0 : i64, tpu.core_type = #tpu.core_type<tc>, window_params = [{transform_indices = @transform_0, window_bounds = array<i64: 2, 1000, 128>}, {transform_indices = @transform_1, window_bounds = array<i64: 2, 1000, 16>}, {pipeline_mode = #tpu.pipeline_mode<synchronous>, transform_indices = @transform_2, window_bounds = array<i64: 16, 128>}, {transform_indices = @transform_3, window_bounds = array<i64: 1000, 128>}, {pipeline_mode = #tpu.pipeline_mode<synchronous>, transform_indices = @transform_4, window_bounds = array<i64: 128, 128>}, {pipeline_mode = #tpu.pipeline_mode<synchronous>, transform_indices = @transform_5, window_bounds = array<i64: 1, 128>}, {pipeline_mode = #tpu.pipeline_mode<synchronous>, transform_indices = @transform_6, window_bounds = array<i64: 1, 128>}, {pipeline_mode = #tpu.pipeline_mode<synchronous>, transform_indices = @transform_7, window_bounds = array<i64: 128, 256>}, {pipeline_mode = #tpu.pipeline_mode<synchronous>, transform_indices = @transform_8, window_bounds = array<i64: 1, 256>}, {pipeline_mode = #tpu.pipeline_mode<synchronous>, transform_indices = @transform_9, window_bounds = array<i64: 1, 128>}, {pipeline_mode = #tpu.pipeline_mode<synchronous>, transform_indices = @transform_10, window_bounds = array<i64: 1, 128>}, {transform_indices = @transform_11, window_bounds = array<i64: 1000, 128>}]} {
    %get3A = arith.constant 0 : index
    %get3A_0 = arith.constant 0 : index
    %get3A_1 = arith.constant 0 : index
    %get3A_2 = vector.load %arg1[%get3A, %get3A_0, %get3A_1] : memref<2x1000x128xf32, #tpu.memory_space<vmem>>, vector<1x1000x128xf32>
    %get3A_3 = vector.shape_cast %get3A_2 : vector<1x1000x128xf32> to vector<1000x128xf32>
    %get3A_4 = arith.constant 1 : index
    %get3A_5 = arith.constant 0 : index
    %get3A_6 = arith.constant 0 : index
    %get3A_7 = vector.load %arg1[%get3A_4, %get3A_5, %get3A_6] : memref<2x1000x128xf32, #tpu.memory_space<vmem>>, vector<1x1000x128xf32>
    %get3A_8 = vector.shape_cast %get3A_7 : vector<1x1000x128xf32> to vector<1000x128xf32>
    %add3A = arith.addf %get3A_3, %get3A_8 : vector<1000x128xf32>
    %get3A_9 = arith.constant 0 : index
    %get3A_10 = arith.constant 0 : index
    %get3A_11 = arith.constant 0 : index
    %get3A_12 = vector.load %arg2[%get3A_9, %get3A_10, %get3A_11] : memref<2x1000x16xf32, #tpu.memory_space<vmem>>, vector<1x1000x16xf32>
    %get3A_13 = vector.shape_cast %get3A_12 : vector<1x1000x16xf32> to vector<1000x16xf32>
    %get3A_14 = arith.constant 1 : index
    %get3A_15 = arith.constant 0 : index
    %get3A_16 = arith.constant 0 : index
    %get3A_17 = vector.load %arg2[%get3A_14, %get3A_15, %get3A_16] : memref<2x1000x16xf32, #tpu.memory_space<vmem>>, vector<1x1000x16xf32>
    %get3A_18 = vector.shape_cast %get3A_17 : vector<1x1000x16xf32> to vector<1000x16xf32>
    %add3A_19 = arith.addf %get3A_13, %get3A_18 : vector<1000x16xf32>
    %jit3A = arith.constant 9.99999996E-13 : f32
    %max3A = vector.broadcast %jit3A : f32 to vector<1000x16xf32>
    %max3A_20 = arith.maximumf %max3A, %add3A_19 : vector<1000x16xf32>
    %div3A = arith.constant 1.000000e+00 : f32
    %div3A_21 = vector.broadcast %div3A : f32 to vector<1000x16xf32>
    %div3A_22 = arith.divf %div3A_21, %max3A_20 : vector<1000x16xf32>
    %get3A_23 = arith.constant 0 : index
    %get3A_24 = arith.constant 0 : index
    %get3A_25 = vector.load %arg3[%get3A_23, %get3A_24] : memref<16x128xf32, #tpu.memory_space<vmem>>, vector<16x128xf32>
    %dot_general3A = arith.constant dense<0.000000e+00> : vector<1000x128xf32>
    %dot_general3A_26 = tpu.matmul %div3A_22, %get3A_25, %dot_general3A {dimension_numbers = #tpu.dot_dimension_numbers<[1], [0], [0], [1], [0, 0, 1, 1], [], []>, transpose_lhs_hint = false} : vector<1000x16xf32>, vector<16x128xf32>, vector<1000x128xf32> -> vector<1000x128xf32>
    %mul3A = arith.mulf %add3A, %dot_general3A_26 : vector<1000x128xf32>
    %get3A_27 = arith.constant 0 : index
    %get3A_28 = arith.constant 0 : index
    %get3A_29 = vector.load %arg7[%get3A_27, %get3A_28] : memref<1x128xf32, #tpu.memory_space<vmem>>, vector<1x128xf32>
    %get3A_30 = arith.constant 0 : index
    %get3A_31 = arith.constant 0 : index
    %get3A_32 = vector.load %arg8[%get3A_30, %get3A_31] : memref<128x256xf32, #tpu.memory_space<vmem>>, vector<128x256xf32>
    %dot_general3A_33 = arith.constant dense<0.000000e+00> : vector<1x256xf32>
    %dot_general3A_34 = tpu.matmul %get3A_29, %get3A_32, %dot_general3A_33 {dimension_numbers = #tpu.dot_dimension_numbers<[1], [0], [0], [1], [0, 0, 1, 1], [], []>, transpose_lhs_hint = false} : vector<1x128xf32>, vector<128x256xf32>, vector<1x256xf32> -> vector<1x256xf32>
    %get3A_35 = arith.constant 0 : index
    %get3A_36 = arith.constant 0 : index
    %get3A_37 = vector.load %arg9[%get3A_35, %get3A_36] : memref<1x256xf32, #tpu.memory_space<vmem>>, vector<1x256xf32>
    %add3A_38 = arith.addf %dot_general3A_34, %get3A_37 : vector<1x256xf32>
    %slice3A = vector.extract_strided_slice %add3A_38 {offsets = [0, 0], sizes = [1, 128], strides = [1, 1]} : vector<1x256xf32> to vector<1x128xf32>
    %slice3A_39 = vector.extract_strided_slice %add3A_38 {offsets = [0, 128], sizes = [1, 128], strides = [1, 1]} : vector<1x256xf32> to vector<1x128xf32>
    %tanh3A = math.tanh %slice3A : vector<1x128xf32>
    %mul3A_40 = arith.constant 5.000000e-01 : f32
    %mul3A_41 = vector.broadcast %mul3A_40 : f32 to vector<1x128xf32>
    %mul3A_42 = arith.mulf %mul3A_41, %tanh3A : vector<1x128xf32>
    %add3A_43 = arith.constant 1.000000e+00 : f32
    %add3A_44 = vector.broadcast %add3A_43 : f32 to vector<1x128xf32>
    %add3A_45 = arith.addf %add3A_44, %mul3A_42 : vector<1x128xf32>
    %get3A_46 = arith.constant 0 : index
    %get3A_47 = arith.constant 0 : index
    %get3A_48 = vector.load %arg5[%get3A_46, %get3A_47] : memref<128x128xf32, #tpu.memory_space<vmem>>, vector<128x128xf32>
    %dot_general3A_49 = arith.constant dense<0.000000e+00> : vector<1000x128xf32>
    %dot_general3A_50 = tpu.matmul %mul3A, %get3A_48, %dot_general3A_49 {dimension_numbers = #tpu.dot_dimension_numbers<[1], [0], [0], [1], [0, 0, 1, 1], [], []>, transpose_lhs_hint = false} : vector<1000x128xf32>, vector<128x128xf32>, vector<1000x128xf32> -> vector<1000x128xf32>
    %get3A_51 = arith.constant 0 : index
    %get3A_52 = arith.constant 0 : index
    %get3A_53 = vector.load %arg6[%get3A_51, %get3A_52] : memref<1x128xf32, #tpu.memory_space<vmem>>, vector<1x128xf32>
    %add3A_54 = vector.broadcast %get3A_53 : vector<1x128xf32> to vector<1000x128xf32>
    %add3A_55 = arith.addf %dot_general3A_50, %add3A_54 : vector<1000x128xf32>
    %get3A_56 = arith.constant 0 : index
    %get3A_57 = arith.constant 0 : index
    %get3A_58 = vector.load %arg4[%get3A_56, %get3A_57] : memref<1000x128xf32, #tpu.memory_space<vmem>>, vector<1000x128xf32>
    %mul3A_59 = vector.broadcast %add3A_45 : vector<1x128xf32> to vector<1000x128xf32>
    %mul3A_60 = arith.mulf %add3A_55, %mul3A_59 : vector<1000x128xf32>
    %add3A_61 = arith.addf %get3A_58, %mul3A_60 : vector<1000x128xf32>
    %add3A_62 = vector.broadcast %slice3A_39 : vector<1x128xf32> to vector<1000x128xf32>
    %add3A_63 = arith.addf %add3A_61, %add3A_62 : vector<1000x128xf32>
    %reduce_sum3A = arith.constant dense<0.000000e+00> : vector<1000xf32>
    %reduce_sum3A_64 = vector.multi_reduction <add>, %add3A_63, %reduce_sum3A [1] : vector<1000x128xf32> to vector<1000xf32>
    %broadcast_in_dim3A = vector.shape_cast %reduce_sum3A_64 : vector<1000xf32> to vector<1000x1xf32>
    %div3A_65 = arith.constant 1.280000e+02 : f32
    %div3A_66 = vector.broadcast %div3A_65 : f32 to vector<1000x1xf32>
    %div3A_67 = arith.divf %broadcast_in_dim3A, %div3A_66 : vector<1000x1xf32>
    %sub3A = vector.broadcast %div3A_67 : vector<1000x1xf32> to vector<1000x128xf32>
    %sub3A_68 = arith.subf %add3A_63, %sub3A : vector<1000x128xf32>
    %mul3A_69 = arith.mulf %sub3A_68, %sub3A_68 : vector<1000x128xf32>
    %reduce_sum3A_70 = arith.constant dense<0.000000e+00> : vector<1000xf32>
    %reduce_sum3A_71 = vector.multi_reduction <add>, %mul3A_69, %reduce_sum3A_70 [1] : vector<1000x128xf32> to vector<1000xf32>
    %broadcast_in_dim3A_72 = vector.shape_cast %reduce_sum3A_71 : vector<1000xf32> to vector<1000x1xf32>
    %div3A_73 = arith.constant 1.280000e+02 : f32
    %div3A_74 = vector.broadcast %div3A_73 : f32 to vector<1000x1xf32>
    %div3A_75 = arith.divf %broadcast_in_dim3A_72, %div3A_74 : vector<1000x1xf32>
    %add3A_76 = arith.constant 9.99999974E-6 : f32
    %add3A_77 = vector.broadcast %add3A_76 : f32 to vector<1000x1xf32>
    %add3A_78 = arith.addf %div3A_75, %add3A_77 : vector<1000x1xf32>
    %rsqrt3A = math.rsqrt %add3A_78 : vector<1000x1xf32>
    %mul3A_79 = vector.broadcast %rsqrt3A : vector<1000x1xf32> to vector<1000x128xf32>
    %mul3A_80 = arith.mulf %sub3A_68, %mul3A_79 : vector<1000x128xf32>
    %get3A_81 = arith.constant 0 : index
    %get3A_82 = arith.constant 0 : index
    %get3A_83 = vector.load %arg10[%get3A_81, %get3A_82] : memref<1x128xf32, #tpu.memory_space<vmem>>, vector<1x128xf32>
    %mul3A_84 = vector.broadcast %get3A_83 : vector<1x128xf32> to vector<1000x128xf32>
    %mul3A_85 = arith.mulf %mul3A_80, %mul3A_84 : vector<1000x128xf32>
    %get3A_86 = arith.constant 0 : index
    %get3A_87 = arith.constant 0 : index
    %get3A_88 = vector.load %arg11[%get3A_86, %get3A_87] : memref<1x128xf32, #tpu.memory_space<vmem>>, vector<1x128xf32>
    %add3A_89 = vector.broadcast %get3A_88 : vector<1x128xf32> to vector<1000x128xf32>
    %add3A_90 = arith.addf %mul3A_85, %add3A_89 : vector<1000x128xf32>
    %swap3A = arith.constant 0 : index
    %swap3A_91 = arith.constant 0 : index
    %swap3A_92 = vector.load %arg12[%swap3A, %swap3A_91] : memref<1000x128xf32, #tpu.memory_space<vmem>>, vector<1000x128xf32>
    tpu.vector_store %arg12[%swap3A, %swap3A_91], %add3A_90 {strides = array<i32>} : memref<1000x128xf32, #tpu.memory_space<vmem>>, vector<1000x128xf32>,
    return
  }
  func.func @transform_0(%arg0: i32) -> (i32, i32, i32) {
    %c0_i32 = arith.constant 0 : i32
    %c0_i32_0 = arith.constant 0 : i32
    %c0_i32_1 = arith.constant 0 : i32
    return %c0_i32, %arg0, %c0_i32_0 : i32, i32, i32
  }
  func.func @transform_1(%arg0: i32) -> (i32, i32, i32) {
    %c0_i32 = arith.constant 0 : i32
    %c0_i32_0 = arith.constant 0 : i32
    %c0_i32_1 = arith.constant 0 : i32
    return %c0_i32, %arg0, %c0_i32_0 : i32, i32, i32
  }
  func.func @transform_2(%arg0: i32) -> (i32, i32) {
    %c0_i32 = arith.constant 0 : i32
    %c0_i32_0 = arith.constant 0 : i32
    %c0_i32_1 = arith.constant 0 : i32
    return %c0_i32, %c0_i32_0 : i32, i32
  }
  func.func @transform_3(%arg0: i32) -> (i32, i32) {
    %c0_i32 = arith.constant 0 : i32
    %c0_i32_0 = arith.constant 0 : i32
    return %arg0, %c0_i32 : i32, i32
  }
  func.func @transform_4(%arg0: i32) -> (i32, i32) {
    %c0_i32 = arith.constant 0 : i32
    %c0_i32_0 = arith.constant 0 : i32
    %c0_i32_1 = arith.constant 0 : i32
    return %c0_i32, %c0_i32_0 : i32, i32
  }
  func.func @transform_5(%arg0: i32) -> (i32, i32) {
    %c0_i32 = arith.constant 0 : i32
    %c0_i32_0 = arith.constant 0 : i32
    %c0_i32_1 = arith.constant 0 : i32
    return %c0_i32, %c0_i32_0 : i32, i32
  }
  func.func @transform_6(%arg0: i32) -> (i32, i32) {
    %c0_i32 = arith.constant 0 : i32
    %c0_i32_0 = arith.constant 0 : i32
    %c0_i32_1 = arith.constant 0 : i32
    return %c0_i32, %c0_i32_0 : i32, i32
  }
  func.func @transform_7(%arg0: i32) -> (i32, i32) {
    %c0_i32 = arith.constant 0 : i32
    %c0_i32_0 = arith.constant 0 : i32
    %c0_i32_1 = arith.constant 0 : i32
    return %c0_i32, %c0_i32_0 : i32, i32
  }
  func.func @transform_8(%arg0: i32) -> (i32, i32) {
    %c0_i32 = arith.constant 0 : i32
    %c0_i32_0 = arith.constant 0 : i32
    %c0_i32_1 = arith.constant 0 : i32
    return %c0_i32, %c0_i32_0 : i32, i32
  }
  func.func @transform_9(%arg0: i32) -> (i32, i32) {
    %c0_i32 = arith.constant 0 : i32
    %c0_i32_0 = arith.constant 0 : i32
    %c0_i32_1 = arith.constant 0 : i32
    return %c0_i32, %c0_i32_0 : i32, i32
  }
  func.func @transform_10(%arg0: i32) -> (i32, i32) {
    %c0_i32 = arith.constant 0 : i32
    %c0_i32_0 = arith.constant 0 : i32
    %c0_i32_1 = arith.constant 0 : i32
    return %c0_i32, %c0_i32_0 : i32, i32
  }
  func.func @transform_11(%arg0: i32) -> (i32, i32) {
    %c0_i32 = arith.constant 0 : i32
    %c0_i32_0 = arith.constant 0 : i32
    return %arg0, %c0_i32 : i32, i32
  }
}

</mosaic_0001>

<sc_bundles>
// kernel: kernel.6.cloned.1.call-start
scs
__scs_entry_jumppad:
0x0: {  	(pc) =	sbr.rel $0x88, $3  }
0x1: {  	(tag) =	ssettag $0x0;
	lr =	simm.s32 $0x1  }
0x2: {  	[smem:$0x3F91] =	sst lr;
	_ =	strace $0xD0000000  }
0x3: {  	_ = 	snop  }
0x4: {  	_ = 	snop  }
0x5: {  	_ = 	snop  }
0x6: {  	_ = 	snop  }
0x7: {  	_ = 	snop  }
__scs_overlays_trampoline_lowered:
0x8: {  	[smem:$0x3FA0] =	sst s0  }
0x9: {  	[smem:$0x3FA1] =	sst s1  }
0xa: {  	[smem:$0x3FA2] =	sst s2  }
0xb: {  	[smem:$0x3FA3] =	sst s3  }
0xc: {  	[smem:$0x3FA4] =	sst s4  }
0xd: {  	[smem:$0x3FA5] =	sst s5  }
0xe: {  	[smem:$0x3FA6] =	sst s6  }
0xf: {  	[smem:$0x3FA7] =	sst s7  }
0x10: {  	[smem:$0x3FA8] =	sst s8  }
0x11: {  	[smem:$0x3FA9] =	sst s9;
	s0 =	simm.s32 @!p0 $0x0  }
0x12: {  	s1 =	sld [smem:$0x3F8F];
	s0 =	simm.s32 @p0 $0x1  }
0x13: {  	[smem:$0x3FAA] =	sst s0;
	s0 =	simm.s32 @!p1 $0x0  }
0x14: {  	s2 =	sld [smem:$0x3F8E];
	s0 =	simm.s32 @p1 $0x1  }
0x15: {  	[smem:$0x3FAB] =	sst s0;
	s0 =	simm.s32 @!p2 $0x0  }
0x16: {  	s3 =	sld [smem:$0x3FDB];
	s0 =	simm.s32 @p2 $0x1  }
0x17: {  	s4 =	simm.s32 $0x1BF5;
	[smem:$0x3FAD] =	sst s0  }
0x18: {  	s0 =	sld [smem:$0x3F90];
	_ =	swait.ge [sflag:s4], $0x0  }
0x19: {  	s7 =	sld [smem:$0x3F91]  }
0x1a: {  	s8 =	sadd.s32 $0xFFFFE003, lr  }
0x1b: {  	s9 =	sadd.s32 $0xFFFFFEF7, lr;
	s5 =	simm.s32 $0xFFFFFFFF;
	p2 =	slt.u32 s8, $0xFFFFF086  }
0x1c: {  	p1 =	slt.u32 s9, $0xF7A;
	s5 =	simm.s32 @!p2 $0x0  }
0x1d: {  	s5 =	simm.s32 @p1 $0x1;
	p0 =	seq.s32 s7, s2  }
0x1e: {  	s7 =	smul.u32 @!p0 $0xF7A, s2;
	p2 =	seq.s32 @!p0 s5, $0x0  }
0x1f: {  	s9 =	smul.u32 $0xF7A, s1;
	s8 =	simm.s32 @!p0 $0x1BF5;
	p2 =	por !p2, p0  }
0x20: {  	[sflag:s8] =	ssyncset.s32 @!p0 $0xFFFFF086;
	s6 =	sadd.s32 @!p0 s3, s7;
	s7 =	simm.s32 @!p0 $0x108  }
0x21: {  	s3 =	sadd.s32 s3, s9;
	s6 =	sadd.s32 @!p0 $0x88, s6;
	s7 =	simm.s32 @p2 $0x1082  }
0x22: {  	[simem:s7], [sflag:s8] =	dma.local @!p0 [hbm:s6], $0xF7A  }
0x23: {  	s9 =	sor.u32 $0xD0000000, s2;
	s6 =	simm.s32 $0x108;
	_ =	swait.ge @!p0 [sflag:s8], $0x0  }
0x24: {  	s3 =	sadd.s32 $0x88, s3;
	s6 =	simm.s32 @!p1 $0x1082;
	[sflag:s4] =	ssyncset.s32 $0xFFFFF086  }
0x25: {  	[simem:s6], [sflag:s4] =	dma.local [hbm:s3], $0xF7A  }
0x26: {  	[smem:$0x3F91] =	sst s1;
	(tag) =	ssettag s2;
	_ =	strace s9  }
0x27: {  	s1 =	sld [smem:$0x3FA1]  }
0x28: {  	s2 =	sld [smem:$0x3FA2]  }
0x29: {  	s4 =	sld [smem:$0x3FA4]  }
0x2a: {  	p0 =	seq.s32 s5, $0x0;
	s5 =	sld [smem:$0x3FA5]  }
0x2b: {  	s6 =	sld [smem:$0x3FA6]  }
0x2c: {  	s7 =	sld [smem:$0x3FA7]  }
0x2d: {  	s3 =	simm.s32 $0x108;
	s8 =	sld [smem:$0x3FA8]  }
0x2e: {  	s3 =	simm.s32 @!p0 $0x1082;
	s9 =	sld [smem:$0x3FA9]  }
0x2f: {  	lr =	sadd.s32 s0, s3;
	s0 =	sld [smem:$0x3FA0]  }
0x30: {  	s3 =	sld [smem:$0x3FA3]  }
0x31: {  	[smem:$0x3FAC] =	sst s10  }
0x32: {  	s10 =	sld [smem:$0x3FAA];
	_ =	sdelay $0x3  }
0x33: {  	p0 =	seq.s32 s10, $0x1;
	s10 =	sld [smem:$0x3FAC];
	_ =	sdelay $0x3  }
0x34: {  	[smem:$0x3FAC] =	sst s10  }
0x35: {  	s10 =	sld [smem:$0x3FAB];
	_ =	sdelay $0x3  }
0x36: {  	p1 =	seq.s32 s10, $0x1;
	s10 =	sld [smem:$0x3FAC];
	_ =	sdelay $0x3  }
0x37: {  	[smem:$0x3FAC] =	sst s10  }
0x38: {  	s10 =	sld [smem:$0x3FAD]  }
0x39: {  	_ = 	snop;
	(pc) =	sbr.ind lr, $3  }
0x3a: {  	_ = 	snop  }
0x3b: {  	_ = 	snop  }
0x3c: {  	p2 =	seq.s32 s10, $0x1;
	s10 =	sld [smem:$0x3FAC]  }
0x3d: {  	_ =	shalt  }
0x3e: {  	_ =	shalt  }
0x3f: {  	_ =	shalt  }
0x40: {  	_ =	shalt  }
0x41: {  	_ =	shalt  }
0x42: {  	_ =	shalt  }
0x43: {  	_ =	shalt  }
0x44: {  	_ =	shalt  }
0x45: {  	_ =	shalt  }
0x46: {  	_ =	shalt  }
0x47: {  	_ =	shalt  }
0x48: {  	_ =	shalt  }
0x49: {  	_ =	shalt  }
0x4a: {  	_ =	shalt  }
0x4b: {  	_ =	shalt  }
0x4c: {  	_ =	shalt  }
0x4d: {  	_ =	shalt  }
0x4e: {  	_ =	shalt  }
0x4f: {  	_ =	shalt  }
0x50: {  	_ =	shalt  }
0x51: {  	_ =	shalt  }
0x52: {  	_ =	shalt  }
0x53: {  	_ =	shalt  }
0x54: {  	_ =	shalt  }
0x55: {  	_ =	shalt  }
0x56: {  	_ =	shalt  }
0x57: {  	_ =	shalt  }
0x58: {  	_ =	shalt  }
0x59: {  	_ =	shalt  }
0x5a: {  	_ =	shalt  }
0x5b: {  	_ =	shalt  }
0x5c: {  	_ =	shalt  }
0x5d: {  	_ =	shalt  }
0x5e: {  	_ =	shalt  }
0x5f: {  	_ =	shalt  }
0x60: {  	_ =	shalt  }
0x61: {  	_ =	shalt  }
0x62: {  	_ =	shalt  }
0x63: {  	_ =	shalt  }
0x64: {  	_ =	shalt  }
0x65: {  	_ =	shalt  }
0x66: {  	_ =	shalt  }
0x67: {  	_ =	shalt  }
0x68: {  	_ =	shalt  }
0x69: {  	_ =	shalt  }
0x6a: {  	_ =	shalt  }
0x6b: {  	_ =	shalt  }
0x6c: {  	_ =	shalt  }
0x6d: {  	_ =	shalt  }
0x6e: {  	_ =	shalt  }
0x6f: {  	_ =	shalt  }
0x70: {  	_ =	shalt  }
0x71: {  	_ =	shalt  }
0x72: {  	_ =	shalt  }
0x73: {  	_ =	shalt  }
0x74: {  	_ =	shalt  }
0x75: {  	_ =	shalt  }
0x76: {  	_ =	shalt  }
0x77: {  	_ =	shalt  }
0x78: {  	_ =	shalt  }
0x79: {  	_ =	shalt  }
0x7a: {  	_ =	shalt  }
0x7b: {  	_ =	shalt  }
0x7c: {  	_ =	shalt  }
0x7d: {  	_ =	shalt  }
0x7e: {  	_ =	shalt  }
0x7f: {  	_ =	shalt  }
0x80: {  	_ =	shalt  }
0x81: {  	_ =	shalt  }
0x82: {  	_ =	shalt  }
0x83: {  	_ =	shalt  }
0x84: {  	_ =	shalt  }
0x85: {  	_ =	shalt  }
0x86: {  	_ =	shalt  }
0x87: {  	_ =	shalt  }
.Lfunc_end0:
.L_simem_size_0:
called_computation_lowered:
.L_overlay_start_0:
0x88: {  	s2 =	sld [smem:$0x3FD9]  }
0x89: {  	s3 =	sld [smem:$0x3FFE];
	_ =	sdelay $0x1  }
0x8a: {  	s1 =	srdreg.scid  }
0x8b: {  	s0 =	sand.u32 $0x1, s1  }
0x8c: {  	s17 =	sshll.u32 s0, $0xA;
	s2 =	sadd.s32 s3, s2  }
0x8d: {  	s2 =	sadd.s32 s2, s17  }
0x8e: {  	[smem:$0x3FB8] =	sst s2  }
0x8f: {  	_ = 	snop  }
0x90: {  	s2 =	sld [smem:$0x3FC1]  }
0x91: {  	s18 =	sld [smem:$0x3FD0];
	(tm) =	ssettm $0x1  }
0x92: {  	s4 =	sld [smem:$0x3FFB];
	_ =	sdelay $0x3  }
0x93: {  	_ =	strace s4  }
0x94: {  	s4 =	sld [smem:$0x3FFC];
	_ =	sdelay $0x3  }
0x95: {  	_ =	strace s4  }
0x96: {  	s4 =	sld [smem:$0x3FFD];
	_ =	sdelay $0x3  }
0x97: {  	_ =	strace s4  }
0x98: {  	_ =	strace $0x8FFFFFFF  }
0x99: {  	s19 =	sld [smem:$0x3FDB];
	_ =	sdelay $0x1  }
0x9a: {  	s5 =	simm.s32 $_scs_section_size  }
0x9b: {  	s6 =	simm.s32 $_size__tile_overlayer_lowered;
	s7 =	simm.s32 $_tile_overlayer_lowered  }
0x9c: {  	s22 =	simm.s32 $0x1BFF;
	s21 =	sshll.u32 s7, $0x1;
	s4 =	sadd.s32 s5, s19  }
0x9d: {  	s8 =	simm.s32 $0x0;
	s20 =	sshll.u32 s6, $0x1;
	s6 =	sadd.s32 s21, s4  }
0x9e: {  	[timem:s8], [sflag:s22] =	dma.local [hbm:s6], s20  }
0x9f: {  	_ =	swait.ge [sflag:s22], s20  }
0xa0: {  	s5 =	ssub.s32 $0x0, s20;
	[sflag:s22] =	ssyncset.done $0x0  }
0xa1: {  	[sflag:s22] =	ssyncadd.s32 s5;
	_ =	sdelay $0x1  }
0xa2: {  	s23 =	simm.s32 $0x1B8B  }
0xa3: {  	_ =	swait.ge [sflag:s23], $0x1  }
0xa4: {  	[sflag:s23] =	ssyncset.done $0x0  }
0xa5: {  	s25 =	simm.s32 $0x1B8E;
	s24 =	sld [smem:$0x3FFE];
	[sflag:s23] =	ssyncadd.s32 $0xFFFFFFFF  }
0xa6: {  	s26 =	simm.s32 $execute0_lowered;
	[smem:$0x3FD2] =	sst s25  }
0xa7: {  	s6 =	sshll.u32 s26, $0x1;
	_ =	strace $0x80000046;
	[dreg:$0x1] =	wrdreg $0xFFFFFFFF  }
0xa8: {  	s28 =	simm.s32 $_size_execute0_lowered;
	s4 =	sadd.s32 s4, s6;
	[dreg:$0x0] =	wrdreg $0x0  }
0xa9: {  	s6 =	sshll.u32 s28, $0x1;
	[dreg:$0x2] =	wrdreg s4  }
0xaa: {  	[dreg:$0x3] =	wrdreg s6  }
0xab: {  	[dreg:$0x4] =	wrdreg $0xC0  }
0xac: {  	_ =	task [dreg:s8], $0x5FFFF  }
0xad: {  	[dreg:$0x1] =	wrdreg $0xFFFFFFFF  }
0xae: {  	[dreg:$0x0] =	wrdreg $0x60  }
0xaf: {  	[dreg:$0x2] =	wrdreg s18  }
0xb0: {  	[dreg:$0x3] =	wrdreg s24  }
0xb1: {  	[dreg:$0x4] =	wrdreg s2  }
0xb2: {  	[dreg:$0x5] =	wrdreg $0x9  }
0xb3: {  	_ =	task.clear_ibuf [dreg:s8], $0x6FFFF;
	_ =	strace $0x90000046  }
0xb4: {  	s29 =	simm.s32 $0x9;
	_ =	strace $0x80000048  }
0xb5: {  	_ =	swait.ge [sflag:s29], $0x1  }
0xb6: {  	[sflag:s29] =	ssyncadd.s32 $0xFFFFFFFF  }
0xb7: {  	_ =	strace $0x90000048  }
0xb8: {  	_ =	sfence  }
0xb9: {  	s30 =	sld [smem:$0x0];
	_ =	sdelay $0x2  }
0xba: {  	s31 =	sshll.u32 s1, $0xD;
	s1 =	sshrl.u32 s1, $0x2  }
0xbb: {  	s3 =	sand.u32 $0x4000, s31;
	s1 =	sadd.s32 s1, s30  }
0xbc: {  	s0 =	sor.u32 s3, s0;
	s1 =	sshll.u32 s1, $0x11  }
0xbd: {  	s0 =	sor.u32 s1, s0  }
0xbe: {  	s0 =	sadd.s32 $0x8F2B, s0  }
0xbf: {  	[sflag:s0] =	ssyncadd.remote.s32 $0x1  }
0xc0: {  	_ =	sfence.sel $0xFFFF  }
0xc1: {  	[dreg:$0x0] =	wrdreg $0xFFFFFFFF;
	(pc) =	sbr.abs _section_cstart, $3  }
0xc2: {  	[dreg:$0x1] =	wrdreg $0xFFFFFFFF  }
0xc3: {  	_ =	task.clear_ibuf [dreg:s8], $0x2FFFF;
	_ =	strace $0x9FFFFFFF  }
0xc4: {  	(tm) =	ssettm $0x7FFFFFFF  }
0xc5: {  	_ =	shalt  }
tec
execute0_lowered:
.L_overlay_start_1:
0x0: {  	(tag) =	ssettag $0x1  }
0x1: {  	s1 =	rddreg [dreg:$0x0]  }
0x2: {  	s0 =	rddreg [dreg:$0x1]  }
0x3: {  	s2 =	rddreg [dreg:$0x2]  }
0x4: {  	s3 =	simm.s32 $0x0;
	s4 =	srdreg.scid;
	s7 =	stileid.u32  }
0x5: {  	s14 =	simm.s32 $0x4;
	s15 =	simm.s32 $0x80;
	s16 =	simm.s32 $0x100  }
0x6: {  	s17 =	simm.s32 $0x180;
	s18 =	simm.s32 $0x200;
	s19 =	simm.s32 $0x4200  }
0x7: {  	s20 =	simm.s32 $0x8200;
	s21 =	simm.s32 $0x1;
	s22 =	simm.s32 $0x2  }
0x8: {  	v0 =	vlaneseq.u32;
	s23 =	simm.s32 $0x3;
	s24 =	simm.s32 $0xC400;
	s25 =	simm.s32 $0xC200  }
0x9: {  	s26 =	simm.s32 $0xC500;
	s28 =	simm.s32 $0x0;
	[smem:$0x7FF] =	sst s3;
	v0 =	vmul.u32 $0x10, v0  }
0xa: {  	s5 =	sadd.s32 $0x2AE00, s0;
	s6 =	sadd.s32 $0x17000, s0;
	s4 =	sand.u32 $0x1, s4  }
0xb: {  	s9 =	sshll.u32 s7, $0x1;
	s7 =	sadd.s32 $0x17200, s0;
	s8 =	sadd.s32 $0x3400, s0;
	v1 =	vor.u32 $0x1, v0;
	v2 =	vor.u32 $0x2, v0;
	v3 =	vor.u32 $0x3, v0  }
0xc: {  	s10 =	sadd.s32 $0x52000, s0;
	s11 =	sor.u32 s4, s9;
	s4 =	ssub.s32 $0x2, s4;
	v4 =	vor.u32 $0x4, v0;
	v5 =	vor.u32 $0x5, v0;
	v6 =	vor.u32 $0x6, v0  }
0xd: {  	_ =	strace $0x80000047;
	s12 =	sshll.u32 s11, $0x1;
	s31 =	sshrl.u32 s4, $0x1;
	v7 =	vor.u32 $0x7, v0;
	v8 =	vor.u32 $0x8, v0;
	v9 =	vor.u32 $0x9, v0  }
0xe: {  	s9 =	sadd.s32 $0x21000, s0;
	v10 =	vor.u32 $0xA, v0;
	v11 =	vor.u32 $0xB, v0;
	v12 =	vor.u32 $0xC, v0;
	s0 =	sadd.s32 s12, s0;
	s4 =	ssub.s32 s4, s31  }
0xf: {  	s11 =	smul.u32 $0x2780, s11;
	v13 =	vor.u32 $0xD, v0;
	v14 =	vor.u32 $0xE, v0;
	v15 =	vor.u32 $0xF, v0;
	s12 =	sadd.s32 $0x79800, s0;
	s13 =	smax.u32 s4, $0x1  }
.LBB2_1:
0x10: {  	[tilespmem:s3], [sflag:$0x4] =	stream.linear.gather [hbm4b:s6+s3], $0x80, $0x38;
	[tilespmem:$0xC580] =	vst v63  }
0x11: {  	_ =	swait.ge [sflag:s14], $0x80  }
0x12: {  	[sflag:s14] =	ssyncset.done $0x0  }
0x13: {  	[sflag:s14] =	ssyncadd.s32 $0xFFFFFF80  }
0x14: {  	v16 =	vld [tilespmem:$0x0]  }
0x15: {  	v17 =	vld [tilespmem:$0x10]  }
0x16: {  	v18 =	vld [tilespmem:$0x20]  }
0x17: {  	v19 =	vld [tilespmem:$0x30]  }
0x18: {  	v20 =	vld [tilespmem:$0x40]  }
0x19: {  	v21 =	vld [tilespmem:$0x50]  }
0x1a: {  	v23 =	vld [tilespmem:$0x60]  }
0x1b: {  	v22 =	vimm.f32 $-3.000000010e+38;
	s29 =	simm.s32 $0x0;
	v24 =	vld [tilespmem:$0x70]  }
.LBB2_2:
0x1c: {  	s0 =	sshll.u32 s29, $0x7  }
0x1d: {  	s30 =	sadd.s32 s11, s0  }
0x1e: {  	s0 =	sshrl.u32 s30, $0x3  }
0x1f: {  	s31 =	simm.s32 $0x0;
	s4 =	sadd.s32 s7, s0  }
0x20: {  	[tilespmem:s15], [sflag:$0x4] =	stream.linear.gather [hbm4b:s4+s31], $0x80, $0x38;
	[tilespmem:$0xC580] =	vst v63  }
0x21: {  	_ =	swait.ge [sflag:s14], $0x80  }
0x22: {  	[sflag:s14] =	ssyncset.done $0x0  }
0x23: {  	s4 =	sadd.s32 s8, s0;
	[sflag:s14] =	ssyncadd.s32 $0xFFFFFF80  }
0x24: {  	[tilespmem:s16], [sflag:$0x4] =	stream.linear.gather [hbm4b:s4+s31], $0x80, $0x38;
	[tilespmem:$0xC580] =	vst v63  }
0x25: {  	_ =	swait.ge [sflag:s14], $0x80  }
0x26: {  	[sflag:s14] =	ssyncset.done $0x0  }
0x27: {  	s0 =	sadd.s32 s9, s0;
	[sflag:s14] =	ssyncadd.s32 $0xFFFFFF80  }
0x28: {  	[tilespmem:s17], [sflag:$0x4] =	stream.linear.gather [hbm4b:s0+s31], $0x80, $0x38;
	[tilespmem:$0xC580] =	vst v63  }
0x29: {  	_ =	swait.ge [sflag:s14], $0x80  }
0x2a: {  	[sflag:s14] =	ssyncset.done $0x0  }
0x2b: {  	[sflag:s14] =	ssyncadd.s32 $0xFFFFFF80  }
0x2c: {  	[tilespmem:s18], [sflag:$0x1] =	stream.indirect.gather [hbm4b:s1+s15], $0x80, s15, s15, $0xb8;
	[tilespmem:$0xC580] =	vst v63  }
0x2d: {  	_ = 	snop  }
0x2e: {  	[tilespmem:s19], [sflag:$0x2] =	stream.indirect.gather [hbm4b:s5+s15], $0x80, s16, s15, $0xb8;
	[tilespmem:$0xC580] =	vst v63  }
0x2f: {  	_ = 	snop  }
0x30: {  	[tilespmem:s20], [sflag:$0x3] =	stream.indirect.gather [hbm4b:s2+s15], $0x80, s17, s15, $0xb8;
	[tilespmem:$0xC580] =	vst v63  }
0x31: {  	_ =	swait.ge [sflag:s21], $0x4000  }
0x32: {  	[sflag:s21] =	ssyncset.done $0x0  }
0x33: {  	[sflag:s21] =	ssyncadd.s32 $0xFFFFC000  }
0x34: {  	_ =	swait.ge [sflag:s22], $0x4000  }
0x35: {  	[sflag:s22] =	ssyncset.done $0x0  }
0x36: {  	[sflag:s22] =	ssyncadd.s32 $0xFFFFC000  }
0x37: {  	_ =	swait.ge [sflag:s23], $0x4000  }
0x38: {  	[sflag:s23] =	ssyncset.done $0x0  }
0x39: {  	s0 =	simm.s32 $0xC200;
	[sflag:s23] =	ssyncadd.s32 $0xFFFFC000  }
.LBB2_3:
0x3a: {  	s4 =	sshra.s32 s31, $0x2  }
0x3b: {  	v25 =	vld [tilespmem:s4+$0x200]  }
0x3c: {  	v26 =	vld [tilespmem:s4+$0x4200]  }
0x3d: {  	v27 =	vld [tilespmem:s4+$0x210]  }
0x3e: {  	v28 =	vld [tilespmem:s4+$0x4210]  }
0x3f: {  	v29 =	vld [tilespmem:s4+$0x8200]  }
0x40: {  	v30 =	vld [tilespmem:s4+$0x8210];
	_ =	sdelay $0x2  }
0x41: {  	v25 =	vadd.f32 v26, v25;
	v26 =	vadd.f32 v28, v27;
	_ =	sdelay $0x1  }
0x42: {  	v25 =	vadd.f32 v29, v25;
	v26 =	vadd.f32 v30, v26;
	_ =	sdelay $0x1  }
0x43: {  	v27 =	vmul.f32 $2.000000030e-01, v25;
	v60 =	vmul.f32 $2.000000030e-01, v26;
	_ =	sdelay $0x1  }
0x44: {  	v25 =	vmax.f32 v25, v27;
	v26 =	vmax.f32 v26, v60  }
0x45: {  	v25 =	vmul.f32 v25, v16;
	v26 =	vmul.f32 v26, v17;
	_ =	sdelay $0x1  }
0x46: {  	v25 =	vadd.f32 v26, v25;
	_ =	sdelay $0x1  }
0x47: {  	[tilespmem:$0xC400] =	vst v25  }
0x48: {  	v25 =	vld [tilespmem:s4+$0x220]  }
0x49: {  	v26 =	vld [tilespmem:s4+$0x4220]  }
0x4a: {  	v27 =	vld [tilespmem:s4+$0x230]  }
0x4b: {  	v61 =	vld [tilespmem:s4+$0x4230]  }
0x4c: {  	v62 =	vld [tilespmem:s4+$0x8220]  }
0x4d: {  	v63 =	vld [tilespmem:s4+$0x8230];
	_ =	sdelay $0x2  }
0x4e: {  	v25 =	vadd.f32 v26, v25;
	v26 =	vadd.f32 v61, v27;
	_ =	sdelay $0x1  }
0x4f: {  	v25 =	vadd.f32 v62, v25;
	v26 =	vadd.f32 v63, v26;
	_ =	sdelay $0x1  }
0x50: {  	v27 =	vmul.f32 $2.000000030e-01, v25;
	v33 =	vmul.f32 $2.000000030e-01, v26;
	_ =	sdelay $0x1  }
0x51: {  	v25 =	vmax.f32 v25, v27;
	v26 =	vmax.f32 v26, v33  }
0x52: {  	v25 =	vmul.f32 v25, v18;
	v26 =	vmul.f32 v26, v19;
	_ =	sdelay $0x1  }
0x53: {  	v25 =	vadd.f32 v26, v25;
	_ =	sdelay $0x1  }
0x54: {  	[tilespmem:$0xC410] =	vst v25  }
0x55: {  	v25 =	vld [tilespmem:s4+$0x240]  }
0x56: {  	v26 =	vld [tilespmem:s4+$0x4240]  }
0x57: {  	v27 =	vld [tilespmem:s4+$0x250]  }
0x58: {  	v34 =	vld [tilespmem:s4+$0x4250]  }
0x59: {  	v35 =	vld [tilespmem:s4+$0x8240]  }
0x5a: {  	v36 =	vld [tilespmem:s4+$0x8250];
	_ =	sdelay $0x2  }
0x5b: {  	v25 =	vadd.f32 v26, v25;
	v26 =	vadd.f32 v34, v27;
	_ =	sdelay $0x1  }
0x5c: {  	v25 =	vadd.f32 v35, v25;
	v26 =	vadd.f32 v36, v26;
	_ =	sdelay $0x1  }
0x5d: {  	v27 =	vmul.f32 $2.000000030e-01, v25;
	v37 =	vmul.f32 $2.000000030e-01, v26;
	_ =	sdelay $0x1  }
0x5e: {  	v25 =	vmax.f32 v25, v27;
	v26 =	vmax.f32 v26, v37  }
0x5f: {  	v25 =	vmul.f32 v25, v20;
	v26 =	vmul.f32 v26, v21;
	_ =	sdelay $0x1  }
0x60: {  	v25 =	vadd.f32 v26, v25;
	_ =	sdelay $0x1  }
0x61: {  	[tilespmem:$0xC420] =	vst v25  }
0x62: {  	v25 =	vld [tilespmem:s4+$0x260]  }
0x63: {  	v26 =	vld [tilespmem:s4+$0x4260]  }
0x64: {  	v27 =	vld [tilespmem:s4+$0x270]  }
0x65: {  	v38 =	vld [tilespmem:s4+$0x4270]  }
0x66: {  	v39 =	vld [tilespmem:s4+$0x8260]  }
0x67: {  	v40 =	vld [tilespmem:s4+$0x8270];
	_ =	sdelay $0x2  }
0x68: {  	v25 =	vadd.f32 v26, v25;
	v26 =	vadd.f32 v38, v27;
	_ =	sdelay $0x1  }
0x69: {  	v25 =	vadd.f32 v39, v25;
	v26 =	vadd.f32 v40, v26;
	_ =	sdelay $0x1  }
0x6a: {  	v27 =	vmul.f32 $2.000000030e-01, v25;
	v41 =	vmul.f32 $2.000000030e-01, v26;
	_ =	sdelay $0x1  }
0x6b: {  	v25 =	vmax.f32 v25, v27;
	v26 =	vmax.f32 v26, v41  }
0x6c: {  	v25 =	vmul.f32 v25, v23;
	v26 =	vmul.f32 v26, v24;
	_ =	sdelay $0x1  }
0x6d: {  	v25 =	vadd.f32 v26, v25;
	_ =	sdelay $0x1  }
0x6e: {  	[tilespmem:$0xC430] =	vst v25  }
0x6f: {  	v25 =	vld [tilespmem:s4+$0x280]  }
0x70: {  	v26 =	vld [tilespmem:s4+$0x4280]  }
0x71: {  	v27 =	vld [tilespmem:s4+$0x290]  }
0x72: {  	v42 =	vld [tilespmem:s4+$0x4290]  }
0x73: {  	v43 =	vld [tilespmem:s4+$0x8280]  }
0x74: {  	v44 =	vld [tilespmem:s4+$0x8290];
	_ =	sdelay $0x2  }
0x75: {  	v25 =	vadd.f32 v26, v25;
	v26 =	vadd.f32 v42, v27;
	_ =	sdelay $0x1  }
0x76: {  	v25 =	vadd.f32 v43, v25;
	v26 =	vadd.f32 v44, v26;
	_ =	sdelay $0x1  }
0x77: {  	v27 =	vmul.f32 $2.000000030e-01, v25;
	v45 =	vmul.f32 $2.000000030e-01, v26;
	_ =	sdelay $0x1  }
0x78: {  	v25 =	vmax.f32 v25, v27;
	v26 =	vmax.f32 v26, v45  }
0x79: {  	v25 =	vmul.f32 v25, v16;
	v26 =	vmul.f32 v26, v17;
	_ =	sdelay $0x1  }
0x7a: {  	v25 =	vadd.f32 v26, v25;
	_ =	sdelay $0x1  }
0x7b: {  	[tilespmem:$0xC440] =	vst v25  }
0x7c: {  	v25 =	vld [tilespmem:s4+$0x2A0]  }
0x7d: {  	v26 =	vld [tilespmem:s4+$0x42A0]  }
0x7e: {  	v27 =	vld [tilespmem:s4+$0x2B0]  }
0x7f: {  	v46 =	vld [tilespmem:s4+$0x42B0]  }
0x80: {  	v47 =	vld [tilespmem:s4+$0x82A0]  }
0x81: {  	v48 =	vld [tilespmem:s4+$0x82B0];
	_ =	sdelay $0x2  }
0x82: {  	v25 =	vadd.f32 v26, v25;
	v26 =	vadd.f32 v46, v27;
	_ =	sdelay $0x1  }
0x83: {  	v25 =	vadd.f32 v47, v25;
	v26 =	vadd.f32 v48, v26;
	_ =	sdelay $0x1  }
0x84: {  	v27 =	vmul.f32 $2.000000030e-01, v25;
	v49 =	vmul.f32 $2.000000030e-01, v26;
	_ =	sdelay $0x1  }
0x85: {  	v25 =	vmax.f32 v25, v27;
	v26 =	vmax.f32 v26, v49  }
0x86: {  	v25 =	vmul.f32 v25, v18;
	v26 =	vmul.f32 v26, v19;
	_ =	sdelay $0x1  }
0x87: {  	v25 =	vadd.f32 v26, v25;
	_ =	sdelay $0x1  }
0x88: {  	[tilespmem:$0xC450] =	vst v25  }
0x89: {  	v25 =	vld [tilespmem:s4+$0x2C0]  }
0x8a: {  	v26 =	vld [tilespmem:s4+$0x42C0]  }
0x8b: {  	v27 =	vld [tilespmem:s4+$0x2D0]  }
0x8c: {  	v50 =	vld [tilespmem:s4+$0x42D0]  }
0x8d: {  	v51 =	vld [tilespmem:s4+$0x82C0]  }
0x8e: {  	v52 =	vld [tilespmem:s4+$0x82D0];
	_ =	sdelay $0x2  }
0x8f: {  	v25 =	vadd.f32 v26, v25;
	v26 =	vadd.f32 v50, v27;
	_ =	sdelay $0x1  }
0x90: {  	v25 =	vadd.f32 v51, v25;
	v26 =	vadd.f32 v52, v26;
	_ =	sdelay $0x1  }
0x91: {  	v27 =	vmul.f32 $2.000000030e-01, v25;
	v53 =	vmul.f32 $2.000000030e-01, v26;
	_ =	sdelay $0x1  }
0x92: {  	v25 =	vmax.f32 v25, v27;
	v26 =	vmax.f32 v26, v53  }
0x93: {  	v25 =	vmul.f32 v25, v20;
	v26 =	vmul.f32 v26, v21;
	_ =	sdelay $0x1  }
0x94: {  	v25 =	vadd.f32 v26, v25;
	_ =	sdelay $0x1  }
0x95: {  	[tilespmem:$0xC460] =	vst v25  }
0x96: {  	v25 =	vld [tilespmem:s4+$0x2E0]  }
0x97: {  	v26 =	vld [tilespmem:s4+$0x42E0]  }
0x98: {  	v27 =	vld [tilespmem:s4+$0x2F0]  }
0x99: {  	v54 =	vld [tilespmem:s4+$0x42F0]  }
0x9a: {  	v55 =	vld [tilespmem:s4+$0x82E0]  }
0x9b: {  	v56 =	vld [tilespmem:s4+$0x82F0];
	_ =	sdelay $0x2  }
0x9c: {  	v25 =	vadd.f32 v26, v25;
	v26 =	vadd.f32 v54, v27;
	_ =	sdelay $0x1  }
0x9d: {  	v25 =	vadd.f32 v55, v25;
	v26 =	vadd.f32 v56, v26;
	_ =	sdelay $0x1  }
0x9e: {  	v27 =	vmul.f32 $2.000000030e-01, v25;
	v57 =	vmul.f32 $2.000000030e-01, v26;
	_ =	sdelay $0x1  }
0x9f: {  	v25 =	vmax.f32 v25, v27;
	v26 =	vmax.f32 v26, v57  }
0xa0: {  	v25 =	vmul.f32 v25, v23;
	v26 =	vmul.f32 v26, v24;
	_ =	sdelay $0x1  }
0xa1: {  	v25 =	vadd.f32 v26, v25;
	_ =	sdelay $0x1  }
0xa2: {  	[tilespmem:$0xC470] =	vst v25  }
0xa3: {  	v25 =	vld [tilespmem:s4+$0x300]  }
0xa4: {  	v26 =	vld [tilespmem:s4+$0x4300]  }
0xa5: {  	v27 =	vld [tilespmem:s4+$0x310]  }
0xa6: {  	v58 =	vld [tilespmem:s4+$0x4310]  }
0xa7: {  	v59 =	vld [tilespmem:s4+$0x8300]  }
0xa8: {  	v60 =	vld [tilespmem:s4+$0x8310];
	_ =	sdelay $0x2  }
0xa9: {  	v25 =	vadd.f32 v26, v25;
	v26 =	vadd.f32 v58, v27;
	_ =	sdelay $0x1  }
0xaa: {  	v25 =	vadd.f32 v59, v25;
	v26 =	vadd.f32 v60, v26;
	_ =	sdelay $0x1  }
0xab: {  	v27 =	vmul.f32 $2.000000030e-01, v25;
	v61 =	vmul.f32 $2.000000030e-01, v26;
	_ =	sdelay $0x1  }
0xac: {  	v25 =	vmax.f32 v25, v27;
	v26 =	vmax.f32 v26, v61  }
0xad: {  	v25 =	vmul.f32 v25, v16;
	v26 =	vmul.f32 v26, v17;
	_ =	sdelay $0x1  }
0xae: {  	v25 =	vadd.f32 v26, v25;
	_ =	sdelay $0x1  }
0xaf: {  	[tilespmem:$0xC480] =	vst v25  }
0xb0: {  	v25 =	vld [tilespmem:s4+$0x320]  }
0xb1: {  	v26 =	vld [tilespmem:s4+$0x4320]  }
0xb2: {  	v27 =	vld [tilespmem:s4+$0x330]  }
0xb3: {  	v62 =	vld [tilespmem:s4+$0x4330]  }
0xb4: {  	v63 =	vld [tilespmem:s4+$0x8320]  }
0xb5: {  	v33 =	vld [tilespmem:s4+$0x8330];
	_ =	sdelay $0x2  }
0xb6: {  	v25 =	vadd.f32 v26, v25;
	v26 =	vadd.f32 v62, v27;
	_ =	sdelay $0x1  }
0xb7: {  	v25 =	vadd.f32 v63, v25;
	v26 =	vadd.f32 v33, v26;
	_ =	sdelay $0x1  }
0xb8: {  	v27 =	vmul.f32 $2.000000030e-01, v25;
	v34 =	vmul.f32 $2.000000030e-01, v26;
	_ =	sdelay $0x1  }
0xb9: {  	v25 =	vmax.f32 v25, v27;
	v26 =	vmax.f32 v26, v34  }
0xba: {  	v25 =	vmul.f32 v25, v18;
	v26 =	vmul.f32 v26, v19;
	_ =	sdelay $0x1  }
0xbb: {  	v25 =	vadd.f32 v26, v25;
	_ =	sdelay $0x1  }
0xbc: {  	[tilespmem:$0xC490] =	vst v25  }
0xbd: {  	v25 =	vld [tilespmem:s4+$0x340]  }
0xbe: {  	v26 =	vld [tilespmem:s4+$0x4340]  }
0xbf: {  	v27 =	vld [tilespmem:s4+$0x350]  }
0xc0: {  	v35 =	vld [tilespmem:s4+$0x4350]  }
0xc1: {  	v36 =	vld [tilespmem:s4+$0x8340]  }
0xc2: {  	v37 =	vld [tilespmem:s4+$0x8350];
	_ =	sdelay $0x2  }
0xc3: {  	v25 =	vadd.f32 v26, v25;
	v26 =	vadd.f32 v35, v27;
	_ =	sdelay $0x1  }
0xc4: {  	v25 =	vadd.f32 v36, v25;
	v26 =	vadd.f32 v37, v26;
	_ =	sdelay $0x1  }
0xc5: {  	v27 =	vmul.f32 $2.000000030e-01, v25;
	v38 =	vmul.f32 $2.000000030e-01, v26;
	_ =	sdelay $0x1  }
0xc6: {  	v25 =	vmax.f32 v25, v27;
	v26 =	vmax.f32 v26, v38  }
0xc7: {  	v25 =	vmul.f32 v25, v20;
	v26 =	vmul.f32 v26, v21;
	_ =	sdelay $0x1  }
0xc8: {  	v25 =	vadd.f32 v26, v25;
	_ =	sdelay $0x1  }
0xc9: {  	[tilespmem:$0xC4A0] =	vst v25  }
0xca: {  	v25 =	vld [tilespmem:s4+$0x360]  }
0xcb: {  	v26 =	vld [tilespmem:s4+$0x4360]  }
0xcc: {  	v27 =	vld [tilespmem:s4+$0x370]  }
0xcd: {  	v39 =	vld [tilespmem:s4+$0x4370]  }
0xce: {  	v40 =	vld [tilespmem:s4+$0x8360]  }
0xcf: {  	v41 =	vld [tilespmem:s4+$0x8370];
	_ =	sdelay $0x2  }
0xd0: {  	v25 =	vadd.f32 v26, v25;
	v26 =	vadd.f32 v39, v27;
	_ =	sdelay $0x1  }
0xd1: {  	v25 =	vadd.f32 v40, v25;
	v26 =	vadd.f32 v41, v26;
	_ =	sdelay $0x1  }
0xd2: {  	v27 =	vmul.f32 $2.000000030e-01, v25;
	v42 =	vmul.f32 $2.000000030e-01, v26;
	_ =	sdelay $0x1  }
0xd3: {  	v25 =	vmax.f32 v25, v27;
	v26 =	vmax.f32 v26, v42  }
0xd4: {  	v25 =	vmul.f32 v25, v23;
	v26 =	vmul.f32 v26, v24;
	_ =	sdelay $0x1  }
0xd5: {  	v25 =	vadd.f32 v26, v25;
	_ =	sdelay $0x1  }
0xd6: {  	[tilespmem:$0xC4B0] =	vst v25  }
0xd7: {  	v25 =	vld [tilespmem:s4+$0x380]  }
0xd8: {  	v26 =	vld [tilespmem:s4+$0x4380]  }
0xd9: {  	v27 =	vld [tilespmem:s4+$0x390]  }
0xda: {  	v43 =	vld [tilespmem:s4+$0x4390]  }
0xdb: {  	v44 =	vld [tilespmem:s4+$0x8380]  }
0xdc: {  	v45 =	vld [tilespmem:s4+$0x8390];
	_ =	sdelay $0x2  }
0xdd: {  	v25 =	vadd.f32 v26, v25;
	v26 =	vadd.f32 v43, v27;
	_ =	sdelay $0x1  }
0xde: {  	v25 =	vadd.f32 v44, v25;
	v26 =	vadd.f32 v45, v26;
	_ =	sdelay $0x1  }
0xdf: {  	v27 =	vmul.f32 $2.000000030e-01, v25;
	v46 =	vmul.f32 $2.000000030e-01, v26;
	_ =	sdelay $0x1  }
0xe0: {  	v25 =	vmax.f32 v25, v27;
	v26 =	vmax.f32 v26, v46  }
0xe1: {  	v25 =	vmul.f32 v25, v16;
	v26 =	vmul.f32 v26, v17;
	_ =	sdelay $0x1  }
0xe2: {  	v25 =	vadd.f32 v26, v25;
	_ =	sdelay $0x1  }
0xe3: {  	[tilespmem:$0xC4C0] =	vst v25  }
0xe4: {  	v25 =	vld [tilespmem:s4+$0x3A0]  }
0xe5: {  	v26 =	vld [tilespmem:s4+$0x43A0]  }
0xe6: {  	v27 =	vld [tilespmem:s4+$0x3B0]  }
0xe7: {  	v47 =	vld [tilespmem:s4+$0x43B0]  }
0xe8: {  	v48 =	vld [tilespmem:s4+$0x83A0]  }
0xe9: {  	v49 =	vld [tilespmem:s4+$0x83B0];
	_ =	sdelay $0x2  }
0xea: {  	v25 =	vadd.f32 v26, v25;
	v26 =	vadd.f32 v47, v27;
	_ =	sdelay $0x1  }
0xeb: {  	v25 =	vadd.f32 v48, v25;
	v26 =	vadd.f32 v49, v26;
	_ =	sdelay $0x1  }
0xec: {  	v27 =	vmul.f32 $2.000000030e-01, v25;
	v50 =	vmul.f32 $2.000000030e-01, v26;
	_ =	sdelay $0x1  }
0xed: {  	v25 =	vmax.f32 v25, v27;
	v26 =	vmax.f32 v26, v50  }
0xee: {  	v25 =	vmul.f32 v25, v18;
	v26 =	vmul.f32 v26, v19;
	_ =	sdelay $0x1  }
0xef: {  	v25 =	vadd.f32 v26, v25;
	_ =	sdelay $0x1  }
0xf0: {  	[tilespmem:$0xC4D0] =	vst v25  }
0xf1: {  	v25 =	vld [tilespmem:s4+$0x3C0]  }
0xf2: {  	v26 =	vld [tilespmem:s4+$0x43C0]  }
0xf3: {  	v27 =	vld [tilespmem:s4+$0x3D0]  }
0xf4: {  	v51 =	vld [tilespmem:s4+$0x43D0]  }
0xf5: {  	v52 =	vld [tilespmem:s4+$0x83C0]  }
0xf6: {  	v53 =	vld [tilespmem:s4+$0x83D0];
	_ =	sdelay $0x2  }
0xf7: {  	v25 =	vadd.f32 v26, v25;
	v26 =	vadd.f32 v51, v27;
	_ =	sdelay $0x1  }
0xf8: {  	v25 =	vadd.f32 v52, v25;
	v26 =	vadd.f32 v53, v26;
	_ =	sdelay $0x1  }
0xf9: {  	v27 =	vmul.f32 $2.000000030e-01, v25;
	v54 =	vmul.f32 $2.000000030e-01, v26;
	_ =	sdelay $0x1  }
0xfa: {  	v25 =	vmax.f32 v25, v27;
	v26 =	vmax.f32 v26, v54  }
0xfb: {  	v25 =	vmul.f32 v25, v20;
	v26 =	vmul.f32 v26, v21;
	_ =	sdelay $0x1  }
0xfc: {  	v25 =	vadd.f32 v26, v25;
	_ =	sdelay $0x1  }
0xfd: {  	[tilespmem:$0xC4E0] =	vst v25  }
0xfe: {  	v25 =	vld [tilespmem:s4+$0x3E0]  }
0xff: {  	v26 =	vld [tilespmem:s4+$0x43E0]  }
0x100: {  	v27 =	vld [tilespmem:s4+$0x3F0]  }
0x101: {  	v55 =	vld [tilespmem:s4+$0x43F0]  }
0x102: {  	v56 =	vld [tilespmem:s4+$0x83E0]  }
0x103: {  	v57 =	vld [tilespmem:s4+$0x83F0];
	_ =	sdelay $0x2  }
0x104: {  	v25 =	vadd.f32 v26, v25;
	v26 =	vadd.f32 v55, v27;
	_ =	sdelay $0x1  }
0x105: {  	v25 =	vadd.f32 v56, v25;
	v26 =	vadd.f32 v57, v26;
	_ =	sdelay $0x1  }
0x106: {  	v27 =	vmul.f32 $2.000000030e-01, v25;
	v58 =	vmul.f32 $2.000000030e-01, v26;
	_ =	sdelay $0x1  }
0x107: {  	v25 =	vmax.f32 v25, v27;
	v26 =	vmax.f32 v26, v58  }
0x108: {  	v25 =	vmul.f32 v25, v23;
	v26 =	vmul.f32 v26, v24;
	_ =	sdelay $0x1  }
0x109: {  	v25 =	vadd.f32 v26, v25;
	_ =	sdelay $0x1  }
0x10a: {  	[tilespmem:$0xC4F0] =	vst v25  }
0x10b: {  	v25 =	vld.idx.msk [tilespmem:v0+s24+$0x0], $0xffff  }
0x10c: {  	v26 =	vld.idx.msk [tilespmem:v1+s24+$0x0], $0xffff;
	_ =	sdelay $0x1  }
0x10d: {  	v27 =	vld.idx.msk [tilespmem:v2+s24+$0x0], $0xffff;
	_ =	sdelay $0x1  }
0x10e: {  	v59 =	vld.idx.msk [tilespmem:v3+s24+$0x0], $0xffff  }
0x10f: {  	v25 =	vadd.f32 v26, v25  }
0x110: {  	v26 =	vld.idx.msk [tilespmem:v4+s24+$0x0], $0xffff  }
0x111: {  	v25 =	vadd.f32 v27, v25  }
0x112: {  	v27 =	vld.idx.msk [tilespmem:v5+s24+$0x0], $0xffff  }
0x113: {  	v25 =	vadd.f32 v59, v25  }
0x114: {  	v60 =	vld.idx.msk [tilespmem:v6+s24+$0x0], $0xffff  }
0x115: {  	v25 =	vadd.f32 v26, v25  }
0x116: {  	v26 =	vld.idx.msk [tilespmem:v7+s24+$0x0], $0xffff  }
0x117: {  	v25 =	vadd.f32 v27, v25  }
0x118: {  	v27 =	vld.idx.msk [tilespmem:v8+s24+$0x0], $0xffff  }
0x119: {  	v25 =	vadd.f32 v60, v25  }
0x11a: {  	v61 =	vld.idx.msk [tilespmem:v9+s24+$0x0], $0xffff  }
0x11b: {  	v25 =	vadd.f32 v26, v25  }
0x11c: {  	v26 =	vld.idx.msk [tilespmem:v10+s24+$0x0], $0xffff  }
0x11d: {  	v25 =	vadd.f32 v27, v25  }
0x11e: {  	v27 =	vld.idx.msk [tilespmem:v11+s24+$0x0], $0xffff  }
0x11f: {  	v25 =	vadd.f32 v61, v25  }
0x120: {  	v62 =	vld.idx.msk [tilespmem:v12+s24+$0x0], $0xffff  }
0x121: {  	v25 =	vadd.f32 v26, v25  }
0x122: {  	v26 =	vld.idx.msk [tilespmem:v13+s24+$0x0], $0xffff  }
0x123: {  	v25 =	vadd.f32 v27, v25  }
0x124: {  	v27 =	vld.idx.msk [tilespmem:v14+s24+$0x0], $0xffff  }
0x125: {  	v25 =	vadd.f32 v62, v25  }
0x126: {  	v63 =	vld.idx.msk [tilespmem:v15+s24+$0x0], $0xffff  }
0x127: {  	v25 =	vadd.f32 v26, v25  }
0x128: {  	p0 =	sne.s32 s31, $0xF800  }
.Ltmp0:
0x129: {  	v25 =	vadd.f32 v27, v25;
	(pc) =	sbr.rel @p0 .LBB2_3-.Ltmp0, $3  }
0x12a: {  	_ = 	snop  }
0x12b: {  	v25 =	vadd.f32 v63, v25;
	_ =	sdelay $0x1  }
0x12c: {  	s31 =	sadd.s32 $0x800, s31;
	[tilespmem:s0+$0x0] =	vst v25;
	v22 =	vmax.f32 v22, v25;
	s0 =	sadd.s32 $0x10, s0  }
0x12d: {  	s29 =	sadd.s32 $0x1, s29  }
0x12e: {  	s0 =	sshrl.u32 s30, $0x1;
	p0 =	sne.s32 s29, $0x4F  }
.Ltmp1:
0x12f: {  	s0 =	sadd.s32 s10, s0;
	(pc) =	sbr.rel @p0 .LBB2_2-.Ltmp1, $4  }
0x130: {  	[hbm4b:s0+s3] =	stream.linear.scatter [tilespmem:s25], [sflag:$0x4], $0x200, $0x38;
	[tilespmem:$0xC580] =	vst v63  }
0x131: {  	_ =	swait.ge [sflag:s14], $0x200  }
0x132: {  	[sflag:s14] =	ssyncset.done $0x0  }
0x133: {  	[sflag:s14] =	ssyncadd.s32 $0xFFFFFE00  }
0x134: {  	s28 =	sadd.s32 $0x1, s28  }
0x135: {  	p0 =	sne.s32 s28, s13  }
.Ltmp2:
0x136: {  	[tilespmem:$0xC500] =	vst v22;
	(pc) =	sbr.rel @p0 .LBB2_1-.Ltmp2, $4  }
0x137: {  	[hbm4b:s12+s3] =	stream.linear.scatter [tilespmem:s26], [sflag:$0x4], $0x10, $0x38;
	[tilespmem:$0xC580] =	vst v63  }
0x138: {  	_ =	swait.ge [sflag:s14], $0x10  }
0x139: {  	[sflag:s14] =	ssyncset.done $0x0  }
0x13a: {  	[sflag:s14] =	ssyncadd.s32 $0xFFFFFFF0  }
0x13b: {  	_ =	sfence.sel $0x180000  }
0x13c: {  	[bflag:$0x0] =	sbarrier.arrive $0xFFFF  }
0x13d: {  	_ =	strace $0x90000047  }
0x13e: {  	s0 =	stileid.u32;
	[bflag:$0x2] =	sbarrier.arrive $0xFFFF  }
0x13f: {  	p0 =	sne.s32 s0, $0x0;
	s0 =	rddreg [dreg:$0x3]  }
0x140: {  	s0 =	sadd.s32 @!p0 $0x100000, s0  }
0x141: {  	[sflag:s0] =	ssyncadd.tile.s32 @!p0 $0x1;
	_ =	shalt  }
.Lfunc_end2:
_tile_overlayer_lowered:
.L_overlay_start_2:
0x142: {  	(tag) =	ssettag $0x2  }
0x143: {  	s0 =	rddreg [dreg:$0x0];
	s2 =	stileid.u32  }
0x144: {  	s1 =	rddreg [dreg:$0x1];
	p0 =	sne.s32 s2, $0x0  }
0x145: {  	s3 =	rddreg [dreg:$0x2];
	[bflag:$0x3] =	sbarrier.arrive $0xFFFF;
	s2 =	simm.s32 @!p0 $0x1C04  }
0x146: {  	[timem:s3], [sflag:s2] =	dma.local @!p0 [hbm:s0], s1  }
0x147: {  	s0 =	simm.s32 @!p0 $0x4  }
0x148: {  	_ =	swait.ge @!p0 [sflag:s0], s1  }
0x149: {  	s1 =	ssub.s32 @!p0 $0x0, s1;
	[sflag:s0] =	ssyncset.done @!p0 $0x0  }
0x14a: {  	[sflag:s0] =	ssyncadd.s32 @!p0 s1  }
0x14b: {  	[bflag:$0x3] =	sbarrier.arrive $0xFFFF  }
0x14c: {  	_ =	shalt  }

// kernel: kernel.9.cloned.1.call-start
scs
__scs_entry_jumppad:
0x0: {  	(pc) =	sbr.rel $0x88, $3  }
0x1: {  	(tag) =	ssettag $0x0;
	lr =	simm.s32 $0x1  }
0x2: {  	[smem:$0x3F91] =	sst lr;
	_ =	strace $0xD0000000  }
0x3: {  	_ = 	snop  }
0x4: {  	_ = 	snop  }
0x5: {  	_ = 	snop  }
0x6: {  	_ = 	snop  }
0x7: {  	_ = 	snop  }
__scs_overlays_trampoline_lowered:
0x8: {  	[smem:$0x3FA0] =	sst s0  }
0x9: {  	[smem:$0x3FA1] =	sst s1  }
0xa: {  	[smem:$0x3FA2] =	sst s2  }
0xb: {  	[smem:$0x3FA3] =	sst s3  }
0xc: {  	[smem:$0x3FA4] =	sst s4  }
0xd: {  	[smem:$0x3FA5] =	sst s5  }
0xe: {  	[smem:$0x3FA6] =	sst s6  }
0xf: {  	[smem:$0x3FA7] =	sst s7  }
0x10: {  	[smem:$0x3FA8] =	sst s8  }
0x11: {  	[smem:$0x3FA9] =	sst s9;
	s0 =	simm.s32 @!p0 $0x0  }
0x12: {  	s1 =	sld [smem:$0x3F8F];
	s0 =	simm.s32 @p0 $0x1  }
0x13: {  	[smem:$0x3FAA] =	sst s0;
	s0 =	simm.s32 @!p1 $0x0  }
0x14: {  	s2 =	sld [smem:$0x3F8E];
	s0 =	simm.s32 @p1 $0x1  }
0x15: {  	[smem:$0x3FAB] =	sst s0;
	s0 =	simm.s32 @!p2 $0x0  }
0x16: {  	s3 =	sld [smem:$0x3FDB];
	s0 =	simm.s32 @p2 $0x1  }
0x17: {  	s4 =	simm.s32 $0x1BF5;
	[smem:$0x3FAD] =	sst s0  }
0x18: {  	s0 =	sld [smem:$0x3F90];
	_ =	swait.ge [sflag:s4], $0x0  }
0x19: {  	s7 =	sld [smem:$0x3F91]  }
0x1a: {  	s8 =	sadd.s32 $0xFFFFE003, lr  }
0x1b: {  	s9 =	sadd.s32 $0xFFFFFEF7, lr;
	s5 =	simm.s32 $0xFFFFFFFF;
	p2 =	slt.u32 s8, $0xFFFFF086  }
0x1c: {  	p1 =	slt.u32 s9, $0xF7A;
	s5 =	simm.s32 @!p2 $0x0  }
0x1d: {  	s5 =	simm.s32 @p1 $0x1;
	p0 =	seq.s32 s7, s2  }
0x1e: {  	s7 =	smul.u32 @!p0 $0xF7A, s2;
	p2 =	seq.s32 @!p0 s5, $0x0  }
0x1f: {  	s9 =	smul.u32 $0xF7A, s1;
	s8 =	simm.s32 @!p0 $0x1BF5;
	p2 =	por !p2, p0  }
0x20: {  	[sflag:s8] =	ssyncset.s32 @!p0 $0xFFFFF086;
	s6 =	sadd.s32 @!p0 s3, s7;
	s7 =	simm.s32 @!p0 $0x108  }
0x21: {  	s3 =	sadd.s32 s3, s9;
	s6 =	sadd.s32 @!p0 $0x88, s6;
	s7 =	simm.s32 @p2 $0x1082  }
0x22: {  	[simem:s7], [sflag:s8] =	dma.local @!p0 [hbm:s6], $0xF7A  }
0x23: {  	s9 =	sor.u32 $0xD0000000, s2;
	s6 =	simm.s32 $0x108;
	_ =	swait.ge @!p0 [sflag:s8], $0x0  }
0x24: {  	s3 =	sadd.s32 $0x88, s3;
	s6 =	simm.s32 @!p1 $0x1082;
	[sflag:s4] =	ssyncset.s32 $0xFFFFF086  }
0x25: {  	[simem:s6], [sflag:s4] =	dma.local [hbm:s3], $0xF7A  }
0x26: {  	[smem:$0x3F91] =	sst s1;
	(tag) =	ssettag s2;
	_ =	strace s9  }
0x27: {  	s1 =	sld [smem:$0x3FA1]  }
0x28: {  	s2 =	sld [smem:$0x3FA2]  }
0x29: {  	s4 =	sld [smem:$0x3FA4]  }
0x2a: {  	p0 =	seq.s32 s5, $0x0;
	s5 =	sld [smem:$0x3FA5]  }
0x2b: {  	s6 =	sld [smem:$0x3FA6]  }
0x2c: {  	s7 =	sld [smem:$0x3FA7]  }
0x2d: {  	s3 =	simm.s32 $0x108;
	s8 =	sld [smem:$0x3FA8]  }
0x2e: {  	s3 =	simm.s32 @!p0 $0x1082;
	s9 =	sld [smem:$0x3FA9]  }
0x2f: {  	lr =	sadd.s32 s0, s3;
	s0 =	sld [smem:$0x3FA0]  }
0x30: {  	s3 =	sld [smem:$0x3FA3]  }
0x31: {  	[smem:$0x3FAC] =	sst s10  }
0x32: {  	s10 =	sld [smem:$0x3FAA];
	_ =	sdelay $0x3  }
0x33: {  	p0 =	seq.s32 s10, $0x1;
	s10 =	sld [smem:$0x3FAC];
	_ =	sdelay $0x3  }
0x34: {  	[smem:$0x3FAC] =	sst s10  }
0x35: {  	s10 =	sld [smem:$0x3FAB];
	_ =	sdelay $0x3  }
0x36: {  	p1 =	seq.s32 s10, $0x1;
	s10 =	sld [smem:$0x3FAC];
	_ =	sdelay $0x3  }
0x37: {  	[smem:$0x3FAC] =	sst s10  }
0x38: {  	s10 =	sld [smem:$0x3FAD]  }
0x39: {  	_ = 	snop;
	(pc) =	sbr.ind lr, $3  }
0x3a: {  	_ = 	snop  }
0x3b: {  	_ = 	snop  }
0x3c: {  	p2 =	seq.s32 s10, $0x1;
	s10 =	sld [smem:$0x3FAC]  }
0x3d: {  	_ =	shalt  }
0x3e: {  	_ =	shalt  }
0x3f: {  	_ =	shalt  }
0x40: {  	_ =	shalt  }
0x41: {  	_ =	shalt  }
0x42: {  	_ =	shalt  }
0x43: {  	_ =	shalt  }
0x44: {  	_ =	shalt  }
0x45: {  	_ =	shalt  }
0x46: {  	_ =	shalt  }
0x47: {  	_ =	shalt  }
0x48: {  	_ =	shalt  }
0x49: {  	_ =	shalt  }
0x4a: {  	_ =	shalt  }
0x4b: {  	_ =	shalt  }
0x4c: {  	_ =	shalt  }
0x4d: {  	_ =	shalt  }
0x4e: {  	_ =	shalt  }
0x4f: {  	_ =	shalt  }
0x50: {  	_ =	shalt  }
0x51: {  	_ =	shalt  }
0x52: {  	_ =	shalt  }
0x53: {  	_ =	shalt  }
0x54: {  	_ =	shalt  }
0x55: {  	_ =	shalt  }
0x56: {  	_ =	shalt  }
0x57: {  	_ =	shalt  }
0x58: {  	_ =	shalt  }
0x59: {  	_ =	shalt  }
0x5a: {  	_ =	shalt  }
0x5b: {  	_ =	shalt  }
0x5c: {  	_ =	shalt  }
0x5d: {  	_ =	shalt  }
0x5e: {  	_ =	shalt  }
0x5f: {  	_ =	shalt  }
0x60: {  	_ =	shalt  }
0x61: {  	_ =	shalt  }
0x62: {  	_ =	shalt  }
0x63: {  	_ =	shalt  }
0x64: {  	_ =	shalt  }
0x65: {  	_ =	shalt  }
0x66: {  	_ =	shalt  }
0x67: {  	_ =	shalt  }
0x68: {  	_ =	shalt  }
0x69: {  	_ =	shalt  }
0x6a: {  	_ =	shalt  }
0x6b: {  	_ =	shalt  }
0x6c: {  	_ =	shalt  }
0x6d: {  	_ =	shalt  }
0x6e: {  	_ =	shalt  }
0x6f: {  	_ =	shalt  }
0x70: {  	_ =	shalt  }
0x71: {  	_ =	shalt  }
0x72: {  	_ =	shalt  }
0x73: {  	_ =	shalt  }
0x74: {  	_ =	shalt  }
0x75: {  	_ =	shalt  }
0x76: {  	_ =	shalt  }
0x77: {  	_ =	shalt  }
0x78: {  	_ =	shalt  }
0x79: {  	_ =	shalt  }
0x7a: {  	_ =	shalt  }
0x7b: {  	_ =	shalt  }
0x7c: {  	_ =	shalt  }
0x7d: {  	_ =	shalt  }
0x7e: {  	_ =	shalt  }
0x7f: {  	_ =	shalt  }
0x80: {  	_ =	shalt  }
0x81: {  	_ =	shalt  }
0x82: {  	_ =	shalt  }
0x83: {  	_ =	shalt  }
0x84: {  	_ =	shalt  }
0x85: {  	_ =	shalt  }
0x86: {  	_ =	shalt  }
0x87: {  	_ =	shalt  }
.Lfunc_end0:
.L_simem_size_0:
called_computation.1_lowered:
.L_overlay_start_0:
0x88: {  	s2 =	sld [smem:$0x3FD9]  }
0x89: {  	s3 =	sld [smem:$0x3FFE];
	_ =	sdelay $0x1  }
0x8a: {  	s1 =	srdreg.scid  }
0x8b: {  	s0 =	sand.u32 $0x1, s1  }
0x8c: {  	s17 =	sshll.u32 s0, $0xA;
	s2 =	sadd.s32 s3, s2  }
0x8d: {  	s2 =	sadd.s32 s2, s17  }
0x8e: {  	[smem:$0x3FB8] =	sst s2  }
0x8f: {  	_ = 	snop  }
0x90: {  	s2 =	sld [smem:$0x3FD0];
	(tm) =	ssettm $0x1  }
0x91: {  	s18 =	sld [smem:$0x3FFB];
	_ =	sdelay $0x3  }
0x92: {  	_ =	strace s18  }
0x93: {  	s3 =	sld [smem:$0x3FFC];
	_ =	sdelay $0x3  }
0x94: {  	_ =	strace s3  }
0x95: {  	s3 =	sld [smem:$0x3FFD];
	_ =	sdelay $0x3  }
0x96: {  	_ =	strace s3  }
0x97: {  	_ =	strace $0x8FFFFFFF  }
0x98: {  	s19 =	sld [smem:$0x3FDB];
	_ =	sdelay $0x1  }
0x99: {  	s4 =	simm.s32 $_scs_section_size  }
0x9a: {  	s5 =	simm.s32 $_size__tile_overlayer_lowered;
	s6 =	simm.s32 $_tile_overlayer_lowered  }
0x9b: {  	s22 =	simm.s32 $0x1BFF;
	s21 =	sshll.u32 s6, $0x1;
	s3 =	sadd.s32 s4, s19  }
0x9c: {  	s7 =	simm.s32 $0x0;
	s20 =	sshll.u32 s5, $0x1;
	s5 =	sadd.s32 s21, s3  }
0x9d: {  	[timem:s7], [sflag:s22] =	dma.local [hbm:s5], s20  }
0x9e: {  	_ =	swait.ge [sflag:s22], s20  }
0x9f: {  	s4 =	ssub.s32 $0x0, s20;
	[sflag:s22] =	ssyncset.done $0x0  }
0xa0: {  	[sflag:s22] =	ssyncadd.s32 s4;
	_ =	sdelay $0x1  }
0xa1: {  	s23 =	simm.s32 $0x1B8B  }
0xa2: {  	_ =	swait.ge [sflag:s23], $0x1  }
0xa3: {  	[sflag:s23] =	ssyncset.done $0x0  }
0xa4: {  	s25 =	simm.s32 $0x1B8E;
	s24 =	sld [smem:$0x3FFE];
	[sflag:s23] =	ssyncadd.s32 $0xFFFFFFFF  }
0xa5: {  	s26 =	simm.s32 $execute0_lowered;
	[smem:$0x3FD2] =	sst s25  }
0xa6: {  	s5 =	sshll.u32 s26, $0x1;
	_ =	strace $0x80000049;
	[dreg:$0x1] =	wrdreg $0xFFFFFFFF  }
0xa7: {  	s28 =	simm.s32 $_size_execute0_lowered;
	s3 =	sadd.s32 s3, s5;
	[dreg:$0x0] =	wrdreg $0x0  }
0xa8: {  	s5 =	sshll.u32 s28, $0x1;
	[dreg:$0x2] =	wrdreg s3  }
0xa9: {  	[dreg:$0x3] =	wrdreg s5  }
0xaa: {  	[dreg:$0x4] =	wrdreg $0xC0  }
0xab: {  	_ =	task [dreg:s7], $0x5FFFF  }
0xac: {  	[dreg:$0x1] =	wrdreg $0xFFFFFFFF  }
0xad: {  	[dreg:$0x0] =	wrdreg $0x60  }
0xae: {  	[dreg:$0x2] =	wrdreg s2  }
0xaf: {  	[dreg:$0x3] =	wrdreg s24  }
0xb0: {  	[dreg:$0x4] =	wrdreg $0x4F300  }
0xb1: {  	[dreg:$0x5] =	wrdreg $0x18B300  }
0xb2: {  	[dreg:$0x6] =	wrdreg $0x9  }
0xb3: {  	_ =	task.clear_ibuf [dreg:s7], $0x7FFFF;
	_ =	strace $0x90000049  }
0xb4: {  	s29 =	simm.s32 $0x9;
	_ =	strace $0x8000004B  }
0xb5: {  	_ =	swait.ge [sflag:s29], $0x1  }
0xb6: {  	[sflag:s29] =	ssyncadd.s32 $0xFFFFFFFF  }
0xb7: {  	_ =	strace $0x9000004B  }
0xb8: {  	_ =	sfence  }
0xb9: {  	s30 =	sld [smem:$0x0];
	_ =	sdelay $0x2  }
0xba: {  	s31 =	sshll.u32 s1, $0xD;
	s1 =	sshrl.u32 s1, $0x2  }
0xbb: {  	s3 =	sand.u32 $0x4000, s31;
	s1 =	sadd.s32 s1, s30  }
0xbc: {  	s0 =	sor.u32 s3, s0;
	s1 =	sshll.u32 s1, $0x11  }
0xbd: {  	s0 =	sor.u32 s1, s0  }
0xbe: {  	s0 =	sadd.s32 $0x8F2B, s0  }
0xbf: {  	[sflag:s0] =	ssyncadd.remote.s32 $0x1  }
0xc0: {  	_ =	sfence.sel $0xFFFF  }
0xc1: {  	[dreg:$0x0] =	wrdreg $0xFFFFFFFF;
	(pc) =	sbr.abs _section_cstart, $3  }
0xc2: {  	[dreg:$0x1] =	wrdreg $0xFFFFFFFF  }
0xc3: {  	_ =	task.clear_ibuf [dreg:s7], $0x2FFFF;
	_ =	strace $0x9FFFFFFF  }
0xc4: {  	(tm) =	ssettm $0x7FFFFFFF  }
0xc5: {  	_ =	shalt  }
tec
execute0_lowered:
.L_overlay_start_1:
0x0: {  	(tag) =	ssettag $0x1  }
0x1: {  	s1 =	rddreg [dreg:$0x0]  }
0x2: {  	s4 =	rddreg [dreg:$0x1]  }
0x3: {  	s2 =	rddreg [dreg:$0x2]  }
0x4: {  	s3 =	rddreg [dreg:$0x3]  }
0x5: {  	s0 =	srdreg.scid;
	s7 =	stileid.u32  }
0x6: {  	s5 =	simm.s32 $0x0;
	s14 =	sand.u32 $0x1, s0;
	s13 =	smul.u32 $0x278, s7  }
0x7: {  	[smem:$0x7FF] =	sst s5;
	s15 =	sadd.s32 $0x79A00, s4;
	s8 =	smul.u32 $0x13C00, s7  }
0x8: {  	s16 =	sshll.u32 s7, $0x1;
	s11 =	smul.u32 $0x2780, s7;
	s25 =	sadd.s32 $0x3400, s4  }
0x9: {  	s0 =	ssub.s32 $0x2, s14;
	s18 =	sor.u32 s14, s16;
	s16 =	smul.u32 $0x13C000, s14  }
0xa: {  	_ =	strace $0x8000004A;
	s14 =	smul.u32 $0x27800, s14;
	s12 =	sshrl.u32 s0, $0x1  }
0xb: {  	s6 =	sadd.s32 $0x80, s13;
	s17 =	sadd.s32 $0x100, s13;
	s19 =	sadd.s32 $0x180, s13  }
0xc: {  	s0 =	ssub.s32 s0, s12;
	s12 =	sshll.u32 s6, $0x7;
	s5 =	sshll.u32 s6, $0x4  }
0xd: {  	s9 =	sshll.u32 s17, $0x7;
	s10 =	sshll.u32 s17, $0x4;
	s6 =	sshll.u32 s19, $0x7  }
0xe: {  	s7 =	sshll.u32 s19, $0x4;
	s17 =	sadd.s32 s8, s16;
	s19 =	sadd.s32 $0x200, s13  }
0xf: {  	s24 =	sadd.s32 s11, s14;
	s17 =	sshrl.u32 s17, $0x3;
	s20 =	sadd.s32 s16, s12  }
0x10: {  	s13 =	sshll.u32 s19, $0x7;
	s21 =	sadd.s32 s16, s9;
	s22 =	sadd.s32 s16, s6  }
0x11: {  	s26 =	sadd.s32 s14, s5;
	s19 =	sshll.u32 s19, $0x4;
	s28 =	sadd.s32 s6, s2  }
0x12: {  	s29 =	sadd.s32 s7, s3;
	s0 =	smax.u32 s0, $0x1;
	s6 =	simm.s32 $0x300  }
0x13: {  	s17 =	sadd.s32 s15, s17;
	s20 =	sshrl.u32 s20, $0x3;
	s16 =	sadd.s32 s16, s13  }
0x14: {  	s23 =	sshrl.u32 s22, $0x3;
	s22 =	sadd.s32 s14, s7;
	s30 =	sadd.s32 s13, s2  }
0x15: {  	s31 =	sadd.s32 s19, s3;
	[dreg:$0x13] =	wrdreg s0;
	s7 =	simm.s32 $0x4720  }
0x16: {  	s13 =	simm.s32 $0x0;
	[dreg:$0x5] =	wrdreg s17;
	s17 =	sadd.s32 s15, s20  }
0x17: {  	s16 =	sshrl.u32 s16, $0x3;
	[dreg:$0x6] =	wrdreg s17;
	s17 =	sshrl.u32 s21, $0x3  }
0x18: {  	s21 =	sadd.s32 s14, s10;
	s14 =	sadd.s32 s14, s19;
	s17 =	sadd.s32 s15, s17  }
0x19: {  	s20 =	smul.u32 $0x2780, s18;
	s14 =	sshrl.u32 s14, $0x3;
	[dreg:$0x7] =	wrdreg s17  }
0x1a: {  	s17 =	sadd.s32 s15, s23;
	s15 =	sadd.s32 s15, s16;
	s16 =	sshrl.u32 s22, $0x3  }
0x1b: {  	v0 =	vimm.s32 $0x76543210;
	v1 =	vimm.s32 $0xFEDCBA98;
	s14 =	sadd.s32 s25, s14;
	s22 =	sadd.s32 s11, s3;
	[dreg:$0x8] =	wrdreg s17  }
0x1c: {  	v2 =	vimm.s32 $0xBA98FEDC;
	v3 =	vimm.s32 $0x32107654;
	v4 =	vimm.s32 $0xDCFE98BA;
	s11 =	simm.s32 $0x80;
	[dreg:$0x9] =	wrdreg s15;
	s15 =	sshrl.u32 s24, $0x3  }
0x1d: {  	v5 =	vimm.s32 $0x54761032;
	v6 =	vimm.s32 $0xEFCDAB89;
	v7 =	vimm.s32 $0x67452301;
	s17 =	sshrl.u32 s26, $0x3;
	s23 =	sadd.s32 s25, s16;
	[dreg:$0xe] =	wrdreg s14  }
0x1e: {  	v0 =	vunpack.c.l.s4.s8 v0;
	v1 =	vunpack.c.l.s4.s8 v1;
	v2 =	vunpack.c.l.s4.s8 v2;
	s16 =	sadd.s32 $0xD200, s4;
	s24 =	sadd.s32 s5, s3;
	[dreg:$0xd] =	wrdreg s23  }
0x1f: {  	v3 =	vunpack.c.l.s4.s8 v3;
	v4 =	vunpack.c.l.s4.s8 v4;
	v5 =	vunpack.c.l.s4.s8 v5;
	s26 =	sadd.s32 s10, s3;
	s5 =	simm.s32 $0x2;
	[dreg:$0x10] =	wrdreg s24  }
0x20: {  	v6 =	vunpack.c.l.s4.s8 v6;
	v7 =	vunpack.c.l.s4.s8 v7;
	v2 =	vunpack.c.0.s8.s32 v2;
	s10 =	simm.s32 $0x4300;
	s15 =	sadd.s32 s25, s15;
	[dreg:$0x12] =	wrdreg s26  }
0x21: {  	v3 =	vunpack.c.0.s8.s32 v3;
	v4 =	vunpack.c.0.s8.s32 v4;
	v5 =	vunpack.c.0.s8.s32 v5;
	s23 =	sadd.s32 s12, s2;
	[dreg:$0xa] =	wrdreg s15;
	s15 =	sadd.s32 s25, s17  }
0x22: {  	v1 =	vunpack.c.0.s8.s32 v1;
	v6 =	vunpack.c.0.s8.s32 v6;
	v7 =	vunpack.c.0.s8.s32 v7;
	s12 =	simm.s32 $0x1;
	[dreg:$0xb] =	wrdreg s15;
	s15 =	sshrl.u32 s21, $0x3  }
0x23: {  	v0 =	vunpack.c.0.s8.s32 v0;
	v2 =	vcombine.low v3, v2;
	s17 =	sadd.s32 $0x52000, s4;
	s21 =	sadd.s32 s8, s2;
	s15 =	sadd.s32 s25, s15  }
0x24: {  	v3 =	vcombine.low v5, v4;
	v4 =	vcombine.low v7, v6;
	v1 =	vand.u32 $0xF, v1;
	s8 =	simm.s32 $0x200;
	s25 =	sadd.s32 s9, s2;
	[dreg:$0xc] =	wrdreg s15  }
0x25: {  	vm0 =	vmmov $0xf;
	v0 =	vcombine.low v1, v0;
	v1 =	vand.u32 $0xF, v2;
	s15 =	sadd.s32 $0x17200, s4;
	s4 =	sadd.s32 $0x79800, s4;
	[dreg:$0x11] =	wrdreg s25  }
0x26: {  	v2 =	vand.u32 $0xF, v3;
	v3 =	vand.u32 $0xF, v4;
	v4 =	vimm.f32 $0.0e+00;
	s9 =	simm.s32 $0x280;
	[dreg:$0xf] =	wrdreg s4;
	s4 =	simm.s32 $0x4F20  }
.LBB2_1:
0x27: {  	s0 =	simm.s32 $0x0;
	s14 =	rddreg [dreg:$0xf]  }
0x28: {  	[tilespmem:s0], [sflag:$0x2] =	stream.linear.gather [hbm4b:s14+s0], $0x200, $0x38;
	[tilespmem:$0x1B2B0] =	vst v63  }
0x29: {  	_ =	swait.ge [sflag:s5], $0x200  }
0x2a: {  	[sflag:s5] =	ssyncset.done $0x0  }
0x2b: {  	[sflag:s5] =	ssyncadd.s32 $0xFFFFFE00  }
0x2c: {  	v5 =	vld [tilespmem:$0x0]  }
0x2d: {  	v6 =	vld [tilespmem:$0x10]  }
0x2e: {  	v7 =	vld [tilespmem:$0x20]  }
0x2f: {  	v8 =	vld [tilespmem:$0x30]  }
0x30: {  	v9 =	vld [tilespmem:$0x40]  }
0x31: {  	v10 =	vld [tilespmem:$0x50]  }
0x32: {  	v5 =	vmax.f32 v5, v6;
	v6 =	vld [tilespmem:$0x60]  }
0x33: {  	v5 =	vmax.f32 v5, v7;
	v7 =	vld [tilespmem:$0x70]  }
0x34: {  	v5 =	vmax.f32 v5, v8;
	v8 =	vld [tilespmem:$0x80]  }
0x35: {  	v54 =	vld [tilespmem:$0x90];
	v5 =	vmax.f32 v5, v9  }
0x36: {  	v55 =	vld [tilespmem:$0xA0];
	v5 =	vmax.f32 v5, v10  }
0x37: {  	v5 =	vmax.f32 v5, v6;
	v6 =	vld [tilespmem:$0xB0]  }
0x38: {  	v5 =	vmax.f32 v5, v7;
	v7 =	vld [tilespmem:$0xC0]  }
0x39: {  	v5 =	vmax.f32 v5, v8;
	v8 =	vld [tilespmem:$0xD0]  }
0x3a: {  	v56 =	vld [tilespmem:$0xE0];
	v5 =	vmax.f32 v5, v54  }
0x3b: {  	v57 =	vld [tilespmem:$0xF0];
	v5 =	vmax.f32 v5, v55  }
0x3c: {  	v5 =	vmax.f32 v5, v6;
	v6 =	vld [tilespmem:$0x100]  }
0x3d: {  	v5 =	vmax.f32 v5, v7;
	v7 =	vld [tilespmem:$0x110]  }
0x3e: {  	v5 =	vmax.f32 v5, v8;
	v8 =	vld [tilespmem:$0x120]  }
0x3f: {  	v58 =	vld [tilespmem:$0x130];
	v5 =	vmax.f32 v5, v56  }
0x40: {  	v59 =	vld [tilespmem:$0x140];
	v5 =	vmax.f32 v5, v57  }
0x41: {  	v5 =	vmax.f32 v5, v6;
	v6 =	vld [tilespmem:$0x150]  }
0x42: {  	v5 =	vmax.f32 v5, v7;
	v7 =	vld [tilespmem:$0x160]  }
0x43: {  	v5 =	vmax.f32 v5, v8;
	v8 =	vld [tilespmem:$0x170]  }
0x44: {  	v60 =	vld [tilespmem:$0x180];
	v5 =	vmax.f32 v5, v58  }
0x45: {  	v61 =	vld [tilespmem:$0x190];
	v5 =	vmax.f32 v5, v59  }
0x46: {  	v5 =	vmax.f32 v5, v6;
	v6 =	vld [tilespmem:$0x1A0]  }
0x47: {  	v5 =	vmax.f32 v5, v7;
	v7 =	vld [tilespmem:$0x1B0]  }
0x48: {  	v5 =	vmax.f32 v5, v8;
	v8 =	vld [tilespmem:$0x1C0]  }
0x49: {  	v62 =	vld [tilespmem:$0x1D0];
	v5 =	vmax.f32 v5, v60  }
0x4a: {  	v63 =	vld [tilespmem:$0x1E0];
	v5 =	vmax.f32 v5, v61  }
0x4b: {  	v5 =	vmax.f32 v5, v6;
	v6 =	vld [tilespmem:$0x1F0]  }
0x4c: {  	v5 =	vmax.f32 v5, v7  }
0x4d: {  	v5 =	vmax.f32 v5, v8  }
0x4e: {  	v5 =	vmax.f32 v5, v62  }
0x4f: {  	v5 =	vmax.f32 v5, v63  }
0x50: {  	v5 =	vmax.f32 v5, v6  }
0x51: {  	[tilespmem:$0x4F20] =	vst v5  }
0x52: {  	v6 =	vld.idx.msk [tilespmem:v0+s4+$0x0], $0xffff;
	_ =	sdelay $0x4  }
0x53: {  	v5 =	vmax.f32 v5, v6  }
0x54: {  	[tilespmem:$0x4F20] =	vst v5  }
0x55: {  	v6 =	vld.idx.msk [tilespmem:v1+s4+$0x0], $0xffff;
	_ =	sdelay $0x4  }
0x56: {  	v5 =	vmax.f32 v5, v6  }
0x57: {  	[tilespmem:$0x4F20] =	vst v5  }
0x58: {  	v6 =	vld.idx.msk [tilespmem:v2+s4+$0x0], $0xffff;
	_ =	sdelay $0x4  }
0x59: {  	v5 =	vmax.f32 v5, v6  }
0x5a: {  	s0 =	simm.s32 $0x340;
	[tilespmem:$0x4F20] =	vst v5  }
0x5b: {  	v6 =	vld.idx.msk [tilespmem:v3+s4+$0x0], $0xffff;
	[tilespmem:s0+$0xFFFFFFD0] =	vst v4  }
0x5c: {  	[tilespmem:s0+$0xFFFFFFE0] =	vst v4  }
0x5d: {  	[tilespmem:s0+$0xFFFFFFF0] =	vst v4  }
0x5e: {  	[tilespmem:s0+$0x0] =	vst v4  }
0x5f: {  	[tilespmem:s0+$0x10] =	vst v4  }
0x60: {  	[tilespmem:s0+$0x20] =	vst v4  }
0x61: {  	[tilespmem:s0+$0x30] =	vst v4  }
0x62: {  	s18 =	simm.s32 $0x0;
	s14 =	simm.s32 $0x40;
	[tilespmem:s0+$0xFFFFFFC0] =	vst v4  }
.LBB2_2:
0x63: {  	p0 =	sne.s32 s14, $0x1FC0;
	[tilespmem:s18+$0x4720] =	vst v4;
	s0 =	sadd.s32 $0x80, s0  }
0x64: {  	[tilespmem:s0+$0xFFFFFFD0] =	vst v4  }
0x65: {  	[tilespmem:s0+$0xFFFFFFE0] =	vst v4  }
0x66: {  	[tilespmem:s0+$0xFFFFFFF0] =	vst v4  }
.Ltmp0:
0x67: {  	[tilespmem:s0+$0x0] =	vst v4;
	(pc) =	sbr.rel @p0 .LBB2_2-.Ltmp0, $4  }
0x68: {  	[tilespmem:s0+$0x10] =	vst v4  }
0x69: {  	[tilespmem:s0+$0x20] =	vst v4  }
0x6a: {  	[tilespmem:s0+$0x30] =	vst v4  }
0x6b: {  	s18 =	sshra.s32 s14, $0x2;
	s14 =	sadd.s32 $0x40, s14;
	[tilespmem:s0+$0xFFFFFFC0] =	vst v4  }
0x6c: {  	[tilespmem:s18+$0x4720] =	vst v4  }
0x6d: {  	[spmem:s21] =	stream.linear.scatter [tilespmem:s6], [sflag:$0x2], $0x4000, $0x38;
	[tilespmem:$0x1B2B0] =	vst v63  }
0x6e: {  	_ =	swait.ge [sflag:s5], $0x4000  }
0x6f: {  	[sflag:s5] =	ssyncset.done $0x0  }
0x70: {  	[sflag:s5] =	ssyncadd.s32 $0xFFFFC000  }
0x71: {  	[spmem:s22] =	stream.linear.scatter [tilespmem:s7], [sflag:$0x2], $0x800, $0x38;
	[tilespmem:$0x1B2B0] =	vst v63  }
0x72: {  	_ =	swait.ge [sflag:s5], $0x800  }
0x73: {  	[sflag:s5] =	ssyncset.done $0x0  }
0x74: {  	[sflag:s5] =	ssyncadd.s32 $0xFFFFF800  }
0x75: {  	[spmem:s23] =	stream.linear.scatter [tilespmem:s6], [sflag:$0x2], $0x4000, $0x38;
	[tilespmem:$0x1B2B0] =	vst v63  }
0x76: {  	_ =	swait.ge [sflag:s5], $0x4000  }
0x77: {  	[sflag:s5] =	ssyncset.done $0x0  }
0x78: {  	s0 =	rddreg [dreg:$0x10];
	[sflag:s5] =	ssyncadd.s32 $0xFFFFC000  }
0x79: {  	[spmem:s0] =	stream.linear.scatter [tilespmem:s7], [sflag:$0x2], $0x800, $0x38;
	[tilespmem:$0x1B2B0] =	vst v63  }
0x7a: {  	_ =	swait.ge [sflag:s5], $0x800  }
0x7b: {  	[sflag:s5] =	ssyncset.done $0x0  }
0x7c: {  	s25 =	smov.u32 s22;
	s22 =	rddreg [dreg:$0x11];
	[sflag:s5] =	ssyncadd.s32 $0xFFFFF800  }
0x7d: {  	[spmem:s22] =	stream.linear.scatter [tilespmem:s6], [sflag:$0x2], $0x4000, $0x38;
	[tilespmem:$0x1B2B0] =	vst v63  }
0x7e: {  	_ =	swait.ge [sflag:s5], $0x4000  }
0x7f: {  	[sflag:s5] =	ssyncset.done $0x0  }
0x80: {  	s26 =	smov.u32 s23;
	s23 =	rddreg [dreg:$0x12];
	[sflag:s5] =	ssyncadd.s32 $0xFFFFC000  }
0x81: {  	[spmem:s23] =	stream.linear.scatter [tilespmem:s7], [sflag:$0x2], $0x800, $0x38;
	[tilespmem:$0x1B2B0] =	vst v63  }
0x82: {  	_ =	swait.ge [sflag:s5], $0x800  }
0x83: {  	[sflag:s5] =	ssyncset.done $0x0  }
0x84: {  	[sflag:s5] =	ssyncadd.s32 $0xFFFFF800  }
0x85: {  	[spmem:s28] =	stream.linear.scatter [tilespmem:s6], [sflag:$0x2], $0x4000, $0x38;
	[tilespmem:$0x1B2B0] =	vst v63  }
0x86: {  	_ =	swait.ge [sflag:s5], $0x4000  }
0x87: {  	[sflag:s5] =	ssyncset.done $0x0  }
0x88: {  	[sflag:s5] =	ssyncadd.s32 $0xFFFFC000  }
0x89: {  	[spmem:s29] =	stream.linear.scatter [tilespmem:s7], [sflag:$0x2], $0x800, $0x38;
	[tilespmem:$0x1B2B0] =	vst v63  }
0x8a: {  	_ =	swait.ge [sflag:s5], $0x800  }
0x8b: {  	[sflag:s5] =	ssyncset.done $0x0  }
0x8c: {  	[sflag:s5] =	ssyncadd.s32 $0xFFFFF800  }
0x8d: {  	[spmem:s30] =	stream.linear.scatter [tilespmem:s6], [sflag:$0x2], $0x3C00, $0x38;
	[tilespmem:$0x1B2B0] =	vst v63  }
0x8e: {  	_ =	swait.ge [sflag:s5], $0x3C00  }
0x8f: {  	[sflag:s5] =	ssyncset.done $0x0  }
0x90: {  	[sflag:s5] =	ssyncadd.s32 $0xFFFFC400  }
0x91: {  	[spmem:s31] =	stream.linear.scatter [tilespmem:s7], [sflag:$0x2], $0x780, $0x38;
	[tilespmem:$0x1B2B0] =	vst v63  }
0x92: {  	_ =	swait.ge [sflag:s5], $0x780  }
0x93: {  	[sflag:s5] =	ssyncset.done $0x0  }
0x94: {  	s24 =	smov.u32 s21;
	[sflag:s5] =	ssyncadd.s32 $0xFFFFF880  }
0x95: {  	v5 =	vmax.f32 v5, v6;
	s14 =	simm.s32 $0x0;
	s18 =	simm.s32 $0x0;
	[bflag:$0x0] =	sbarrier.arrive $0xFFFF  }
.LBB2_4:
0x96: {  	s0 =	sshll.u32 s18, $0x7  }
0x97: {  	s0 =	sadd.s32 s20, s0  }
0x98: {  	s19 =	sshrl.u32 s0, $0x3  }
0x99: {  	s21 =	sadd.s32 s15, s19  }
0x9a: {  	[tilespmem:s8], [sflag:$0x2] =	stream.linear.gather [hbm4b:s21+s14], $0x80, $0x38;
	[tilespmem:$0x1B2B0] =	vst v63  }
0x9b: {  	_ =	swait.ge [sflag:s5], $0x80  }
0x9c: {  	[sflag:s5] =	ssyncset.done $0x0  }
0x9d: {  	s19 =	sadd.s32 s16, s19;
	[sflag:s5] =	ssyncadd.s32 $0xFFFFFF80  }
0x9e: {  	[tilespmem:s9], [sflag:$0x2] =	stream.linear.gather [hbm4b:s19+s14], $0x80, $0x38;
	[tilespmem:$0x1B2B0] =	vst v63  }
0x9f: {  	_ =	swait.ge [sflag:s5], $0x80  }
0xa0: {  	s0 =	sshrl.u32 s0, $0x1;
	[sflag:s5] =	ssyncset.done $0x0  }
0xa1: {  	s0 =	sadd.s32 s17, s0;
	[sflag:s5] =	ssyncadd.s32 $0xFFFFFF80  }
0xa2: {  	[tilespmem:s10], [sflag:$0x2] =	stream.linear.gather [hbm4b:s0+s14], $0x200, $0x38;
	[tilespmem:$0x1B2B0] =	vst v63  }
0xa3: {  	_ =	swait.ge [sflag:s5], $0x200  }
0xa4: {  	[sflag:s5] =	ssyncset.done $0x0  }
0xa5: {  	s0 =	simm.s32 $0x0;
	[sflag:s5] =	ssyncadd.s32 $0xFFFFFE00  }
0xa6: {  	[tilespmem:s6], [sflag:$0x1] =	stream.indirect.gather [hbm4b:s1+s11], $0x80, s8, s11, $0xb8;
	[tilespmem:$0x1B2B0] =	vst v63  }
0xa7: {  	v6 =	vld [tilespmem:s0+$0x4300];
	_ =	sdelay $0x1  }
0xa8: {  	s19 =	simm.s32 $0x10  }
0xa9: {  	v7 =	vld [tilespmem:s19+$0x4300];
	_ =	sdelay $0x1  }
0xaa: {  	v6 =	vsub.f32 v6, v5;
	_ =	sdelay $0x1  }
0xab: {  	v6 =	vmul.f32 $1.442695020e+00, v6  }
0xac: {  	v7 =	vsub.f32 v7, v5  }
0xad: {  	(erf) = vpow2.f32 v6  }
0xae: {  	v7 =	vmul.f32 $1.442695020e+00, v7  }
0xaf: {  	s21 =	simm.s32 $0x20  }
0xb0: {  	v6 =	vld [tilespmem:s21+$0x4300];
	(erf) = vpow2.f32 v7;
	_ =	sdelay $0x2  }
0xb1: {  	s22 =	simm.s32 $0xC0  }
.LBB2_5:
0xb2: {  	p0 =	sne.s32 s22, $0x7C0  }
.Ltmp1:
0xb3: {  	s23 =	sshra.s32 s22, $0x2;
	s22 =	sadd.s32 $0x40, s22;
	v7 =	vsub.f32 v6, v5;
	(pc) =	sbr.rel @p0 .LBB2_5-.Ltmp1, $4  }
0xb4: {  	v6 =	vld [tilespmem:s23+$0x4300];
	v8 =	vpop (erf)  }
0xb5: {  	v7 =	vmul.f32 $1.442695020e+00, v7;
	[tilespmem:s0+$0x4500] =	vst v8;
	s0 =	smov.u32 s19;
	s19 =	smov.u32 s21;
	s21 =	smov.u32 s23  }
0xb6: {  	_ = 	snop  }
0xb7: {  	(erf) = vpow2.f32 v7  }
0xb8: {  	_ = 	snop  }
0xb9: {  	v6 =	vsub.f32 v6, v5;
	_ =	sdelay $0x1  }
0xba: {  	v6 =	vmul.f32 $1.442695020e+00, v6;
	_ =	sdelay $0x1  }
0xbb: {  	(erf) = vpow2.f32 v6;
	_ =	sdelay $0x6  }
0xbc: {  	v6 =	vpop (erf)  }
0xbd: {  	[tilespmem:s0+$0x4500] =	vst v6;
	v6 =	vpop (erf)  }
0xbe: {  	[tilespmem:s19+$0x4500] =	vst v6;
	v6 =	vpop (erf)  }
0xbf: {  	[tilespmem:s21+$0x4500] =	vst v6  }
0xc0: {  	_ =	swait.ge [sflag:s12], $0x4000  }
0xc1: {  	[sflag:s12] =	ssyncset.done $0x0  }
0xc2: {  	s23 =	simm.s32 $0x0;
	[sflag:s12] =	ssyncadd.s32 $0xFFFFC000  }
0xc3: {  	v6 =	vld [tilespmem:s23+$0x4500];
	_ =	sdelay $0x4  }
0xc4: {  	s0 =	simm.s32 $0x4720;
	v7 =	vnsel vm0, $0x0, v6  }
0xc5: {  	s19 =	simm.s32 $0x340;
	[tilespmem:s0+$0x0] =	vst v7  }
0xc6: {  	v15 =	vld [tilespmem:s19+$0x30]  }
0xc7: {  	v14 =	vld [tilespmem:s19+$0xFFFFFFE0]  }
0xc8: {  	v12 =	vld [tilespmem:s19+$0x10]  }
0xc9: {  	v9 =	vbroadcast v6, $0x3;
	v8 =	vld [tilespmem:s19+$0x20]  }
0xca: {  	v7 =	vbroadcast v6, $0x1;
	v11 =	vld [tilespmem:s19+$0x0]  }
0xcb: {  	s22 =	simm.s32 $0x340;
	s21 =	simm.s32 $0x10;
	v13 =	vbroadcast v6, $0x2;
	v10 =	vld [tilespmem:s19+$0xFFFFFFD0];
	v15 =	vmul.f32 v15, v9  }
.LBB2_7:
0xcc: {  	p0 =	sne.s32 s21, $0x7F0;
	v14 =	vmul.f32 v14, v7;
	v16 =	vld [tilespmem:s19+$0xFFFFFFF0];
	s0 =	sadd.s32 $0x10, s0;
	s22 =	sadd.s32 $0x80, s22  }
0xcd: {  	s23 =	smov.u32 s21;
	s21 =	sadd.s32 $0x10, s21;
	v17 =	vld [tilespmem:s19+$0xFFFFFFC0];
	v12 =	vmul.f32 v12, v13;
	[tilespmem:s19+$0x30] =	vst v15  }
0xce: {  	v6 =	vbroadcast v6, $0x0;
	[tilespmem:s19+$0xFFFFFFE0] =	vst v14;
	v8 =	vmul.f32 v8, v9  }
0xcf: {  	v9 =	vmul.f32 v11, v13;
	[tilespmem:s19+$0x10] =	vst v12  }
0xd0: {  	v10 =	vmul.f32 v10, v6;
	[tilespmem:s19+$0x20] =	vst v8  }
0xd1: {  	v7 =	vmul.f32 v16, v7;
	[tilespmem:s19+$0x0] =	vst v9  }
0xd2: {  	v6 =	vmul.f32 v17, v6;
	[tilespmem:s19+$0xFFFFFFD0] =	vst v10  }
0xd3: {  	s23 =	sshra.s32 s23, $0x2;
	[tilespmem:s19+$0xFFFFFFF0] =	vst v7  }
0xd4: {  	[tilespmem:s19+$0xFFFFFFC0] =	vst v6;
	s19 =	smov.u32 s22  }
0xd5: {  	v6 =	vld [tilespmem:s23+$0x4500];
	_ =	sdelay $0x4  }
0xd6: {  	v7 =	vnsel vm0, $0x0, v6  }
0xd7: {  	[tilespmem:s0+$0x0] =	vst v7  }
0xd8: {  	v15 =	vld [tilespmem:s22+$0x30]  }
.Ltmp2:
0xd9: {  	v14 =	vld [tilespmem:s22+$0xFFFFFFE0];
	(pc) =	sbr.rel @p0 .LBB2_7-.Ltmp2, $4  }
0xda: {  	v12 =	vld [tilespmem:s22+$0x10]  }
0xdb: {  	v9 =	vbroadcast v6, $0x3;
	v8 =	vld [tilespmem:s22+$0x20]  }
0xdc: {  	v7 =	vbroadcast v6, $0x1;
	v11 =	vld [tilespmem:s22+$0x0]  }
0xdd: {  	v13 =	vbroadcast v6, $0x2;
	v10 =	vld [tilespmem:s22+$0xFFFFFFD0];
	v15 =	vmul.f32 v15, v9  }
0xde: {  	v14 =	vmul.f32 v14, v7;
	v16 =	vld [tilespmem:s19+$0xFFFFFFF0]  }
0xdf: {  	v17 =	vld [tilespmem:s19+$0xFFFFFFC0];
	v12 =	vmul.f32 v12, v13;
	[tilespmem:s19+$0x30] =	vst v15  }
0xe0: {  	v6 =	vbroadcast v6, $0x0;
	[tilespmem:s19+$0xFFFFFFE0] =	vst v14;
	v8 =	vmul.f32 v8, v9  }
0xe1: {  	v63 =	vmul.f32 v11, v13;
	[tilespmem:s19+$0x10] =	vst v12  }
0xe2: {  	v10 =	vmul.f32 v10, v6;
	[tilespmem:s19+$0x20] =	vst v8  }
0xe3: {  	v7 =	vmul.f32 v16, v7;
	[tilespmem:s19+$0x0] =	vst v63  }
0xe4: {  	v6 =	vmul.f32 v17, v6;
	[tilespmem:s19+$0xFFFFFFD0] =	vst v10  }
0xe5: {  	[tilespmem:s19+$0xFFFFFFF0] =	vst v7  }
0xe6: {  	[tilespmem:s19+$0xFFFFFFC0] =	vst v6  }
0xe7: {  	[spmem:s2] =	stream.indirect.scatter.add.f32 [tilespmem:s6], [sflag:$0x2], $0x80, s9, s11, $0xb8;
	[tilespmem:$0x1B2B0] =	vst v63  }
0xe8: {  	s18 =	sadd.s32 $0x1, s18;
	_ =	swait.ge [sflag:s5], $0x4000  }
0xe9: {  	p0 =	sne.s32 s18, $0x4F;
	[sflag:s5] =	ssyncset.done $0x0  }
.Ltmp3:
0xea: {  	[sflag:s5] =	ssyncadd.s32 $0xFFFFC000;
	(pc) =	sbr.rel @p0 .LBB2_4-.Ltmp3, $4  }
0xeb: {  	[spmem:s3] =	stream.indirect.scatter.add.f32 [tilespmem:s7], [sflag:$0x2], $0x10, s9, s11, $0xb8;
	[tilespmem:$0x1B2B0] =	vst v63  }
0xec: {  	_ =	swait.ge [sflag:s5], $0x800  }
0xed: {  	[sflag:s5] =	ssyncset.done $0x0  }
0xee: {  	[sflag:s5] =	ssyncadd.s32 $0xFFFFF800  }
0xef: {  	s0 =	stileid.u32  }
0xf0: {  	[bflag:$0x0] =	sbarrier.arrive $0xFFFF;
	s0 =	sshll.u32 s0, $0x6  }
0xf1: {  	s14 =	sshrl.u32 s24, $0x3;
	s18 =	rddreg [dreg:$0x5];
	s0 =	sor.u32 $0x1C02, s0  }
0xf2: {  	[hbm:s18], [sflag:s0] =	dma.local [spmem:s14], $0x800  }
0xf3: {  	_ =	swait.ge [sflag:s5], $0x800  }
0xf4: {  	s21 =	smov.u32 s24;
	s22 =	smov.u32 s25;
	[sflag:s5] =	ssyncset.done $0x0  }
0xf5: {  	s24 =	sshrl.u32 s25, $0x3;
	s25 =	rddreg [dreg:$0xa];
	[sflag:s5] =	ssyncadd.s32 $0xFFFFF800  }
0xf6: {  	[hbm:s25], [sflag:s0] =	dma.local [spmem:s24], $0x100  }
0xf7: {  	_ =	swait.ge [sflag:s5], $0x100  }
0xf8: {  	[sflag:s5] =	ssyncset.done $0x0  }
0xf9: {  	s19 =	sshrl.u32 s26, $0x3;
	s24 =	rddreg [dreg:$0x6];
	[sflag:s5] =	ssyncadd.s32 $0xFFFFFF00  }
0xfa: {  	[hbm:s24], [sflag:s0] =	dma.local [spmem:s19], $0x800  }
0xfb: {  	_ =	swait.ge [sflag:s5], $0x800  }
0xfc: {  	s23 =	smov.u32 s26;
	[sflag:s5] =	ssyncset.done $0x0;
	s25 =	rddreg [dreg:$0x10]  }
0xfd: {  	s26 =	rddreg [dreg:$0xb];
	[sflag:s5] =	ssyncadd.s32 $0xFFFFF800;
	s14 =	sshrl.u32 s25, $0x3  }
0xfe: {  	[hbm:s26], [sflag:s0] =	dma.local [spmem:s14], $0x100  }
0xff: {  	_ =	swait.ge [sflag:s5], $0x100  }
0x100: {  	[sflag:s5] =	ssyncset.done $0x0;
	s19 =	rddreg [dreg:$0x11]  }
0x101: {  	s24 =	rddreg [dreg:$0x7];
	[sflag:s5] =	ssyncadd.s32 $0xFFFFFF00;
	s14 =	sshrl.u32 s19, $0x3  }
0x102: {  	[hbm:s24], [sflag:s0] =	dma.local [spmem:s14], $0x800  }
0x103: {  	_ =	swait.ge [sflag:s5], $0x800  }
0x104: {  	[sflag:s5] =	ssyncset.done $0x0;
	s25 =	rddreg [dreg:$0x12]  }
0x105: {  	s26 =	rddreg [dreg:$0xc];
	[sflag:s5] =	ssyncadd.s32 $0xFFFFF800;
	s14 =	sshrl.u32 s25, $0x3  }
0x106: {  	[hbm:s26], [sflag:s0] =	dma.local [spmem:s14], $0x100  }
0x107: {  	_ =	swait.ge [sflag:s5], $0x100  }
0x108: {  	[sflag:s5] =	ssyncset.done $0x0  }
0x109: {  	s19 =	sshrl.u32 s28, $0x3;
	s24 =	rddreg [dreg:$0x8];
	[sflag:s5] =	ssyncadd.s32 $0xFFFFFF00  }
0x10a: {  	[hbm:s24], [sflag:s0] =	dma.local [spmem:s19], $0x800  }
0x10b: {  	_ =	swait.ge [sflag:s5], $0x800  }
0x10c: {  	[sflag:s5] =	ssyncset.done $0x0  }
0x10d: {  	s25 =	sshrl.u32 s29, $0x3;
	s26 =	rddreg [dreg:$0xd];
	[sflag:s5] =	ssyncadd.s32 $0xFFFFF800  }
0x10e: {  	[hbm:s26], [sflag:s0] =	dma.local [spmem:s25], $0x100  }
0x10f: {  	_ =	swait.ge [sflag:s5], $0x100  }
0x110: {  	[sflag:s5] =	ssyncset.done $0x0  }
0x111: {  	s18 =	sshrl.u32 s30, $0x3;
	s19 =	rddreg [dreg:$0x9];
	[sflag:s5] =	ssyncadd.s32 $0xFFFFFF00  }
0x112: {  	[hbm:s19], [sflag:s0] =	dma.local [spmem:s18], $0x780  }
0x113: {  	_ =	swait.ge [sflag:s5], $0x780  }
0x114: {  	[sflag:s5] =	ssyncset.done $0x0  }
0x115: {  	s24 =	sshrl.u32 s31, $0x3;
	s25 =	rddreg [dreg:$0xe];
	[sflag:s5] =	ssyncadd.s32 $0xFFFFF880  }
0x116: {  	[hbm:s25], [sflag:s0] =	dma.local [spmem:s24], $0xF0  }
0x117: {  	_ =	swait.ge [sflag:s5], $0xF0  }
0x118: {  	s13 =	sadd.s32 $0x1, s13;
	s26 =	rddreg [dreg:$0x13]  }
0x119: {  	p0 =	sne.s32 s13, s26  }
.Ltmp4:
0x11a: {  	_ = 	snop;
	(pc) =	sbr.rel @p0 .LBB2_1-.Ltmp4, $3  }
0x11b: {  	_ =	sdelay $0x1  }
0x11c: {  	[sflag:s5] =	ssyncset.done $0x0  }
0x11d: {  	[sflag:s5] =	ssyncadd.s32 $0xFFFFFF10  }
0x11e: {  	_ =	sfence.sel $0x180000  }
0x11f: {  	[bflag:$0x0] =	sbarrier.arrive $0xFFFF  }
0x120: {  	_ =	strace $0x9000004A  }
0x121: {  	s0 =	stileid.u32;
	[bflag:$0x2] =	sbarrier.arrive $0xFFFF  }
0x122: {  	p0 =	sne.s32 s0, $0x0;
	s0 =	rddreg [dreg:$0x4]  }
0x123: {  	s0 =	sadd.s32 @!p0 $0x100000, s0  }
0x124: {  	[sflag:s0] =	ssyncadd.tile.s32 @!p0 $0x1;
	_ =	shalt  }
.Lfunc_end2:
_tile_overlayer_lowered:
.L_overlay_start_2:
0x125: {  	(tag) =	ssettag $0x2  }
0x126: {  	s0 =	rddreg [dreg:$0x0];
	s2 =	stileid.u32  }
0x127: {  	s1 =	rddreg [dreg:$0x1];
	p0 =	sne.s32 s2, $0x0  }
0x128: {  	s3 =	rddreg [dreg:$0x2];
	[bflag:$0x3] =	sbarrier.arrive $0xFFFF;
	s2 =	simm.s32 @!p0 $0x1C02  }
0x129: {  	[timem:s3], [sflag:s2] =	dma.local @!p0 [hbm:s0], s1  }
0x12a: {  	s0 =	simm.s32 @!p0 $0x2  }
0x12b: {  	_ =	swait.ge @!p0 [sflag:s0], s1  }
0x12c: {  	s1 =	ssub.s32 @!p0 $0x0, s1;
	[sflag:s0] =	ssyncset.done @!p0 $0x0  }
0x12d: {  	[sflag:s0] =	ssyncadd.s32 @!p0 s1  }
0x12e: {  	[bflag:$0x3] =	sbarrier.arrive $0xFFFF  }
0x12f: {  	_ =	shalt  }

</sc_bundles>
